<compile_context>
chip_gen: v7x
topology: tpu7x:2x2x1
jax: 0.10.2.dev20260603
libtpu: 0.0.44.dev20260713+nightly
codegen_flags: <defaults>
</compile_context>

<pallas_src>
import functools

import jax
import jax.numpy as jnp
from jax import lax
from jax.experimental import pallas as pl
from jax.experimental.pallas import tpu as pltpu
from jax.experimental.pallas import tpu_sc as plsc

N_NODES = 10000
N_EDGES = 160000
D = 128

NC = 2
NS = 16
NW = NC * NS

NP = 10240
ZROW = N_NODES
PADNODE = NP - 1
EP = 163840
EPT = EP // NW
ECHUNK = 128
NCHUNK = EPT // ECHUNK

RPT = NP // NS

_mesh = plsc.VectorSubcoreMesh(core_axis_name="c", subcore_axis_name="s")
_sc_params = pltpu.CompilerParams(needs_layout_passes=False)


def _zero_f32(ref, n):
    def body(i, _):
        ref[pl.ds(i * 16, 16)] = jnp.zeros((16,), jnp.float32)
        return 0
    lax.fori_loop(0, n // 16, body, 0)


@functools.partial(
    pl.kernel,
    mesh=_mesh,
    compiler_params=_sc_params,
    out_type=[
        jax.ShapeDtypeStruct((NP,), jnp.float32),
        jax.ShapeDtypeStruct((NC, NP), jnp.float32),
        jax.ShapeDtypeStruct((2 * EP,), jnp.int32),
    ],
    scratch_types=[
        pltpu.VMEM((4, 128), jnp.int32),
        pltpu.VMEM((128,), jnp.float32),
        pltpu.VMEM((128,), jnp.int32),
        pltpu.VMEM((128,), jnp.int32),
        pltpu.VMEM((128,), jnp.float32),
        pltpu.VMEM((256,), jnp.int32),
        pltpu.VMEM((NP,), jnp.float32),
        pltpu.VMEM((RPT,), jnp.float32),
        pltpu.VMEM_SHARED((NP,), jnp.float32),
        pltpu.VMEM_SHARED((NP,), jnp.float32),
    ],
)
def _prologue(cids_hbm, src_hbm, dst_hbm, member_hbm, deg_hbm, sd2_hbm,
              cid_v, ones_v, sbuf, dbuf, msbuf, sd2buf, local_m, zrows,
              shared_m, shared_deg):
    cidx = lax.axis_index("c")
    sidx = lax.axis_index("s")
    wid = sidx * NC + cidx

    _zero_f32(zrows, RPT)
    pltpu.sync_copy(zrows, shared_m.at[pl.ds(sidx * RPT, RPT)])
    pltpu.sync_copy(zrows, shared_deg.at[pl.ds(sidx * RPT, RPT)])

    def obody(i, _):
        ones_v[pl.ds(i * 16, 16)] = jnp.ones((16,), jnp.float32)
        return 0
    lax.fori_loop(0, 128 // 16, obody, 0)
    plsc.subcore_barrier()

    pltpu.sync_copy(cids_hbm.at[pl.ds(sidx * 4, 4)], cid_v)
    for j in range(4):
        pltpu.sync_copy(ones_v, shared_m.at[cid_v.at[j]])
    plsc.subcore_barrier()

    pltpu.sync_copy(shared_m, local_m)

    ii = lax.broadcasted_iota(jnp.int32, (16,), 0)
    zv = jnp.full((16,), ZROW, jnp.int32)

    def chunk(i, _):
        base = wid * EPT + i * ECHUNK
        pltpu.sync_copy(src_hbm.at[pl.ds(base, ECHUNK)], sbuf)
        pltpu.sync_copy(dst_hbm.at[pl.ds(base, ECHUNK)], dbuf)
        for j in range(ECHUNK // 16):
            s = sbuf[pl.ds(j * 16, 16)]
            d = dbuf[pl.ds(j * 16, 16)]
            ms = plsc.load_gather(local_m, [s])
            md = plsc.load_gather(local_m, [d])
            s2 = jnp.where(md > 0.0, s, zv)
            d2 = jnp.where(ms > 0.0, d, zv)
            pos = j * 32 + 2 * ii
            plsc.store_scatter(sd2buf, [pos], s2)
            plsc.store_scatter(sd2buf, [pos + 1], d2)
            msbuf[pl.ds(j * 16, 16)] = ms
        pltpu.sync_copy(sd2buf, sd2_hbm.at[pl.ds(2 * base, 2 * ECHUNK)])
        pltpu.sync_copy(msbuf, shared_deg.at[dbuf], add=True)
        return 0
    lax.fori_loop(0, NCHUNK, chunk, 0)
    plsc.subcore_barrier()

    @pl.when(cidx == 0)
    def _():
        pltpu.sync_copy(shared_m.at[pl.ds(sidx * RPT, RPT)],
                        member_hbm.at[pl.ds(sidx * RPT, RPT)])
    pltpu.sync_copy(shared_deg.at[pl.ds(sidx * RPT, RPT)],
                    deg_hbm.at[cidx, pl.ds(sidx * RPT, RPT)])


@functools.partial(
    pl.kernel,
    mesh=_mesh,
    compiler_params=_sc_params,
    out_type=jax.ShapeDtypeStruct((NC, NP, D), jnp.float32),
    scratch_types=[
        pltpu.VMEM((128,), jnp.int32),
        pltpu.VMEM((128,), jnp.int32),
        pltpu.VMEM((ECHUNK, D), jnp.float32),
        pltpu.VMEM_SHARED((NP, D), jnp.float32),
        pltpu.SemaphoreType.DMA,
    ],
)
def _agg(xn_hbm, src_hbm, dst_hbm, agg_hbm, sbuf, dbuf, rows_v, shared_acc, sem):
    cidx = lax.axis_index("c")
    sidx = lax.axis_index("s")
    wid = sidx * NC + cidx

    def zrow(i, _):
        for j in range(D // 16):
            rows_v[i, pl.ds(j * 16, 16)] = jnp.zeros((16,), jnp.float32)
        return 0
    lax.fori_loop(0, ECHUNK, zrow, 0)
    for k in range(RPT // ECHUNK):
        pltpu.sync_copy(rows_v, shared_acc.at[pl.ds(sidx * RPT + k * ECHUNK, ECHUNK)])
    plsc.subcore_barrier()

    def chunk(i, _):
        base = wid * EPT + i * ECHUNK
        pltpu.sync_copy(src_hbm.at[pl.ds(base, ECHUNK)], sbuf)
        pltpu.sync_copy(dst_hbm.at[pl.ds(base, ECHUNK)], dbuf)
        pltpu.async_copy(xn_hbm.at[sbuf], rows_v, sem).wait()
        pltpu.sync_copy(rows_v, shared_acc.at[dbuf], add=True)
        return 0
    lax.fori_loop(0, NCHUNK, chunk, 0)
    plsc.subcore_barrier()

    pltpu.sync_copy(shared_acc.at[pl.ds(sidx * RPT, RPT)],
                    agg_hbm.at[cidx, pl.ds(sidx * RPT, RPT)])


_NBLK = N_EDGES // ECHUNK
_BPT = _NBLK // NW
_BREM = _NBLK - _BPT * NW


@functools.partial(
    pl.kernel,
    mesh=_mesh,
    compiler_params=_sc_params,
    out_type=jax.ShapeDtypeStruct((2 * N_EDGES, D), jnp.float32),
    scratch_types=[
        pltpu.VMEM((2, 128), jnp.int32),
        pltpu.VMEM((2 * ECHUNK, D), jnp.float32),
        pltpu.SemaphoreType.DMA,
        pltpu.SemaphoreType.DMA,
    ],
)
def _triples(h_hbm, sd2_hbm, out_hbm, idx_v, rows_v, sem0, sem1):
    cidx = lax.axis_index("c")
    sidx = lax.axis_index("s")
    wid = sidx * NC + cidx

    def do_block(b):
        pltpu.sync_copy(sd2_hbm.at[b], idx_v)
        cp0 = pltpu.async_copy(h_hbm.at[idx_v.at[0]], rows_v.at[pl.ds(0, 128)], sem0)
        cp1 = pltpu.async_copy(h_hbm.at[idx_v.at[1]], rows_v.at[pl.ds(128, 128)], sem1)
        cp0.wait()
        cp1.wait()
        pltpu.sync_copy(rows_v, out_hbm.at[pl.ds(b * 2 * ECHUNK, 2 * ECHUNK)])

    def chunk(i, _):
        do_block(wid * _BPT + i)
        return 0
    lax.fori_loop(0, _BPT, chunk, 0)

    @pl.when(wid < _BREM)
    def _():
        do_block(NW * _BPT + wid)


_R = 512


def _k1_body(emb_ref, m_ref, ws_ref, wn_ref, xs_ref, xn_ref):
    x = emb_ref[...] * m_ref[...]
    xs_ref[...] = jnp.dot(x, ws_ref[...], preferred_element_type=jnp.float32)
    xn_ref[...] = jnp.dot(x, wn_ref[...], preferred_element_type=jnp.float32)


def _k2_body(xs_ref, aa_ref, ab_ref, da_ref, db_ref, m_ref, ws_ref, wn_ref,
             xs2_ref, xn2_ref):
    deg = da_ref[...] + db_ref[...]
    norm = 1.0 / jnp.maximum(deg, 1.0)
    h = jnp.maximum(xs_ref[...] + (aa_ref[...] + ab_ref[...]) * norm, 0.0)
    h = h * m_ref[...]
    xs2_ref[...] = jnp.dot(h, ws_ref[...], preferred_element_type=jnp.float32)
    xn2_ref[...] = jnp.dot(h, wn_ref[...], preferred_element_type=jnp.float32)


def _k3_body(xs_ref, aa_ref, ab_ref, da_ref, db_ref, m_ref, h_ref):
    deg = da_ref[...] + db_ref[...]
    norm = 1.0 / jnp.maximum(deg, 1.0)
    h = jnp.maximum(xs_ref[...] + (aa_ref[...] + ab_ref[...]) * norm, 0.0)
    h_ref[...] = h * m_ref[...]


_row_spec = pl.BlockSpec((_R, D), lambda i: (i, 0))
_col_spec = pl.BlockSpec((_R, 1), lambda i: (i, 0))
_w_spec = pl.BlockSpec((D, D), lambda i: (0, 0))
_grid = (NP // _R,)
_rowD = jax.ShapeDtypeStruct((NP, D), jnp.float32)

_k1 = pl.pallas_call(
    _k1_body, grid=_grid,
    in_specs=[_row_spec, _col_spec, _w_spec, _w_spec],
    out_specs=[_row_spec, _row_spec],
    out_shape=[_rowD, _rowD],
)

_k2 = pl.pallas_call(
    _k2_body, grid=_grid,
    in_specs=[_row_spec, _row_spec, _row_spec, _col_spec, _col_spec, _col_spec,
              _w_spec, _w_spec],
    out_specs=[_row_spec, _row_spec],
    out_shape=[_rowD, _rowD],
)

_k3 = pl.pallas_call(
    _k3_body, grid=_grid,
    in_specs=[_row_spec, _row_spec, _row_spec, _col_spec, _col_spec, _col_spec],
    out_specs=_row_spec,
    out_shape=_rowD,
)


def kernel(concept_ids, edge_index, concept_embedding,
           W1_self, W1_nbr, W2_self, W2_nbr):
    cids = concept_ids.reshape(64, 128)
    epad = jnp.full((EP - N_EDGES,), PADNODE, jnp.int32)
    src_p = jnp.concatenate([edge_index[0], epad])
    dst_p = jnp.concatenate([edge_index[1], epad])
    emb_p = jnp.pad(concept_embedding, ((0, NP - N_NODES), (0, 0)))

    member, deg2, sd2 = _prologue(cids, src_p, dst_p)
    m_col = member.reshape(NP, 1)
    da = deg2[0].reshape(NP, 1)
    db = deg2[1].reshape(NP, 1)

    xs1, xn1 = _k1(emb_p, m_col, W1_self, W1_nbr)
    agg1 = _agg(xn1, src_p, dst_p)
    xs2, xn2 = _k2(xs1, agg1[0], agg1[1], da, db, m_col, W2_self, W2_nbr)
    agg2 = _agg(xn2, src_p, dst_p)
    h2 = _k3(xs2, agg2[0], agg2[1], da, db, m_col)

    triples = _triples(h2, sd2.reshape(EP // ECHUNK, 2, 128))
    return triples.reshape(N_EDGES, 2 * D)

# --- scband reference (transcript-rebuilt; emitter-appended) ---
"""Pipeline reference for scband-hetero-encoder-45148696215905 (READ-ONLY COPY).

The authoritative reference and input builder live on the scoring server;
editing this copy changes nothing except your own understanding.
"""

import jax, jax.numpy as jnp
import numpy as np

N_NODES = 10000
N_EDGES = 160000
D = 128


def setup_inputs(seed: int = 0) -> dict:
    key = jax.random.key(seed)
    ks = jax.random.split(key, 8)
    concept_ids = jax.random.randint(ks[0], (256, 32), 0, N_NODES, dtype=jnp.int32)
    edge_index = jax.random.randint(ks[1], (2, N_EDGES), 0, N_NODES, dtype=jnp.int32)
    concept_embedding = jax.random.normal(ks[2], (N_NODES, D), dtype=jnp.float32)
    scale = 1.0 / np.sqrt(D)
    W1_self = jax.random.normal(ks[3], (D, D), dtype=jnp.float32) * scale
    W1_nbr = jax.random.normal(ks[4], (D, D), dtype=jnp.float32) * scale
    W2_self = jax.random.normal(ks[5], (D, D), dtype=jnp.float32) * scale
    W2_nbr = jax.random.normal(ks[6], (D, D), dtype=jnp.float32) * scale
    return {
        "concept_ids": concept_ids,
        "edge_index": edge_index,
        "concept_embedding": concept_embedding,
        "W1_self": W1_self,
        "W1_nbr": W1_nbr,
        "W2_self": W2_self,
        "W2_nbr": W2_nbr,
    }


def _gnn_layer(x, src, dst, emask, W_self, W_nbr, n_nodes):
    # GraphConv-style hetero layer restricted to the induced subgraph
    msg = (x[src] @ W_nbr) * emask[:, None]
    agg = jnp.zeros_like(x).at[dst].add(msg)
    deg = jnp.zeros((n_nodes,), dtype=x.dtype).at[dst].add(emask)
    norm = 1.0 / jnp.clip(deg, 1.0, None)
    return jax.nn.relu(x @ W_self + agg * norm[:, None])


def reference(concept_ids, edge_index, concept_embedding, W1_self, W1_nbr, W2_self, W2_nbr):
    n_nodes = concept_embedding.shape[0]
    # subset = torch.unique(cat(concept_ids)) -> membership mask (idempotent scatter)
    flat = concept_ids.reshape(-1)
    member = jnp.zeros((n_nodes,), dtype=bool).at[flat].set(True)
    memberf = member.astype(concept_embedding.dtype)

    # hetero_subgraph: restrict node features + edges to the subset
    x = concept_embedding * memberf[:, None]
    src = edge_index[0]
    dst = edge_index[1]
    emask = (member[src] & member[dst]).astype(concept_embedding.dtype)

    # 2-layer HeteroGNN over the 'concept' node type
    h = _gnn_layer(x, src, dst, emask, W1_self, W1_nbr, n_nodes)
    h = _gnn_layer(h, src, dst, emask, W2_self, W2_nbr, n_nodes)

    # singles_to_triples: one embedding per (head, relation, tail) edge in subgraph
    triples = jnp.concatenate([h[src], h[dst]], axis=-1) * emask[:, None]
    return triples

if __name__ == "__main__":
    import jax
    _d = setup_inputs()
    print(jax.jit(kernel)(*tuple(_d.values())))

</pallas_src>

<mosaic_0001>
#map = affine_map<(d0, d1) -> (0, 0)>
#map1 = affine_map<(d0, d1) -> (0)>
#map2 = affine_map<(d0, d1) -> (0, 0, 0)>
module attributes {stable_mosaic.version = 14 : i64} {
  func.func @_agg(%arg0: i32, %arg1: i32, %arg2: memref<10240x128xf32, #tpu.memory_space<hbm>>, %arg3: memref<163840xi32, #tpu.memory_space<hbm>>, %arg4: memref<163840xi32, #tpu.memory_space<hbm>>, %arg5: memref<2x10240x128xf32, #tpu.memory_space<hbm>>, %arg6: memref<128xi32, #tpu.memory_space<vmem>>, %arg7: memref<128xi32, #tpu.memory_space<vmem>>, %arg8: memref<128x128xf32, #tpu.memory_space<vmem>>, %arg9: memref<10240x128xf32, #tpu.memory_space<vmem_shared>>, %arg10: memref<!tpu.dma_semaphore, #tpu.memory_space<semaphore_mem>>) attributes {dimension_semantics = [#tpu.dimension_semantics<core_parallel>, #tpu.dimension_semantics<subcore_parallel>], iteration_bounds = array<i64: 2, 16>, scalar_prefetch = 0 : i64, scratch_operands = 5 : i64, tpu.core_type = #tpu.core_type<sc_vector_subcore>, window_params = [{transform_indices = #map}, {transform_indices = #map1}, {transform_indices = #map1}, {transform_indices = #map2}]} {
    %mul3A = arith.constant 2 : i32
    %mul3A_0 = arith.muli %arg1, %mul3A : i32
    %add3A = arith.addi %mul3A_0, %arg0 : i32
    %scan3A = arith.constant 0 : i32
    %scan3A_1 = arith.constant 0 : i32
    %scan3A_2 = arith.constant 128 : i32
    %scan3A_3 = arith.addi %scan3A_1, %scan3A_2 : i32
    %scan3A_4 = arith.constant 1 : i32
    %scan3A_5 = scf.for %scan3A_39 = %scan3A_1 to %scan3A_3 step %scan3A_4 iter_args(%scan3A_40 = %scan3A) -> (i32)  : i32 {
      %broadcast_in_dim3A = arith.constant 0.000000e+00 : f32
      %broadcast_in_dim3A_41 = vector.broadcast %broadcast_in_dim3A : f32 to vector<16xf32>
      %swap3A = arith.index_cast %scan3A_39 : i32 to index
      %swap3A_42 = arith.constant 0 : index
      %swap3A_43 = tpu.vector_load %arg8[%swap3A, %swap3A_42] {strides = array<i32>} : memref<128x128xf32, #tpu.memory_space<vmem>>, vector<16xf32>,
      tpu.vector_store %arg8[%swap3A, %swap3A_42], %broadcast_in_dim3A_41 {strides = array<i32>} : memref<128x128xf32, #tpu.memory_space<vmem>>, vector<16xf32>,
      %broadcast_in_dim3A_44 = arith.constant 0.000000e+00 : f32
      %broadcast_in_dim3A_45 = vector.broadcast %broadcast_in_dim3A_44 : f32 to vector<16xf32>
      %swap3A_46 = arith.index_cast %scan3A_39 : i32 to index
      %swap3A_47 = arith.constant 16 : index
      %swap3A_48 = tpu.vector_load %arg8[%swap3A_46, %swap3A_47] {strides = array<i32>} : memref<128x128xf32, #tpu.memory_space<vmem>>, vector<16xf32>,
      tpu.vector_store %arg8[%swap3A_46, %swap3A_47], %broadcast_in_dim3A_45 {strides = array<i32>} : memref<128x128xf32, #tpu.memory_space<vmem>>, vector<16xf32>,
      %broadcast_in_dim3A_49 = arith.constant 0.000000e+00 : f32
      %broadcast_in_dim3A_50 = vector.broadcast %broadcast_in_dim3A_49 : f32 to vector<16xf32>
      %swap3A_51 = arith.index_cast %scan3A_39 : i32 to index
      %swap3A_52 = arith.constant 32 : index
      %swap3A_53 = tpu.vector_load %arg8[%swap3A_51, %swap3A_52] {strides = array<i32>} : memref<128x128xf32, #tpu.memory_space<vmem>>, vector<16xf32>,
      tpu.vector_store %arg8[%swap3A_51, %swap3A_52], %broadcast_in_dim3A_50 {strides = array<i32>} : memref<128x128xf32, #tpu.memory_space<vmem>>, vector<16xf32>,
      %broadcast_in_dim3A_54 = arith.constant 0.000000e+00 : f32
      %broadcast_in_dim3A_55 = vector.broadcast %broadcast_in_dim3A_54 : f32 to vector<16xf32>
      %swap3A_56 = arith.index_cast %scan3A_39 : i32 to index
      %swap3A_57 = arith.constant 48 : index
      %swap3A_58 = tpu.vector_load %arg8[%swap3A_56, %swap3A_57] {strides = array<i32>} : memref<128x128xf32, #tpu.memory_space<vmem>>, vector<16xf32>,
      tpu.vector_store %arg8[%swap3A_56, %swap3A_57], %broadcast_in_dim3A_55 {strides = array<i32>} : memref<128x128xf32, #tpu.memory_space<vmem>>, vector<16xf32>,
      %broadcast_in_dim3A_59 = arith.constant 0.000000e+00 : f32
      %broadcast_in_dim3A_60 = vector.broadcast %broadcast_in_dim3A_59 : f32 to vector<16xf32>
      %swap3A_61 = arith.index_cast %scan3A_39 : i32 to index
      %swap3A_62 = arith.constant 64 : index
      %swap3A_63 = tpu.vector_load %arg8[%swap3A_61, %swap3A_62] {strides = array<i32>} : memref<128x128xf32, #tpu.memory_space<vmem>>, vector<16xf32>,
      tpu.vector_store %arg8[%swap3A_61, %swap3A_62], %broadcast_in_dim3A_60 {strides = array<i32>} : memref<128x128xf32, #tpu.memory_space<vmem>>, vector<16xf32>,
      %broadcast_in_dim3A_64 = arith.constant 0.000000e+00 : f32
      %broadcast_in_dim3A_65 = vector.broadcast %broadcast_in_dim3A_64 : f32 to vector<16xf32>
      %swap3A_66 = arith.index_cast %scan3A_39 : i32 to index
      %swap3A_67 = arith.constant 80 : index
      %swap3A_68 = tpu.vector_load %arg8[%swap3A_66, %swap3A_67] {strides = array<i32>} : memref<128x128xf32, #tpu.memory_space<vmem>>, vector<16xf32>,
      tpu.vector_store %arg8[%swap3A_66, %swap3A_67], %broadcast_in_dim3A_65 {strides = array<i32>} : memref<128x128xf32, #tpu.memory_space<vmem>>, vector<16xf32>,
      %broadcast_in_dim3A_69 = arith.constant 0.000000e+00 : f32
      %broadcast_in_dim3A_70 = vector.broadcast %broadcast_in_dim3A_69 : f32 to vector<16xf32>
      %swap3A_71 = arith.index_cast %scan3A_39 : i32 to index
      %swap3A_72 = arith.constant 96 : index
      %swap3A_73 = tpu.vector_load %arg8[%swap3A_71, %swap3A_72] {strides = array<i32>} : memref<128x128xf32, #tpu.memory_space<vmem>>, vector<16xf32>,
      tpu.vector_store %arg8[%swap3A_71, %swap3A_72], %broadcast_in_dim3A_70 {strides = array<i32>} : memref<128x128xf32, #tpu.memory_space<vmem>>, vector<16xf32>,
      %broadcast_in_dim3A_74 = arith.constant 0.000000e+00 : f32
      %broadcast_in_dim3A_75 = vector.broadcast %broadcast_in_dim3A_74 : f32 to vector<16xf32>
      %swap3A_76 = arith.index_cast %scan3A_39 : i32 to index
      %swap3A_77 = arith.constant 112 : index
      %swap3A_78 = tpu.vector_load %arg8[%swap3A_76, %swap3A_77] {strides = array<i32>} : memref<128x128xf32, #tpu.memory_space<vmem>>, vector<16xf32>,
      tpu.vector_store %arg8[%swap3A_76, %swap3A_77], %broadcast_in_dim3A_75 {strides = array<i32>} : memref<128x128xf32, #tpu.memory_space<vmem>>, vector<16xf32>,
      %scan3A_79 = arith.constant 0 : i32
      scf.yield %scan3A_79 : i32
    }
    %scan3A_6 = arith.constant 128 : i32
    %mul3A_7 = arith.constant 640 : i32
    %mul3A_8 = arith.muli %arg1, %mul3A_7 : i32
    %add3A_9 = arith.constant 0 : i32
    %add3A_10 = arith.addi %mul3A_8, %add3A_9 : i32
    "tpu.region"() ({
      %run_scoped3A = tpu.sem_alloc : memref<!tpu.dma_semaphore, #tpu.memory_space<semaphore_mem>>
      %dma_start3A = arith.constant 0 : i32
      %dma_start3A_39 = tpu.memref_slice %arg9[%add3A_10, %dma_start3A] : memref<10240x128xf32, #tpu.memory_space<vmem_shared>> -> memref<128x128xf32, #tpu.memory_space<vmem_shared>>
      %dma_start3A_40 = arith.constant 0 : i32
      %dma_start3A_41 = tpu.memref_slice %arg9[%add3A_10, %dma_start3A_40] : memref<10240x128xf32, #tpu.memory_space<vmem_shared>> -> memref<128x128xf32, #tpu.memory_space<vmem_shared>>
      tpu.enqueue_dma source(%arg8 : memref<128x128xf32, #tpu.memory_space<vmem>>) target(%dma_start3A_41 : memref<128x128xf32, #tpu.memory_space<vmem_shared>>) target_semaphore(%run_scoped3A : memref<!tpu.dma_semaphore, #tpu.memory_space<semaphore_mem>>)
      %dma_wait3A = arith.constant 0 : i32
      %dma_wait3A_42 = tpu.memref_slice %arg9[%add3A_10, %dma_wait3A] : memref<10240x128xf32, #tpu.memory_space<vmem_shared>> -> memref<128x128xf32, #tpu.memory_space<vmem_shared>>
      %dma_wait3A_43 = arith.constant 0 : i32
      %dma_wait3A_44 = tpu.memref_slice %arg9[%add3A_10, %dma_wait3A_43] : memref<10240x128xf32, #tpu.memory_space<vmem_shared>> -> memref<128x128xf32, #tpu.memory_space<vmem_shared>>
      tpu.wait_dma2 semaphore(%run_scoped3A : memref<!tpu.dma_semaphore, #tpu.memory_space<semaphore_mem>>) src(%arg8 : memref<128x128xf32, #tpu.memory_space<vmem>>) dst(%dma_wait3A_44 : memref<128x128xf32, #tpu.memory_space<vmem_shared>>)
      tpu.yield
    }) : () -> ()
    %mul3A_11 = arith.constant 640 : i32
    %mul3A_12 = arith.muli %arg1, %mul3A_11 : i32
    %add3A_13 = arith.constant 128 : i32
    %add3A_14 = arith.addi %mul3A_12, %add3A_13 : i32
    "tpu.region"() ({
      %run_scoped3A = tpu.sem_alloc : memref<!tpu.dma_semaphore, #tpu.memory_space<semaphore_mem>>
      %dma_start3A = arith.constant 0 : i32
      %dma_start3A_39 = tpu.memref_slice %arg9[%add3A_14, %dma_start3A] : memref<10240x128xf32, #tpu.memory_space<vmem_shared>> -> memref<128x128xf32, #tpu.memory_space<vmem_shared>>
      %dma_start3A_40 = arith.constant 0 : i32
      %dma_start3A_41 = tpu.memref_slice %arg9[%add3A_14, %dma_start3A_40] : memref<10240x128xf32, #tpu.memory_space<vmem_shared>> -> memref<128x128xf32, #tpu.memory_space<vmem_shared>>
      tpu.enqueue_dma source(%arg8 : memref<128x128xf32, #tpu.memory_space<vmem>>) target(%dma_start3A_41 : memref<128x128xf32, #tpu.memory_space<vmem_shared>>) target_semaphore(%run_scoped3A : memref<!tpu.dma_semaphore, #tpu.memory_space<semaphore_mem>>)
      %dma_wait3A = arith.constant 0 : i32
      %dma_wait3A_42 = tpu.memref_slice %arg9[%add3A_14, %dma_wait3A] : memref<10240x128xf32, #tpu.memory_space<vmem_shared>> -> memref<128x128xf32, #tpu.memory_space<vmem_shared>>
      %dma_wait3A_43 = arith.constant 0 : i32
      %dma_wait3A_44 = tpu.memref_slice %arg9[%add3A_14, %dma_wait3A_43] : memref<10240x128xf32, #tpu.memory_space<vmem_shared>> -> memref<128x128xf32, #tpu.memory_space<vmem_shared>>
      tpu.wait_dma2 semaphore(%run_scoped3A : memref<!tpu.dma_semaphore, #tpu.memory_space<semaphore_mem>>) src(%arg8 : memref<128x128xf32, #tpu.memory_space<vmem>>) dst(%dma_wait3A_44 : memref<128x128xf32, #tpu.memory_space<vmem_shared>>)
      tpu.yield
    }) : () -> ()
    %mul3A_15 = arith.constant 640 : i32
    %mul3A_16 = arith.muli %arg1, %mul3A_15 : i32
    %add3A_17 = arith.constant 256 : i32
    %add3A_18 = arith.addi %mul3A_16, %add3A_17 : i32
    "tpu.region"() ({
      %run_scoped3A = tpu.sem_alloc : memref<!tpu.dma_semaphore, #tpu.memory_space<semaphore_mem>>
      %dma_start3A = arith.constant 0 : i32
      %dma_start3A_39 = tpu.memref_slice %arg9[%add3A_18, %dma_start3A] : memref<10240x128xf32, #tpu.memory_space<vmem_shared>> -> memref<128x128xf32, #tpu.memory_space<vmem_shared>>
      %dma_start3A_40 = arith.constant 0 : i32
      %dma_start3A_41 = tpu.memref_slice %arg9[%add3A_18, %dma_start3A_40] : memref<10240x128xf32, #tpu.memory_space<vmem_shared>> -> memref<128x128xf32, #tpu.memory_space<vmem_shared>>
      tpu.enqueue_dma source(%arg8 : memref<128x128xf32, #tpu.memory_space<vmem>>) target(%dma_start3A_41 : memref<128x128xf32, #tpu.memory_space<vmem_shared>>) target_semaphore(%run_scoped3A : memref<!tpu.dma_semaphore, #tpu.memory_space<semaphore_mem>>)
      %dma_wait3A = arith.constant 0 : i32
      %dma_wait3A_42 = tpu.memref_slice %arg9[%add3A_18, %dma_wait3A] : memref<10240x128xf32, #tpu.memory_space<vmem_shared>> -> memref<128x128xf32, #tpu.memory_space<vmem_shared>>
      %dma_wait3A_43 = arith.constant 0 : i32
      %dma_wait3A_44 = tpu.memref_slice %arg9[%add3A_18, %dma_wait3A_43] : memref<10240x128xf32, #tpu.memory_space<vmem_shared>> -> memref<128x128xf32, #tpu.memory_space<vmem_shared>>
      tpu.wait_dma2 semaphore(%run_scoped3A : memref<!tpu.dma_semaphore, #tpu.memory_space<semaphore_mem>>) src(%arg8 : memref<128x128xf32, #tpu.memory_space<vmem>>) dst(%dma_wait3A_44 : memref<128x128xf32, #tpu.memory_space<vmem_shared>>)
      tpu.yield
    }) : () -> ()
    %mul3A_19 = arith.constant 640 : i32
    %mul3A_20 = arith.muli %arg1, %mul3A_19 : i32
    %add3A_21 = arith.constant 384 : i32
    %add3A_22 = arith.addi %mul3A_20, %add3A_21 : i32
    "tpu.region"() ({
      %run_scoped3A = tpu.sem_alloc : memref<!tpu.dma_semaphore, #tpu.memory_space<semaphore_mem>>
      %dma_start3A = arith.constant 0 : i32
      %dma_start3A_39 = tpu.memref_slice %arg9[%add3A_22, %dma_start3A] : memref<10240x128xf32, #tpu.memory_space<vmem_shared>> -> memref<128x128xf32, #tpu.memory_space<vmem_shared>>
      %dma_start3A_40 = arith.constant 0 : i32
      %dma_start3A_41 = tpu.memref_slice %arg9[%add3A_22, %dma_start3A_40] : memref<10240x128xf32, #tpu.memory_space<vmem_shared>> -> memref<128x128xf32, #tpu.memory_space<vmem_shared>>
      tpu.enqueue_dma source(%arg8 : memref<128x128xf32, #tpu.memory_space<vmem>>) target(%dma_start3A_41 : memref<128x128xf32, #tpu.memory_space<vmem_shared>>) target_semaphore(%run_scoped3A : memref<!tpu.dma_semaphore, #tpu.memory_space<semaphore_mem>>)
      %dma_wait3A = arith.constant 0 : i32
      %dma_wait3A_42 = tpu.memref_slice %arg9[%add3A_22, %dma_wait3A] : memref<10240x128xf32, #tpu.memory_space<vmem_shared>> -> memref<128x128xf32, #tpu.memory_space<vmem_shared>>
      %dma_wait3A_43 = arith.constant 0 : i32
      %dma_wait3A_44 = tpu.memref_slice %arg9[%add3A_22, %dma_wait3A_43] : memref<10240x128xf32, #tpu.memory_space<vmem_shared>> -> memref<128x128xf32, #tpu.memory_space<vmem_shared>>
      tpu.wait_dma2 semaphore(%run_scoped3A : memref<!tpu.dma_semaphore, #tpu.memory_space<semaphore_mem>>) src(%arg8 : memref<128x128xf32, #tpu.memory_space<vmem>>) dst(%dma_wait3A_44 : memref<128x128xf32, #tpu.memory_space<vmem_shared>>)
      tpu.yield
    }) : () -> ()
    %mul3A_23 = arith.constant 640 : i32
    %mul3A_24 = arith.muli %arg1, %mul3A_23 : i32
    %add3A_25 = arith.constant 512 : i32
    %add3A_26 = arith.addi %mul3A_24, %add3A_25 : i32
    "tpu.region"() ({
      %run_scoped3A = tpu.sem_alloc : memref<!tpu.dma_semaphore, #tpu.memory_space<semaphore_mem>>
      %dma_start3A = arith.constant 0 : i32
      %dma_start3A_39 = tpu.memref_slice %arg9[%add3A_26, %dma_start3A] : memref<10240x128xf32, #tpu.memory_space<vmem_shared>> -> memref<128x128xf32, #tpu.memory_space<vmem_shared>>
      %dma_start3A_40 = arith.constant 0 : i32
      %dma_start3A_41 = tpu.memref_slice %arg9[%add3A_26, %dma_start3A_40] : memref<10240x128xf32, #tpu.memory_space<vmem_shared>> -> memref<128x128xf32, #tpu.memory_space<vmem_shared>>
      tpu.enqueue_dma source(%arg8 : memref<128x128xf32, #tpu.memory_space<vmem>>) target(%dma_start3A_41 : memref<128x128xf32, #tpu.memory_space<vmem_shared>>) target_semaphore(%run_scoped3A : memref<!tpu.dma_semaphore, #tpu.memory_space<semaphore_mem>>)
      %dma_wait3A = arith.constant 0 : i32
      %dma_wait3A_42 = tpu.memref_slice %arg9[%add3A_26, %dma_wait3A] : memref<10240x128xf32, #tpu.memory_space<vmem_shared>> -> memref<128x128xf32, #tpu.memory_space<vmem_shared>>
      %dma_wait3A_43 = arith.constant 0 : i32
      %dma_wait3A_44 = tpu.memref_slice %arg9[%add3A_26, %dma_wait3A_43] : memref<10240x128xf32, #tpu.memory_space<vmem_shared>> -> memref<128x128xf32, #tpu.memory_space<vmem_shared>>
      tpu.wait_dma2 semaphore(%run_scoped3A : memref<!tpu.dma_semaphore, #tpu.memory_space<semaphore_mem>>) src(%arg8 : memref<128x128xf32, #tpu.memory_space<vmem>>) dst(%dma_wait3A_44 : memref<128x128xf32, #tpu.memory_space<vmem_shared>>)
      tpu.yield
    }) : () -> ()
    %barrier3A = arith.constant 0 : index
    tpu.barrier barrier_id(%barrier3A)
    %scan3A_27 = arith.constant 0 : i32
    %scan3A_28 = arith.constant 0 : i32
    %scan3A_29 = arith.constant 40 : i32
    %scan3A_30 = arith.addi %scan3A_28, %scan3A_29 : i32
    %scan3A_31 = arith.constant 1 : i32
    %scan3A_32 = scf.for %scan3A_39 = %scan3A_28 to %scan3A_30 step %scan3A_31 iter_args(%scan3A_40 = %scan3A_27) -> (i32)  : i32 {
      %mul3A_41 = arith.constant 5120 : i32
      %mul3A_42 = arith.muli %add3A, %mul3A_41 : i32
      %mul3A_43 = arith.constant 128 : i32
      %mul3A_44 = arith.muli %scan3A_39, %mul3A_43 : i32
      %add3A_45 = arith.addi %mul3A_42, %mul3A_44 : i32
      "tpu.region"() ({
        %run_scoped3A = tpu.sem_alloc : memref<!tpu.dma_semaphore, #tpu.memory_space<semaphore_mem>>
        %dma_start3A_51 = tpu.memref_slice %arg3[%add3A_45] : memref<163840xi32, #tpu.memory_space<hbm>> -> memref<128xi32, #tpu.memory_space<hbm>>
        %dma_start3A_52 = tpu.memref_slice %arg3[%add3A_45] : memref<163840xi32, #tpu.memory_space<hbm>> -> memref<128xi32, #tpu.memory_space<hbm>>
        tpu.enqueue_dma source(%dma_start3A_52 : memref<128xi32, #tpu.memory_space<hbm>>) target(%arg6 : memref<128xi32, #tpu.memory_space<vmem>>) target_semaphore(%run_scoped3A : memref<!tpu.dma_semaphore, #tpu.memory_space<semaphore_mem>>)
        %dma_wait3A_53 = tpu.memref_slice %arg3[%add3A_45] : memref<163840xi32, #tpu.memory_space<hbm>> -> memref<128xi32, #tpu.memory_space<hbm>>
        %dma_wait3A_54 = tpu.memref_slice %arg3[%add3A_45] : memref<163840xi32, #tpu.memory_space<hbm>> -> memref<128xi32, #tpu.memory_space<hbm>>
        tpu.wait_dma2 semaphore(%run_scoped3A : memref<!tpu.dma_semaphore, #tpu.memory_space<semaphore_mem>>) src(%dma_wait3A_54 : memref<128xi32, #tpu.memory_space<hbm>>) dst(%arg6 : memref<128xi32, #tpu.memory_space<vmem>>)
        tpu.yield
      }) : () -> ()
      "tpu.region"() ({
        %run_scoped3A = tpu.sem_alloc : memref<!tpu.dma_semaphore, #tpu.memory_space<semaphore_mem>>
        %dma_start3A_51 = tpu.memref_slice %arg4[%add3A_45] : memref<163840xi32, #tpu.memory_space<hbm>> -> memref<128xi32, #tpu.memory_space<hbm>>
        %dma_start3A_52 = tpu.memref_slice %arg4[%add3A_45] : memref<163840xi32, #tpu.memory_space<hbm>> -> memref<128xi32, #tpu.memory_space<hbm>>
        tpu.enqueue_dma source(%dma_start3A_52 : memref<128xi32, #tpu.memory_space<hbm>>) target(%arg7 : memref<128xi32, #tpu.memory_space<vmem>>) target_semaphore(%run_scoped3A : memref<!tpu.dma_semaphore, #tpu.memory_space<semaphore_mem>>)
        %dma_wait3A_53 = tpu.memref_slice %arg4[%add3A_45] : memref<163840xi32, #tpu.memory_space<hbm>> -> memref<128xi32, #tpu.memory_space<hbm>>
        %dma_wait3A_54 = tpu.memref_slice %arg4[%add3A_45] : memref<163840xi32, #tpu.memory_space<hbm>> -> memref<128xi32, #tpu.memory_space<hbm>>
        tpu.wait_dma2 semaphore(%run_scoped3A : memref<!tpu.dma_semaphore, #tpu.memory_space<semaphore_mem>>) src(%dma_wait3A_54 : memref<128xi32, #tpu.memory_space<hbm>>) dst(%arg7 : memref<128xi32, #tpu.memory_space<vmem>>)
        tpu.yield
      }) : () -> ()
      %dma_start3A = arith.constant 0 : i32
      %dma_start3A_46 = arith.constant 0 : i32
      %dma_start3A_47 = tpu.memref_slice %arg2[%dma_start3A, %dma_start3A_46] : memref<10240x128xf32, #tpu.memory_space<hbm>> -> memref<10240x128xf32, #tpu.memory_space<hbm>>
      tpu.enqueue_indirect_dma source(%dma_start3A_47 : memref<10240x128xf32, #tpu.memory_space<hbm>>) target(%arg8 : memref<128x128xf32, #tpu.memory_space<vmem>>) offsets(%arg6 : memref<128xi32, #tpu.memory_space<vmem>>) semaphore(%arg10 : memref<!tpu.dma_semaphore, #tpu.memory_space<semaphore_mem>>)
      %dma_wait3A = arith.constant 0 : i32
      %dma_wait3A_48 = arith.constant 0 : i32
      %dma_wait3A_49 = tpu.memref_slice %arg2[%dma_wait3A, %dma_wait3A_48] : memref<10240x128xf32, #tpu.memory_space<hbm>> -> memref<10240x128xf32, #tpu.memory_space<hbm>>
      tpu.wait_indirect_dma semaphore(%arg10 : memref<!tpu.dma_semaphore, #tpu.memory_space<semaphore_mem>>) src(%dma_wait3A_49 : memref<10240x128xf32, #tpu.memory_space<hbm>>) dst(%arg8 : memref<128x128xf32, #tpu.memory_space<vmem>>)
      "tpu.region"() ({
        %run_scoped3A = tpu.sem_alloc : memref<!tpu.dma_semaphore, #tpu.memory_space<semaphore_mem>>
        %dma_start3A_51 = arith.constant 0 : i32
        %dma_start3A_52 = arith.constant 0 : i32
        %dma_start3A_53 = tpu.memref_slice %arg9[%dma_start3A_51, %dma_start3A_52] : memref<10240x128xf32, #tpu.memory_space<vmem_shared>> -> memref<10240x128xf32, #tpu.memory_space<vmem_shared>>
        tpu.enqueue_indirect_dma source(%arg8 : memref<128x128xf32, #tpu.memory_space<vmem>>) target(%dma_start3A_53 : memref<10240x128xf32, #tpu.memory_space<vmem_shared>>) offsets(%arg7 : memref<128xi32, #tpu.memory_space<vmem>>) semaphore(%run_scoped3A : memref<!tpu.dma_semaphore, #tpu.memory_space<semaphore_mem>>) {add = true}
        %dma_wait3A_54 = arith.constant 0 : i32
        %dma_wait3A_55 = arith.constant 0 : i32
        %dma_wait3A_56 = tpu.memref_slice %arg9[%dma_wait3A_54, %dma_wait3A_55] : memref<10240x128xf32, #tpu.memory_space<vmem_shared>> -> memref<10240x128xf32, #tpu.memory_space<vmem_shared>>
        tpu.wait_indirect_dma semaphore(%run_scoped3A : memref<!tpu.dma_semaphore, #tpu.memory_space<semaphore_mem>>) src(%arg8 : memref<128x128xf32, #tpu.memory_space<vmem>>) dst(%dma_wait3A_56 : memref<10240x128xf32, #tpu.memory_space<vmem_shared>>)
        tpu.yield
      }) : () -> ()
      %scan3A_50 = arith.constant 0 : i32
      scf.yield %scan3A_50 : i32
    }
    %scan3A_33 = arith.constant 40 : i32
    %barrier3A_34 = arith.constant 0 : index
    tpu.barrier barrier_id(%barrier3A_34)
    %mul3A_35 = arith.constant 640 : i32
    %mul3A_36 = arith.muli %arg1, %mul3A_35 : i32
    %mul3A_37 = arith.constant 640 : i32
    %mul3A_38 = arith.muli %arg1, %mul3A_37 : i32
    "tpu.region"() ({
      %run_scoped3A = tpu.sem_alloc : memref<!tpu.dma_semaphore, #tpu.memory_space<semaphore_mem>>
      %dma_start3A = arith.constant 0 : i32
      %dma_start3A_39 = tpu.memref_slice %arg5[%arg0, %mul3A_38, %dma_start3A] : memref<2x10240x128xf32, #tpu.memory_space<hbm>> -> memref<1x640x128xf32, #tpu.memory_space<hbm>>
      %dma_start3A_40 = tpu.memref_squeeze %dma_start3A_39 : memref<1x640x128xf32, #tpu.memory_space<hbm>> -> memref<640x128xf32, #tpu.memory_space<hbm>>
      %dma_start3A_41 = arith.constant 0 : i32
      %dma_start3A_42 = tpu.memref_slice %arg9[%mul3A_36, %dma_start3A_41] : memref<10240x128xf32, #tpu.memory_space<vmem_shared>> -> memref<640x128xf32, #tpu.memory_space<vmem_shared>>
      tpu.enqueue_dma source(%dma_start3A_42 : memref<640x128xf32, #tpu.memory_space<vmem_shared>>) target(%dma_start3A_40 : memref<640x128xf32, #tpu.memory_space<hbm>>) target_semaphore(%run_scoped3A : memref<!tpu.dma_semaphore, #tpu.memory_space<semaphore_mem>>)
      %dma_wait3A = arith.constant 0 : i32
      %dma_wait3A_43 = tpu.memref_slice %arg5[%arg0, %mul3A_38, %dma_wait3A] : memref<2x10240x128xf32, #tpu.memory_space<hbm>> -> memref<1x640x128xf32, #tpu.memory_space<hbm>>
      %dma_wait3A_44 = tpu.memref_squeeze %dma_wait3A_43 : memref<1x640x128xf32, #tpu.memory_space<hbm>> -> memref<640x128xf32, #tpu.memory_space<hbm>>
      %dma_wait3A_45 = arith.constant 0 : i32
      %dma_wait3A_46 = tpu.memref_slice %arg9[%mul3A_36, %dma_wait3A_45] : memref<10240x128xf32, #tpu.memory_space<vmem_shared>> -> memref<640x128xf32, #tpu.memory_space<vmem_shared>>
      tpu.wait_dma2 semaphore(%run_scoped3A : memref<!tpu.dma_semaphore, #tpu.memory_space<semaphore_mem>>) src(%dma_wait3A_46 : memref<640x128xf32, #tpu.memory_space<vmem_shared>>) dst(%dma_wait3A_44 : memref<640x128xf32, #tpu.memory_space<hbm>>)
      tpu.yield
    }) : () -> ()
    return
  }
}

#map = affine_map<(d0, d1) -> (0, 0)>
#map1 = affine_map<(d0, d1) -> (0)>
#map2 = affine_map<(d0, d1) -> (0, 0, 0)>
module attributes {stable_mosaic.version = 14 : i64} {
  func.func @_agg(%arg0: i32, %arg1: i32, %arg2: memref<10240x128xf32, #tpu.memory_space<hbm>>, %arg3: memref<163840xi32, #tpu.memory_space<hbm>>, %arg4: memref<163840xi32, #tpu.memory_space<hbm>>, %arg5: memref<2x10240x128xf32, #tpu.memory_space<hbm>>, %arg6: memref<128xi32, #tpu.memory_space<vmem>>, %arg7: memref<128xi32, #tpu.memory_space<vmem>>, %arg8: memref<128x128xf32, #tpu.memory_space<vmem>>, %arg9: memref<10240x128xf32, #tpu.memory_space<vmem_shared>>, %arg10: memref<!tpu.dma_semaphore, #tpu.memory_space<semaphore_mem>>) attributes {dimension_semantics = [#tpu.dimension_semantics<core_parallel>, #tpu.dimension_semantics<subcore_parallel>], iteration_bounds = array<i64: 2, 16>, scalar_prefetch = 0 : i64, scratch_operands = 5 : i64, tpu.core_type = #tpu.core_type<sc_vector_subcore>, window_params = [{transform_indices = #map}, {transform_indices = #map1}, {transform_indices = #map1}, {transform_indices = #map2}]} {
    %mul3A = arith.constant 2 : i32
    %mul3A_0 = arith.muli %arg1, %mul3A : i32
    %add3A = arith.addi %mul3A_0, %arg0 : i32
    %scan3A = arith.constant 0 : i32
    %scan3A_1 = arith.constant 0 : i32
    %scan3A_2 = arith.constant 128 : i32
    %scan3A_3 = arith.addi %scan3A_1, %scan3A_2 : i32
    %scan3A_4 = arith.constant 1 : i32
    %scan3A_5 = scf.for %scan3A_39 = %scan3A_1 to %scan3A_3 step %scan3A_4 iter_args(%scan3A_40 = %scan3A) -> (i32)  : i32 {
      %broadcast_in_dim3A = arith.constant 0.000000e+00 : f32
      %broadcast_in_dim3A_41 = vector.broadcast %broadcast_in_dim3A : f32 to vector<16xf32>
      %swap3A = arith.index_cast %scan3A_39 : i32 to index
      %swap3A_42 = arith.constant 0 : index
      %swap3A_43 = tpu.vector_load %arg8[%swap3A, %swap3A_42] {strides = array<i32>} : memref<128x128xf32, #tpu.memory_space<vmem>>, vector<16xf32>,
      tpu.vector_store %arg8[%swap3A, %swap3A_42], %broadcast_in_dim3A_41 {strides = array<i32>} : memref<128x128xf32, #tpu.memory_space<vmem>>, vector<16xf32>,
      %broadcast_in_dim3A_44 = arith.constant 0.000000e+00 : f32
      %broadcast_in_dim3A_45 = vector.broadcast %broadcast_in_dim3A_44 : f32 to vector<16xf32>
      %swap3A_46 = arith.index_cast %scan3A_39 : i32 to index
      %swap3A_47 = arith.constant 16 : index
      %swap3A_48 = tpu.vector_load %arg8[%swap3A_46, %swap3A_47] {strides = array<i32>} : memref<128x128xf32, #tpu.memory_space<vmem>>, vector<16xf32>,
      tpu.vector_store %arg8[%swap3A_46, %swap3A_47], %broadcast_in_dim3A_45 {strides = array<i32>} : memref<128x128xf32, #tpu.memory_space<vmem>>, vector<16xf32>,
      %broadcast_in_dim3A_49 = arith.constant 0.000000e+00 : f32
      %broadcast_in_dim3A_50 = vector.broadcast %broadcast_in_dim3A_49 : f32 to vector<16xf32>
      %swap3A_51 = arith.index_cast %scan3A_39 : i32 to index
      %swap3A_52 = arith.constant 32 : index
      %swap3A_53 = tpu.vector_load %arg8[%swap3A_51, %swap3A_52] {strides = array<i32>} : memref<128x128xf32, #tpu.memory_space<vmem>>, vector<16xf32>,
      tpu.vector_store %arg8[%swap3A_51, %swap3A_52], %broadcast_in_dim3A_50 {strides = array<i32>} : memref<128x128xf32, #tpu.memory_space<vmem>>, vector<16xf32>,
      %broadcast_in_dim3A_54 = arith.constant 0.000000e+00 : f32
      %broadcast_in_dim3A_55 = vector.broadcast %broadcast_in_dim3A_54 : f32 to vector<16xf32>
      %swap3A_56 = arith.index_cast %scan3A_39 : i32 to index
      %swap3A_57 = arith.constant 48 : index
      %swap3A_58 = tpu.vector_load %arg8[%swap3A_56, %swap3A_57] {strides = array<i32>} : memref<128x128xf32, #tpu.memory_space<vmem>>, vector<16xf32>,
      tpu.vector_store %arg8[%swap3A_56, %swap3A_57], %broadcast_in_dim3A_55 {strides = array<i32>} : memref<128x128xf32, #tpu.memory_space<vmem>>, vector<16xf32>,
      %broadcast_in_dim3A_59 = arith.constant 0.000000e+00 : f32
      %broadcast_in_dim3A_60 = vector.broadcast %broadcast_in_dim3A_59 : f32 to vector<16xf32>
      %swap3A_61 = arith.index_cast %scan3A_39 : i32 to index
      %swap3A_62 = arith.constant 64 : index
      %swap3A_63 = tpu.vector_load %arg8[%swap3A_61, %swap3A_62] {strides = array<i32>} : memref<128x128xf32, #tpu.memory_space<vmem>>, vector<16xf32>,
      tpu.vector_store %arg8[%swap3A_61, %swap3A_62], %broadcast_in_dim3A_60 {strides = array<i32>} : memref<128x128xf32, #tpu.memory_space<vmem>>, vector<16xf32>,
      %broadcast_in_dim3A_64 = arith.constant 0.000000e+00 : f32
      %broadcast_in_dim3A_65 = vector.broadcast %broadcast_in_dim3A_64 : f32 to vector<16xf32>
      %swap3A_66 = arith.index_cast %scan3A_39 : i32 to index
      %swap3A_67 = arith.constant 80 : index
      %swap3A_68 = tpu.vector_load %arg8[%swap3A_66, %swap3A_67] {strides = array<i32>} : memref<128x128xf32, #tpu.memory_space<vmem>>, vector<16xf32>,
      tpu.vector_store %arg8[%swap3A_66, %swap3A_67], %broadcast_in_dim3A_65 {strides = array<i32>} : memref<128x128xf32, #tpu.memory_space<vmem>>, vector<16xf32>,
      %broadcast_in_dim3A_69 = arith.constant 0.000000e+00 : f32
      %broadcast_in_dim3A_70 = vector.broadcast %broadcast_in_dim3A_69 : f32 to vector<16xf32>
      %swap3A_71 = arith.index_cast %scan3A_39 : i32 to index
      %swap3A_72 = arith.constant 96 : index
      %swap3A_73 = tpu.vector_load %arg8[%swap3A_71, %swap3A_72] {strides = array<i32>} : memref<128x128xf32, #tpu.memory_space<vmem>>, vector<16xf32>,
      tpu.vector_store %arg8[%swap3A_71, %swap3A_72], %broadcast_in_dim3A_70 {strides = array<i32>} : memref<128x128xf32, #tpu.memory_space<vmem>>, vector<16xf32>,
      %broadcast_in_dim3A_74 = arith.constant 0.000000e+00 : f32
      %broadcast_in_dim3A_75 = vector.broadcast %broadcast_in_dim3A_74 : f32 to vector<16xf32>
      %swap3A_76 = arith.index_cast %scan3A_39 : i32 to index
      %swap3A_77 = arith.constant 112 : index
      %swap3A_78 = tpu.vector_load %arg8[%swap3A_76, %swap3A_77] {strides = array<i32>} : memref<128x128xf32, #tpu.memory_space<vmem>>, vector<16xf32>,
      tpu.vector_store %arg8[%swap3A_76, %swap3A_77], %broadcast_in_dim3A_75 {strides = array<i32>} : memref<128x128xf32, #tpu.memory_space<vmem>>, vector<16xf32>,
      %scan3A_79 = arith.constant 0 : i32
      scf.yield %scan3A_79 : i32
    }
    %scan3A_6 = arith.constant 128 : i32
    %mul3A_7 = arith.constant 640 : i32
    %mul3A_8 = arith.muli %arg1, %mul3A_7 : i32
    %add3A_9 = arith.constant 0 : i32
    %add3A_10 = arith.addi %mul3A_8, %add3A_9 : i32
    "tpu.region"() ({
      %run_scoped3A = tpu.sem_alloc : memref<!tpu.dma_semaphore, #tpu.memory_space<semaphore_mem>>
      %dma_start3A = arith.constant 0 : i32
      %dma_start3A_39 = tpu.memref_slice %arg9[%add3A_10, %dma_start3A] : memref<10240x128xf32, #tpu.memory_space<vmem_shared>> -> memref<128x128xf32, #tpu.memory_space<vmem_shared>>
      %dma_start3A_40 = arith.constant 0 : i32
      %dma_start3A_41 = tpu.memref_slice %arg9[%add3A_10, %dma_start3A_40] : memref<10240x128xf32, #tpu.memory_space<vmem_shared>> -> memref<128x128xf32, #tpu.memory_space<vmem_shared>>
      tpu.enqueue_dma source(%arg8 : memref<128x128xf32, #tpu.memory_space<vmem>>) target(%dma_start3A_41 : memref<128x128xf32, #tpu.memory_space<vmem_shared>>) target_semaphore(%run_scoped3A : memref<!tpu.dma_semaphore, #tpu.memory_space<semaphore_mem>>)
      %dma_wait3A = arith.constant 0 : i32
      %dma_wait3A_42 = tpu.memref_slice %arg9[%add3A_10, %dma_wait3A] : memref<10240x128xf32, #tpu.memory_space<vmem_shared>> -> memref<128x128xf32, #tpu.memory_space<vmem_shared>>
      %dma_wait3A_43 = arith.constant 0 : i32
      %dma_wait3A_44 = tpu.memref_slice %arg9[%add3A_10, %dma_wait3A_43] : memref<10240x128xf32, #tpu.memory_space<vmem_shared>> -> memref<128x128xf32, #tpu.memory_space<vmem_shared>>
      tpu.wait_dma2 semaphore(%run_scoped3A : memref<!tpu.dma_semaphore, #tpu.memory_space<semaphore_mem>>) src(%arg8 : memref<128x128xf32, #tpu.memory_space<vmem>>) dst(%dma_wait3A_44 : memref<128x128xf32, #tpu.memory_space<vmem_shared>>)
      tpu.yield
    }) : () -> ()
    %mul3A_11 = arith.constant 640 : i32
    %mul3A_12 = arith.muli %arg1, %mul3A_11 : i32
    %add3A_13 = arith.constant 128 : i32
    %add3A_14 = arith.addi %mul3A_12, %add3A_13 : i32
    "tpu.region"() ({
      %run_scoped3A = tpu.sem_alloc : memref<!tpu.dma_semaphore, #tpu.memory_space<semaphore_mem>>
      %dma_start3A = arith.constant 0 : i32
      %dma_start3A_39 = tpu.memref_slice %arg9[%add3A_14, %dma_start3A] : memref<10240x128xf32, #tpu.memory_space<vmem_shared>> -> memref<128x128xf32, #tpu.memory_space<vmem_shared>>
      %dma_start3A_40 = arith.constant 0 : i32
      %dma_start3A_41 = tpu.memref_slice %arg9[%add3A_14, %dma_start3A_40] : memref<10240x128xf32, #tpu.memory_space<vmem_shared>> -> memref<128x128xf32, #tpu.memory_space<vmem_shared>>
      tpu.enqueue_dma source(%arg8 : memref<128x128xf32, #tpu.memory_space<vmem>>) target(%dma_start3A_41 : memref<128x128xf32, #tpu.memory_space<vmem_shared>>) target_semaphore(%run_scoped3A : memref<!tpu.dma_semaphore, #tpu.memory_space<semaphore_mem>>)
      %dma_wait3A = arith.constant 0 : i32
      %dma_wait3A_42 = tpu.memref_slice %arg9[%add3A_14, %dma_wait3A] : memref<10240x128xf32, #tpu.memory_space<vmem_shared>> -> memref<128x128xf32, #tpu.memory_space<vmem_shared>>
      %dma_wait3A_43 = arith.constant 0 : i32
      %dma_wait3A_44 = tpu.memref_slice %arg9[%add3A_14, %dma_wait3A_43] : memref<10240x128xf32, #tpu.memory_space<vmem_shared>> -> memref<128x128xf32, #tpu.memory_space<vmem_shared>>
      tpu.wait_dma2 semaphore(%run_scoped3A : memref<!tpu.dma_semaphore, #tpu.memory_space<semaphore_mem>>) src(%arg8 : memref<128x128xf32, #tpu.memory_space<vmem>>) dst(%dma_wait3A_44 : memref<128x128xf32, #tpu.memory_space<vmem_shared>>)
      tpu.yield
    }) : () -> ()
    %mul3A_15 = arith.constant 640 : i32
    %mul3A_16 = arith.muli %arg1, %mul3A_15 : i32
    %add3A_17 = arith.constant 256 : i32
    %add3A_18 = arith.addi %mul3A_16, %add3A_17 : i32
    "tpu.region"() ({
      %run_scoped3A = tpu.sem_alloc : memref<!tpu.dma_semaphore, #tpu.memory_space<semaphore_mem>>
      %dma_start3A = arith.constant 0 : i32
      %dma_start3A_39 = tpu.memref_slice %arg9[%add3A_18, %dma_start3A] : memref<10240x128xf32, #tpu.memory_space<vmem_shared>> -> memref<128x128xf32, #tpu.memory_space<vmem_shared>>
      %dma_start3A_40 = arith.constant 0 : i32
      %dma_start3A_41 = tpu.memref_slice %arg9[%add3A_18, %dma_start3A_40] : memref<10240x128xf32, #tpu.memory_space<vmem_shared>> -> memref<128x128xf32, #tpu.memory_space<vmem_shared>>
      tpu.enqueue_dma source(%arg8 : memref<128x128xf32, #tpu.memory_space<vmem>>) target(%dma_start3A_41 : memref<128x128xf32, #tpu.memory_space<vmem_shared>>) target_semaphore(%run_scoped3A : memref<!tpu.dma_semaphore, #tpu.memory_space<semaphore_mem>>)
      %dma_wait3A = arith.constant 0 : i32
      %dma_wait3A_42 = tpu.memref_slice %arg9[%add3A_18, %dma_wait3A] : memref<10240x128xf32, #tpu.memory_space<vmem_shared>> -> memref<128x128xf32, #tpu.memory_space<vmem_shared>>
      %dma_wait3A_43 = arith.constant 0 : i32
      %dma_wait3A_44 = tpu.memref_slice %arg9[%add3A_18, %dma_wait3A_43] : memref<10240x128xf32, #tpu.memory_space<vmem_shared>> -> memref<128x128xf32, #tpu.memory_space<vmem_shared>>
      tpu.wait_dma2 semaphore(%run_scoped3A : memref<!tpu.dma_semaphore, #tpu.memory_space<semaphore_mem>>) src(%arg8 : memref<128x128xf32, #tpu.memory_space<vmem>>) dst(%dma_wait3A_44 : memref<128x128xf32, #tpu.memory_space<vmem_shared>>)
      tpu.yield
    }) : () -> ()
    %mul3A_19 = arith.constant 640 : i32
    %mul3A_20 = arith.muli %arg1, %mul3A_19 : i32
    %add3A_21 = arith.constant 384 : i32
    %add3A_22 = arith.addi %mul3A_20, %add3A_21 : i32
    "tpu.region"() ({
      %run_scoped3A = tpu.sem_alloc : memref<!tpu.dma_semaphore, #tpu.memory_space<semaphore_mem>>
      %dma_start3A = arith.constant 0 : i32
      %dma_start3A_39 = tpu.memref_slice %arg9[%add3A_22, %dma_start3A] : memref<10240x128xf32, #tpu.memory_space<vmem_shared>> -> memref<128x128xf32, #tpu.memory_space<vmem_shared>>
      %dma_start3A_40 = arith.constant 0 : i32
      %dma_start3A_41 = tpu.memref_slice %arg9[%add3A_22, %dma_start3A_40] : memref<10240x128xf32, #tpu.memory_space<vmem_shared>> -> memref<128x128xf32, #tpu.memory_space<vmem_shared>>
      tpu.enqueue_dma source(%arg8 : memref<128x128xf32, #tpu.memory_space<vmem>>) target(%dma_start3A_41 : memref<128x128xf32, #tpu.memory_space<vmem_shared>>) target_semaphore(%run_scoped3A : memref<!tpu.dma_semaphore, #tpu.memory_space<semaphore_mem>>)
      %dma_wait3A = arith.constant 0 : i32
      %dma_wait3A_42 = tpu.memref_slice %arg9[%add3A_22, %dma_wait3A] : memref<10240x128xf32, #tpu.memory_space<vmem_shared>> -> memref<128x128xf32, #tpu.memory_space<vmem_shared>>
      %dma_wait3A_43 = arith.constant 0 : i32
      %dma_wait3A_44 = tpu.memref_slice %arg9[%add3A_22, %dma_wait3A_43] : memref<10240x128xf32, #tpu.memory_space<vmem_shared>> -> memref<128x128xf32, #tpu.memory_space<vmem_shared>>
      tpu.wait_dma2 semaphore(%run_scoped3A : memref<!tpu.dma_semaphore, #tpu.memory_space<semaphore_mem>>) src(%arg8 : memref<128x128xf32, #tpu.memory_space<vmem>>) dst(%dma_wait3A_44 : memref<128x128xf32, #tpu.memory_space<vmem_shared>>)
      tpu.yield
    }) : () -> ()
    %mul3A_23 = arith.constant 640 : i32
    %mul3A_24 = arith.muli %arg1, %mul3A_23 : i32
    %add3A_25 = arith.constant 512 : i32
    %add3A_26 = arith.addi %mul3A_24, %add3A_25 : i32
    "tpu.region"() ({
      %run_scoped3A = tpu.sem_alloc : memref<!tpu.dma_semaphore, #tpu.memory_space<semaphore_mem>>
      %dma_start3A = arith.constant 0 : i32
      %dma_start3A_39 = tpu.memref_slice %arg9[%add3A_26, %dma_start3A] : memref<10240x128xf32, #tpu.memory_space<vmem_shared>> -> memref<128x128xf32, #tpu.memory_space<vmem_shared>>
      %dma_start3A_40 = arith.constant 0 : i32
      %dma_start3A_41 = tpu.memref_slice %arg9[%add3A_26, %dma_start3A_40] : memref<10240x128xf32, #tpu.memory_space<vmem_shared>> -> memref<128x128xf32, #tpu.memory_space<vmem_shared>>
      tpu.enqueue_dma source(%arg8 : memref<128x128xf32, #tpu.memory_space<vmem>>) target(%dma_start3A_41 : memref<128x128xf32, #tpu.memory_space<vmem_shared>>) target_semaphore(%run_scoped3A : memref<!tpu.dma_semaphore, #tpu.memory_space<semaphore_mem>>)
      %dma_wait3A = arith.constant 0 : i32
      %dma_wait3A_42 = tpu.memref_slice %arg9[%add3A_26, %dma_wait3A] : memref<10240x128xf32, #tpu.memory_space<vmem_shared>> -> memref<128x128xf32, #tpu.memory_space<vmem_shared>>
      %dma_wait3A_43 = arith.constant 0 : i32
      %dma_wait3A_44 = tpu.memref_slice %arg9[%add3A_26, %dma_wait3A_43] : memref<10240x128xf32, #tpu.memory_space<vmem_shared>> -> memref<128x128xf32, #tpu.memory_space<vmem_shared>>
      tpu.wait_dma2 semaphore(%run_scoped3A : memref<!tpu.dma_semaphore, #tpu.memory_space<semaphore_mem>>) src(%arg8 : memref<128x128xf32, #tpu.memory_space<vmem>>) dst(%dma_wait3A_44 : memref<128x128xf32, #tpu.memory_space<vmem_shared>>)
      tpu.yield
    }) : () -> ()
    %barrier3A = arith.constant 0 : index
    tpu.barrier barrier_id(%barrier3A)
    %scan3A_27 = arith.constant 0 : i32
    %scan3A_28 = arith.constant 0 : i32
    %scan3A_29 = arith.constant 40 : i32
    %scan3A_30 = arith.addi %scan3A_28, %scan3A_29 : i32
    %scan3A_31 = arith.constant 1 : i32
    %scan3A_32 = scf.for %scan3A_39 = %scan3A_28 to %scan3A_30 step %scan3A_31 iter_args(%scan3A_40 = %scan3A_27) -> (i32)  : i32 {
      %mul3A_41 = arith.constant 5120 : i32
      %mul3A_42 = arith.muli %add3A, %mul3A_41 : i32
      %mul3A_43 = arith.constant 128 : i32
      %mul3A_44 = arith.muli %scan3A_39, %mul3A_43 : i32
      %add3A_45 = arith.addi %mul3A_42, %mul3A_44 : i32
      "tpu.region"() ({
        %run_scoped3A = tpu.sem_alloc : memref<!tpu.dma_semaphore, #tpu.memory_space<semaphore_mem>>
        %dma_start3A_51 = tpu.memref_slice %arg3[%add3A_45] : memref<163840xi32, #tpu.memory_space<hbm>> -> memref<128xi32, #tpu.memory_space<hbm>>
        %dma_start3A_52 = tpu.memref_slice %arg3[%add3A_45] : memref<163840xi32, #tpu.memory_space<hbm>> -> memref<128xi32, #tpu.memory_space<hbm>>
        tpu.enqueue_dma source(%dma_start3A_52 : memref<128xi32, #tpu.memory_space<hbm>>) target(%arg6 : memref<128xi32, #tpu.memory_space<vmem>>) target_semaphore(%run_scoped3A : memref<!tpu.dma_semaphore, #tpu.memory_space<semaphore_mem>>)
        %dma_wait3A_53 = tpu.memref_slice %arg3[%add3A_45] : memref<163840xi32, #tpu.memory_space<hbm>> -> memref<128xi32, #tpu.memory_space<hbm>>
        %dma_wait3A_54 = tpu.memref_slice %arg3[%add3A_45] : memref<163840xi32, #tpu.memory_space<hbm>> -> memref<128xi32, #tpu.memory_space<hbm>>
        tpu.wait_dma2 semaphore(%run_scoped3A : memref<!tpu.dma_semaphore, #tpu.memory_space<semaphore_mem>>) src(%dma_wait3A_54 : memref<128xi32, #tpu.memory_space<hbm>>) dst(%arg6 : memref<128xi32, #tpu.memory_space<vmem>>)
        tpu.yield
      }) : () -> ()
      "tpu.region"() ({
        %run_scoped3A = tpu.sem_alloc : memref<!tpu.dma_semaphore, #tpu.memory_space<semaphore_mem>>
        %dma_start3A_51 = tpu.memref_slice %arg4[%add3A_45] : memref<163840xi32, #tpu.memory_space<hbm>> -> memref<128xi32, #tpu.memory_space<hbm>>
        %dma_start3A_52 = tpu.memref_slice %arg4[%add3A_45] : memref<163840xi32, #tpu.memory_space<hbm>> -> memref<128xi32, #tpu.memory_space<hbm>>
        tpu.enqueue_dma source(%dma_start3A_52 : memref<128xi32, #tpu.memory_space<hbm>>) target(%arg7 : memref<128xi32, #tpu.memory_space<vmem>>) target_semaphore(%run_scoped3A : memref<!tpu.dma_semaphore, #tpu.memory_space<semaphore_mem>>)
        %dma_wait3A_53 = tpu.memref_slice %arg4[%add3A_45] : memref<163840xi32, #tpu.memory_space<hbm>> -> memref<128xi32, #tpu.memory_space<hbm>>
        %dma_wait3A_54 = tpu.memref_slice %arg4[%add3A_45] : memref<163840xi32, #tpu.memory_space<hbm>> -> memref<128xi32, #tpu.memory_space<hbm>>
        tpu.wait_dma2 semaphore(%run_scoped3A : memref<!tpu.dma_semaphore, #tpu.memory_space<semaphore_mem>>) src(%dma_wait3A_54 : memref<128xi32, #tpu.memory_space<hbm>>) dst(%arg7 : memref<128xi32, #tpu.memory_space<vmem>>)
        tpu.yield
      }) : () -> ()
      %dma_start3A = arith.constant 0 : i32
      %dma_start3A_46 = arith.constant 0 : i32
      %dma_start3A_47 = tpu.memref_slice %arg2[%dma_start3A, %dma_start3A_46] : memref<10240x128xf32, #tpu.memory_space<hbm>> -> memref<10240x128xf32, #tpu.memory_space<hbm>>
      tpu.enqueue_indirect_dma source(%dma_start3A_47 : memref<10240x128xf32, #tpu.memory_space<hbm>>) target(%arg8 : memref<128x128xf32, #tpu.memory_space<vmem>>) offsets(%arg6 : memref<128xi32, #tpu.memory_space<vmem>>) semaphore(%arg10 : memref<!tpu.dma_semaphore, #tpu.memory_space<semaphore_mem>>)
      %dma_wait3A = arith.constant 0 : i32
      %dma_wait3A_48 = arith.constant 0 : i32
      %dma_wait3A_49 = tpu.memref_slice %arg2[%dma_wait3A, %dma_wait3A_48] : memref<10240x128xf32, #tpu.memory_space<hbm>> -> memref<10240x128xf32, #tpu.memory_space<hbm>>
      tpu.wait_indirect_dma semaphore(%arg10 : memref<!tpu.dma_semaphore, #tpu.memory_space<semaphore_mem>>) src(%dma_wait3A_49 : memref<10240x128xf32, #tpu.memory_space<hbm>>) dst(%arg8 : memref<128x128xf32, #tpu.memory_space<vmem>>)
      "tpu.region"() ({
        %run_scoped3A = tpu.sem_alloc : memref<!tpu.dma_semaphore, #tpu.memory_space<semaphore_mem>>
        %dma_start3A_51 = arith.constant 0 : i32
        %dma_start3A_52 = arith.constant 0 : i32
        %dma_start3A_53 = tpu.memref_slice %arg9[%dma_start3A_51, %dma_start3A_52] : memref<10240x128xf32, #tpu.memory_space<vmem_shared>> -> memref<10240x128xf32, #tpu.memory_space<vmem_shared>>
        tpu.enqueue_indirect_dma source(%arg8 : memref<128x128xf32, #tpu.memory_space<vmem>>) target(%dma_start3A_53 : memref<10240x128xf32, #tpu.memory_space<vmem_shared>>) offsets(%arg7 : memref<128xi32, #tpu.memory_space<vmem>>) semaphore(%run_scoped3A : memref<!tpu.dma_semaphore, #tpu.memory_space<semaphore_mem>>) {add = true}
        %dma_wait3A_54 = arith.constant 0 : i32
        %dma_wait3A_55 = arith.constant 0 : i32
        %dma_wait3A_56 = tpu.memref_slice %arg9[%dma_wait3A_54, %dma_wait3A_55] : memref<10240x128xf32, #tpu.memory_space<vmem_shared>> -> memref<10240x128xf32, #tpu.memory_space<vmem_shared>>
        tpu.wait_indirect_dma semaphore(%run_scoped3A : memref<!tpu.dma_semaphore, #tpu.memory_space<semaphore_mem>>) src(%arg8 : memref<128x128xf32, #tpu.memory_space<vmem>>) dst(%dma_wait3A_56 : memref<10240x128xf32, #tpu.memory_space<vmem_shared>>)
        tpu.yield
      }) : () -> ()
      %scan3A_50 = arith.constant 0 : i32
      scf.yield %scan3A_50 : i32
    }
    %scan3A_33 = arith.constant 40 : i32
    %barrier3A_34 = arith.constant 0 : index
    tpu.barrier barrier_id(%barrier3A_34)
    %mul3A_35 = arith.constant 640 : i32
    %mul3A_36 = arith.muli %arg1, %mul3A_35 : i32
    %mul3A_37 = arith.constant 640 : i32
    %mul3A_38 = arith.muli %arg1, %mul3A_37 : i32
    "tpu.region"() ({
      %run_scoped3A = tpu.sem_alloc : memref<!tpu.dma_semaphore, #tpu.memory_space<semaphore_mem>>
      %dma_start3A = arith.constant 0 : i32
      %dma_start3A_39 = tpu.memref_slice %arg5[%arg0, %mul3A_38, %dma_start3A] : memref<2x10240x128xf32, #tpu.memory_space<hbm>> -> memref<1x640x128xf32, #tpu.memory_space<hbm>>
      %dma_start3A_40 = tpu.memref_squeeze %dma_start3A_39 : memref<1x640x128xf32, #tpu.memory_space<hbm>> -> memref<640x128xf32, #tpu.memory_space<hbm>>
      %dma_start3A_41 = arith.constant 0 : i32
      %dma_start3A_42 = tpu.memref_slice %arg9[%mul3A_36, %dma_start3A_41] : memref<10240x128xf32, #tpu.memory_space<vmem_shared>> -> memref<640x128xf32, #tpu.memory_space<vmem_shared>>
      tpu.enqueue_dma source(%dma_start3A_42 : memref<640x128xf32, #tpu.memory_space<vmem_shared>>) target(%dma_start3A_40 : memref<640x128xf32, #tpu.memory_space<hbm>>) target_semaphore(%run_scoped3A : memref<!tpu.dma_semaphore, #tpu.memory_space<semaphore_mem>>)
      %dma_wait3A = arith.constant 0 : i32
      %dma_wait3A_43 = tpu.memref_slice %arg5[%arg0, %mul3A_38, %dma_wait3A] : memref<2x10240x128xf32, #tpu.memory_space<hbm>> -> memref<1x640x128xf32, #tpu.memory_space<hbm>>
      %dma_wait3A_44 = tpu.memref_squeeze %dma_wait3A_43 : memref<1x640x128xf32, #tpu.memory_space<hbm>> -> memref<640x128xf32, #tpu.memory_space<hbm>>
      %dma_wait3A_45 = arith.constant 0 : i32
      %dma_wait3A_46 = tpu.memref_slice %arg9[%mul3A_36, %dma_wait3A_45] : memref<10240x128xf32, #tpu.memory_space<vmem_shared>> -> memref<640x128xf32, #tpu.memory_space<vmem_shared>>
      tpu.wait_dma2 semaphore(%run_scoped3A : memref<!tpu.dma_semaphore, #tpu.memory_space<semaphore_mem>>) src(%dma_wait3A_46 : memref<640x128xf32, #tpu.memory_space<vmem_shared>>) dst(%dma_wait3A_44 : memref<640x128xf32, #tpu.memory_space<hbm>>)
      tpu.yield
    }) : () -> ()
    return
  }
}

#map = affine_map<(d0, d1) -> (0, 0)>
#map1 = affine_map<(d0, d1) -> (0)>
module attributes {stable_mosaic.version = 14 : i64} {
  func.func @_prologue(%arg0: i32, %arg1: i32, %arg2: memref<64x128xi32, #tpu.memory_space<hbm>>, %arg3: memref<163840xi32, #tpu.memory_space<hbm>>, %arg4: memref<163840xi32, #tpu.memory_space<hbm>>, %arg5: memref<10240xf32, #tpu.memory_space<hbm>>, %arg6: memref<2x10240xf32, #tpu.memory_space<hbm>>, %arg7: memref<327680xi32, #tpu.memory_space<hbm>>, %arg8: memref<4x128xi32, #tpu.memory_space<vmem>>, %arg9: memref<128xf32, #tpu.memory_space<vmem>>, %arg10: memref<128xi32, #tpu.memory_space<vmem>>, %arg11: memref<128xi32, #tpu.memory_space<vmem>>, %arg12: memref<128xf32, #tpu.memory_space<vmem>>, %arg13: memref<256xi32, #tpu.memory_space<vmem>>, %arg14: memref<10240xf32, #tpu.memory_space<vmem>>, %arg15: memref<640xf32, #tpu.memory_space<vmem>>, %arg16: memref<10240xf32, #tpu.memory_space<vmem_shared>>, %arg17: memref<10240xf32, #tpu.memory_space<vmem_shared>>) attributes {dimension_semantics = [#tpu.dimension_semantics<core_parallel>, #tpu.dimension_semantics<subcore_parallel>], iteration_bounds = array<i64: 2, 16>, scalar_prefetch = 0 : i64, scratch_operands = 10 : i64, tpu.core_type = #tpu.core_type<sc_vector_subcore>, window_params = [{transform_indices = #map}, {transform_indices = #map1}, {transform_indices = #map1}, {transform_indices = #map1}, {transform_indices = #map}, {transform_indices = #map1}]} {
    %mul3A = arith.constant 2 : i32
    %mul3A_0 = arith.muli %arg1, %mul3A : i32
    %add3A = arith.addi %mul3A_0, %arg0 : i32
    %scan3A = arith.constant 0 : i32
    %scan3A_1 = arith.constant 0 : i32
    %scan3A_2 = arith.constant 40 : i32
    %scan3A_3 = arith.addi %scan3A_1, %scan3A_2 : i32
    %scan3A_4 = arith.constant 1 : i32
    %scan3A_5 = scf.for %scan3A_39 = %scan3A_1 to %scan3A_3 step %scan3A_4 iter_args(%scan3A_40 = %scan3A) -> (i32)  : i32 {
      %broadcast_in_dim3A_41 = arith.constant 0.000000e+00 : f32
      %broadcast_in_dim3A_42 = vector.broadcast %broadcast_in_dim3A_41 : f32 to vector<16xf32>
      %mul3A_43 = arith.constant 16 : i32
      %mul3A_44 = arith.muli %scan3A_39, %mul3A_43 : i32
      %swap3A = arith.index_cast %mul3A_44 : i32 to index
      %swap3A_45 = tpu.vector_load %arg15[%swap3A] {strides = array<i32>} : memref<640xf32, #tpu.memory_space<vmem>>, vector<16xf32>,
      tpu.vector_store %arg15[%swap3A], %broadcast_in_dim3A_42 {strides = array<i32>} : memref<640xf32, #tpu.memory_space<vmem>>, vector<16xf32>,
      %scan3A_46 = arith.constant 0 : i32
      scf.yield %scan3A_46 : i32
    }
    %scan3A_6 = arith.constant 40 : i32
    %mul3A_7 = arith.constant 640 : i32
    %mul3A_8 = arith.muli %arg1, %mul3A_7 : i32
    "tpu.region"() ({
      %run_scoped3A_39 = tpu.sem_alloc : memref<!tpu.dma_semaphore, #tpu.memory_space<semaphore_mem>>
      %dma_start3A = tpu.memref_slice %arg16[%mul3A_8] : memref<10240xf32, #tpu.memory_space<vmem_shared>> -> memref<640xf32, #tpu.memory_space<vmem_shared>>
      %dma_start3A_40 = tpu.memref_slice %arg16[%mul3A_8] : memref<10240xf32, #tpu.memory_space<vmem_shared>> -> memref<640xf32, #tpu.memory_space<vmem_shared>>
      tpu.enqueue_dma source(%arg15 : memref<640xf32, #tpu.memory_space<vmem>>) target(%dma_start3A_40 : memref<640xf32, #tpu.memory_space<vmem_shared>>) target_semaphore(%run_scoped3A_39 : memref<!tpu.dma_semaphore, #tpu.memory_space<semaphore_mem>>)
      %dma_wait3A = tpu.memref_slice %arg16[%mul3A_8] : memref<10240xf32, #tpu.memory_space<vmem_shared>> -> memref<640xf32, #tpu.memory_space<vmem_shared>>
      %dma_wait3A_41 = tpu.memref_slice %arg16[%mul3A_8] : memref<10240xf32, #tpu.memory_space<vmem_shared>> -> memref<640xf32, #tpu.memory_space<vmem_shared>>
      tpu.wait_dma2 semaphore(%run_scoped3A_39 : memref<!tpu.dma_semaphore, #tpu.memory_space<semaphore_mem>>) src(%arg15 : memref<640xf32, #tpu.memory_space<vmem>>) dst(%dma_wait3A_41 : memref<640xf32, #tpu.memory_space<vmem_shared>>)
      tpu.yield
    }) : () -> ()
    %mul3A_9 = arith.constant 640 : i32
    %mul3A_10 = arith.muli %arg1, %mul3A_9 : i32
    "tpu.region"() ({
      %run_scoped3A_39 = tpu.sem_alloc : memref<!tpu.dma_semaphore, #tpu.memory_space<semaphore_mem>>
      %dma_start3A = tpu.memref_slice %arg17[%mul3A_10] : memref<10240xf32, #tpu.memory_space<vmem_shared>> -> memref<640xf32, #tpu.memory_space<vmem_shared>>
      %dma_start3A_40 = tpu.memref_slice %arg17[%mul3A_10] : memref<10240xf32, #tpu.memory_space<vmem_shared>> -> memref<640xf32, #tpu.memory_space<vmem_shared>>
      tpu.enqueue_dma source(%arg15 : memref<640xf32, #tpu.memory_space<vmem>>) target(%dma_start3A_40 : memref<640xf32, #tpu.memory_space<vmem_shared>>) target_semaphore(%run_scoped3A_39 : memref<!tpu.dma_semaphore, #tpu.memory_space<semaphore_mem>>)
      %dma_wait3A = tpu.memref_slice %arg17[%mul3A_10] : memref<10240xf32, #tpu.memory_space<vmem_shared>> -> memref<640xf32, #tpu.memory_space<vmem_shared>>
      %dma_wait3A_41 = tpu.memref_slice %arg17[%mul3A_10] : memref<10240xf32, #tpu.memory_space<vmem_shared>> -> memref<640xf32, #tpu.memory_space<vmem_shared>>
      tpu.wait_dma2 semaphore(%run_scoped3A_39 : memref<!tpu.dma_semaphore, #tpu.memory_space<semaphore_mem>>) src(%arg15 : memref<640xf32, #tpu.memory_space<vmem>>) dst(%dma_wait3A_41 : memref<640xf32, #tpu.memory_space<vmem_shared>>)
      tpu.yield
    }) : () -> ()
    %scan3A_11 = arith.constant 0 : i32
    %scan3A_12 = arith.constant 0 : i32
    %scan3A_13 = arith.constant 8 : i32
    %scan3A_14 = arith.addi %scan3A_12, %scan3A_13 : i32
    %scan3A_15 = arith.constant 1 : i32
    %scan3A_16 = scf.for %scan3A_39 = %scan3A_12 to %scan3A_14 step %scan3A_15 iter_args(%scan3A_40 = %scan3A_11) -> (i32)  : i32 {
      %broadcast_in_dim3A_41 = arith.constant 1.000000e+00 : f32
      %broadcast_in_dim3A_42 = vector.broadcast %broadcast_in_dim3A_41 : f32 to vector<16xf32>
      %mul3A_43 = arith.constant 16 : i32
      %mul3A_44 = arith.muli %scan3A_39, %mul3A_43 : i32
      %swap3A = arith.index_cast %mul3A_44 : i32 to index
      %swap3A_45 = tpu.vector_load %arg9[%swap3A] {strides = array<i32>} : memref<128xf32, #tpu.memory_space<vmem>>, vector<16xf32>,
      tpu.vector_store %arg9[%swap3A], %broadcast_in_dim3A_42 {strides = array<i32>} : memref<128xf32, #tpu.memory_space<vmem>>, vector<16xf32>,
      %scan3A_46 = arith.constant 0 : i32
      scf.yield %scan3A_46 : i32
    }
    %scan3A_17 = arith.constant 8 : i32
    %barrier3A = arith.constant 0 : index
    tpu.barrier barrier_id(%barrier3A)
    %mul3A_18 = arith.constant 4 : i32
    %mul3A_19 = arith.muli %arg1, %mul3A_18 : i32
    "tpu.region"() ({
      %run_scoped3A_39 = tpu.sem_alloc : memref<!tpu.dma_semaphore, #tpu.memory_space<semaphore_mem>>
      %dma_start3A = arith.constant 0 : i32
      %dma_start3A_40 = tpu.memref_slice %arg2[%mul3A_19, %dma_start3A] : memref<64x128xi32, #tpu.memory_space<hbm>> -> memref<4x128xi32, #tpu.memory_space<hbm>>
      %dma_start3A_41 = arith.constant 0 : i32
      %dma_start3A_42 = tpu.memref_slice %arg2[%mul3A_19, %dma_start3A_41] : memref<64x128xi32, #tpu.memory_space<hbm>> -> memref<4x128xi32, #tpu.memory_space<hbm>>
      tpu.enqueue_dma source(%dma_start3A_42 : memref<4x128xi32, #tpu.memory_space<hbm>>) target(%arg8 : memref<4x128xi32, #tpu.memory_space<vmem>>) target_semaphore(%run_scoped3A_39 : memref<!tpu.dma_semaphore, #tpu.memory_space<semaphore_mem>>)
      %dma_wait3A = arith.constant 0 : i32
      %dma_wait3A_43 = tpu.memref_slice %arg2[%mul3A_19, %dma_wait3A] : memref<64x128xi32, #tpu.memory_space<hbm>> -> memref<4x128xi32, #tpu.memory_space<hbm>>
      %dma_wait3A_44 = arith.constant 0 : i32
      %dma_wait3A_45 = tpu.memref_slice %arg2[%mul3A_19, %dma_wait3A_44] : memref<64x128xi32, #tpu.memory_space<hbm>> -> memref<4x128xi32, #tpu.memory_space<hbm>>
      tpu.wait_dma2 semaphore(%run_scoped3A_39 : memref<!tpu.dma_semaphore, #tpu.memory_space<semaphore_mem>>) src(%dma_wait3A_45 : memref<4x128xi32, #tpu.memory_space<hbm>>) dst(%arg8 : memref<4x128xi32, #tpu.memory_space<vmem>>)
      tpu.yield
    }) : () -> ()
    %run_scoped3A = arith.constant 0 : i32
    "tpu.region"() ({
      %run_scoped3A_39 = tpu.sem_alloc : memref<!tpu.dma_semaphore, #tpu.memory_space<semaphore_mem>>
      %dma_start3A = arith.constant 0 : i32
      %dma_start3A_40 = tpu.memref_slice %arg8[%run_scoped3A, %dma_start3A] : memref<4x128xi32, #tpu.memory_space<vmem>> -> memref<1x128xi32, #tpu.memory_space<vmem>>
      %dma_start3A_41 = tpu.memref_squeeze %dma_start3A_40 : memref<1x128xi32, #tpu.memory_space<vmem>> -> memref<128xi32, #tpu.memory_space<vmem>>
      %dma_start3A_42 = arith.constant 0 : i32
      %dma_start3A_43 = tpu.memref_slice %arg16[%dma_start3A_42] : memref<10240xf32, #tpu.memory_space<vmem_shared>> -> memref<10240xf32, #tpu.memory_space<vmem_shared>>
      tpu.enqueue_indirect_dma source(%arg9 : memref<128xf32, #tpu.memory_space<vmem>>) target(%dma_start3A_43 : memref<10240xf32, #tpu.memory_space<vmem_shared>>) offsets(%dma_start3A_41 : memref<128xi32, #tpu.memory_space<vmem>>) semaphore(%run_scoped3A_39 : memref<!tpu.dma_semaphore, #tpu.memory_space<semaphore_mem>>)
      %dma_wait3A = arith.constant 0 : i32
      %dma_wait3A_44 = tpu.memref_slice %arg8[%run_scoped3A, %dma_wait3A] : memref<4x128xi32, #tpu.memory_space<vmem>> -> memref<1x128xi32, #tpu.memory_space<vmem>>
      %dma_wait3A_45 = tpu.memref_squeeze %dma_wait3A_44 : memref<1x128xi32, #tpu.memory_space<vmem>> -> memref<128xi32, #tpu.memory_space<vmem>>
      %dma_wait3A_46 = arith.constant 0 : i32
      %dma_wait3A_47 = tpu.memref_slice %arg16[%dma_wait3A_46] : memref<10240xf32, #tpu.memory_space<vmem_shared>> -> memref<10240xf32, #tpu.memory_space<vmem_shared>>
      tpu.wait_indirect_dma semaphore(%run_scoped3A_39 : memref<!tpu.dma_semaphore, #tpu.memory_space<semaphore_mem>>) src(%arg9 : memref<128xf32, #tpu.memory_space<vmem>>) dst(%dma_wait3A_47 : memref<10240xf32, #tpu.memory_space<vmem_shared>>)
      tpu.yield
    }) : () -> ()
    %run_scoped3A_20 = arith.constant 1 : i32
    "tpu.region"() ({
      %run_scoped3A_39 = tpu.sem_alloc : memref<!tpu.dma_semaphore, #tpu.memory_space<semaphore_mem>>
      %dma_start3A = arith.constant 0 : i32
      %dma_start3A_40 = tpu.memref_slice %arg8[%run_scoped3A_20, %dma_start3A] : memref<4x128xi32, #tpu.memory_space<vmem>> -> memref<1x128xi32, #tpu.memory_space<vmem>>
      %dma_start3A_41 = tpu.memref_squeeze %dma_start3A_40 : memref<1x128xi32, #tpu.memory_space<vmem>> -> memref<128xi32, #tpu.memory_space<vmem>>
      %dma_start3A_42 = arith.constant 0 : i32
      %dma_start3A_43 = tpu.memref_slice %arg16[%dma_start3A_42] : memref<10240xf32, #tpu.memory_space<vmem_shared>> -> memref<10240xf32, #tpu.memory_space<vmem_shared>>
      tpu.enqueue_indirect_dma source(%arg9 : memref<128xf32, #tpu.memory_space<vmem>>) target(%dma_start3A_43 : memref<10240xf32, #tpu.memory_space<vmem_shared>>) offsets(%dma_start3A_41 : memref<128xi32, #tpu.memory_space<vmem>>) semaphore(%run_scoped3A_39 : memref<!tpu.dma_semaphore, #tpu.memory_space<semaphore_mem>>)
      %dma_wait3A = arith.constant 0 : i32
      %dma_wait3A_44 = tpu.memref_slice %arg8[%run_scoped3A_20, %dma_wait3A] : memref<4x128xi32, #tpu.memory_space<vmem>> -> memref<1x128xi32, #tpu.memory_space<vmem>>
      %dma_wait3A_45 = tpu.memref_squeeze %dma_wait3A_44 : memref<1x128xi32, #tpu.memory_space<vmem>> -> memref<128xi32, #tpu.memory_space<vmem>>
      %dma_wait3A_46 = arith.constant 0 : i32
      %dma_wait3A_47 = tpu.memref_slice %arg16[%dma_wait3A_46] : memref<10240xf32, #tpu.memory_space<vmem_shared>> -> memref<10240xf32, #tpu.memory_space<vmem_shared>>
      tpu.wait_indirect_dma semaphore(%run_scoped3A_39 : memref<!tpu.dma_semaphore, #tpu.memory_space<semaphore_mem>>) src(%arg9 : memref<128xf32, #tpu.memory_space<vmem>>) dst(%dma_wait3A_47 : memref<10240xf32, #tpu.memory_space<vmem_shared>>)
      tpu.yield
    }) : () -> ()
    %run_scoped3A_21 = arith.constant 2 : i32
    "tpu.region"() ({
      %run_scoped3A_39 = tpu.sem_alloc : memref<!tpu.dma_semaphore, #tpu.memory_space<semaphore_mem>>
      %dma_start3A = arith.constant 0 : i32
      %dma_start3A_40 = tpu.memref_slice %arg8[%run_scoped3A_21, %dma_start3A] : memref<4x128xi32, #tpu.memory_space<vmem>> -> memref<1x128xi32, #tpu.memory_space<vmem>>
      %dma_start3A_41 = tpu.memref_squeeze %dma_start3A_40 : memref<1x128xi32, #tpu.memory_space<vmem>> -> memref<128xi32, #tpu.memory_space<vmem>>
      %dma_start3A_42 = arith.constant 0 : i32
      %dma_start3A_43 = tpu.memref_slice %arg16[%dma_start3A_42] : memref<10240xf32, #tpu.memory_space<vmem_shared>> -> memref<10240xf32, #tpu.memory_space<vmem_shared>>
      tpu.enqueue_indirect_dma source(%arg9 : memref<128xf32, #tpu.memory_space<vmem>>) target(%dma_start3A_43 : memref<10240xf32, #tpu.memory_space<vmem_shared>>) offsets(%dma_start3A_41 : memref<128xi32, #tpu.memory_space<vmem>>) semaphore(%run_scoped3A_39 : memref<!tpu.dma_semaphore, #tpu.memory_space<semaphore_mem>>)
      %dma_wait3A = arith.constant 0 : i32
      %dma_wait3A_44 = tpu.memref_slice %arg8[%run_scoped3A_21, %dma_wait3A] : memref<4x128xi32, #tpu.memory_space<vmem>> -> memref<1x128xi32, #tpu.memory_space<vmem>>
      %dma_wait3A_45 = tpu.memref_squeeze %dma_wait3A_44 : memref<1x128xi32, #tpu.memory_space<vmem>> -> memref<128xi32, #tpu.memory_space<vmem>>
      %dma_wait3A_46 = arith.constant 0 : i32
      %dma_wait3A_47 = tpu.memref_slice %arg16[%dma_wait3A_46] : memref<10240xf32, #tpu.memory_space<vmem_shared>> -> memref<10240xf32, #tpu.memory_space<vmem_shared>>
      tpu.wait_indirect_dma semaphore(%run_scoped3A_39 : memref<!tpu.dma_semaphore, #tpu.memory_space<semaphore_mem>>) src(%arg9 : memref<128xf32, #tpu.memory_space<vmem>>) dst(%dma_wait3A_47 : memref<10240xf32, #tpu.memory_space<vmem_shared>>)
      tpu.yield
    }) : () -> ()
    %run_scoped3A_22 = arith.constant 3 : i32
    "tpu.region"() ({
      %run_scoped3A_39 = tpu.sem_alloc : memref<!tpu.dma_semaphore, #tpu.memory_space<semaphore_mem>>
      %dma_start3A = arith.constant 0 : i32
      %dma_start3A_40 = tpu.memref_slice %arg8[%run_scoped3A_22, %dma_start3A] : memref<4x128xi32, #tpu.memory_space<vmem>> -> memref<1x128xi32, #tpu.memory_space<vmem>>
      %dma_start3A_41 = tpu.memref_squeeze %dma_start3A_40 : memref<1x128xi32, #tpu.memory_space<vmem>> -> memref<128xi32, #tpu.memory_space<vmem>>
      %dma_start3A_42 = arith.constant 0 : i32
      %dma_start3A_43 = tpu.memref_slice %arg16[%dma_start3A_42] : memref<10240xf32, #tpu.memory_space<vmem_shared>> -> memref<10240xf32, #tpu.memory_space<vmem_shared>>
      tpu.enqueue_indirect_dma source(%arg9 : memref<128xf32, #tpu.memory_space<vmem>>) target(%dma_start3A_43 : memref<10240xf32, #tpu.memory_space<vmem_shared>>) offsets(%dma_start3A_41 : memref<128xi32, #tpu.memory_space<vmem>>) semaphore(%run_scoped3A_39 : memref<!tpu.dma_semaphore, #tpu.memory_space<semaphore_mem>>)
      %dma_wait3A = arith.constant 0 : i32
      %dma_wait3A_44 = tpu.memref_slice %arg8[%run_scoped3A_22, %dma_wait3A] : memref<4x128xi32, #tpu.memory_space<vmem>> -> memref<1x128xi32, #tpu.memory_space<vmem>>
      %dma_wait3A_45 = tpu.memref_squeeze %dma_wait3A_44 : memref<1x128xi32, #tpu.memory_space<vmem>> -> memref<128xi32, #tpu.memory_space<vmem>>
      %dma_wait3A_46 = arith.constant 0 : i32
      %dma_wait3A_47 = tpu.memref_slice %arg16[%dma_wait3A_46] : memref<10240xf32, #tpu.memory_space<vmem_shared>> -> memref<10240xf32, #tpu.memory_space<vmem_shared>>
      tpu.wait_indirect_dma semaphore(%run_scoped3A_39 : memref<!tpu.dma_semaphore, #tpu.memory_space<semaphore_mem>>) src(%arg9 : memref<128xf32, #tpu.memory_space<vmem>>) dst(%dma_wait3A_47 : memref<10240xf32, #tpu.memory_space<vmem_shared>>)
      tpu.yield
    }) : () -> ()
    %barrier3A_23 = arith.constant 0 : index
    tpu.barrier barrier_id(%barrier3A_23)
    "tpu.region"() ({
      %run_scoped3A_39 = tpu.sem_alloc : memref<!tpu.dma_semaphore, #tpu.memory_space<semaphore_mem>>
      tpu.enqueue_dma source(%arg16 : memref<10240xf32, #tpu.memory_space<vmem_shared>>) target(%arg14 : memref<10240xf32, #tpu.memory_space<vmem>>) target_semaphore(%run_scoped3A_39 : memref<!tpu.dma_semaphore, #tpu.memory_space<semaphore_mem>>)
      tpu.wait_dma2 semaphore(%run_scoped3A_39 : memref<!tpu.dma_semaphore, #tpu.memory_space<semaphore_mem>>) src(%arg16 : memref<10240xf32, #tpu.memory_space<vmem_shared>>) dst(%arg14 : memref<10240xf32, #tpu.memory_space<vmem>>)
      tpu.yield
    }) : () -> ()
    %iota3A = tpu.iota {dimensions = array<i32: 0>} : vector<16xi32>
    %broadcast_in_dim3A = arith.constant 10000 : i32
    %broadcast_in_dim3A_24 = vector.broadcast %broadcast_in_dim3A : i32 to vector<16xi32>
    %scan3A_25 = arith.constant 0 : i32
    %scan3A_26 = arith.constant 0 : i32
    %scan3A_27 = arith.constant 40 : i32
    %scan3A_28 = arith.addi %scan3A_26, %scan3A_27 : i32
    %scan3A_29 = arith.constant 1 : i32
    %scan3A_30 = scf.for %scan3A_39 = %scan3A_26 to %scan3A_28 step %scan3A_29 iter_args(%scan3A_40 = %scan3A_25) -> (i32)  : i32 {
      %mul3A_41 = arith.constant 5120 : i32
      %mul3A_42 = arith.muli %add3A, %mul3A_41 : i32
      %mul3A_43 = arith.constant 128 : i32
      %mul3A_44 = arith.muli %scan3A_39, %mul3A_43 : i32
      %add3A_45 = arith.addi %mul3A_42, %mul3A_44 : i32
      "tpu.region"() ({
        %run_scoped3A_244 = tpu.sem_alloc : memref<!tpu.dma_semaphore, #tpu.memory_space<semaphore_mem>>
        %dma_start3A = tpu.memref_slice %arg3[%add3A_45] : memref<163840xi32, #tpu.memory_space<hbm>> -> memref<128xi32, #tpu.memory_space<hbm>>
        %dma_start3A_245 = tpu.memref_slice %arg3[%add3A_45] : memref<163840xi32, #tpu.memory_space<hbm>> -> memref<128xi32, #tpu.memory_space<hbm>>
        tpu.enqueue_dma source(%dma_start3A_245 : memref<128xi32, #tpu.memory_space<hbm>>) target(%arg10 : memref<128xi32, #tpu.memory_space<vmem>>) target_semaphore(%run_scoped3A_244 : memref<!tpu.dma_semaphore, #tpu.memory_space<semaphore_mem>>)
        %dma_wait3A = tpu.memref_slice %arg3[%add3A_45] : memref<163840xi32, #tpu.memory_space<hbm>> -> memref<128xi32, #tpu.memory_space<hbm>>
        %dma_wait3A_246 = tpu.memref_slice %arg3[%add3A_45] : memref<163840xi32, #tpu.memory_space<hbm>> -> memref<128xi32, #tpu.memory_space<hbm>>
        tpu.wait_dma2 semaphore(%run_scoped3A_244 : memref<!tpu.dma_semaphore, #tpu.memory_space<semaphore_mem>>) src(%dma_wait3A_246 : memref<128xi32, #tpu.memory_space<hbm>>) dst(%arg10 : memref<128xi32, #tpu.memory_space<vmem>>)
        tpu.yield
      }) : () -> ()
      "tpu.region"() ({
        %run_scoped3A_244 = tpu.sem_alloc : memref<!tpu.dma_semaphore, #tpu.memory_space<semaphore_mem>>
        %dma_start3A = tpu.memref_slice %arg4[%add3A_45] : memref<163840xi32, #tpu.memory_space<hbm>> -> memref<128xi32, #tpu.memory_space<hbm>>
        %dma_start3A_245 = tpu.memref_slice %arg4[%add3A_45] : memref<163840xi32, #tpu.memory_space<hbm>> -> memref<128xi32, #tpu.memory_space<hbm>>
        tpu.enqueue_dma source(%dma_start3A_245 : memref<128xi32, #tpu.memory_space<hbm>>) target(%arg11 : memref<128xi32, #tpu.memory_space<vmem>>) target_semaphore(%run_scoped3A_244 : memref<!tpu.dma_semaphore, #tpu.memory_space<semaphore_mem>>)
        %dma_wait3A = tpu.memref_slice %arg4[%add3A_45] : memref<163840xi32, #tpu.memory_space<hbm>> -> memref<128xi32, #tpu.memory_space<hbm>>
        %dma_wait3A_246 = tpu.memref_slice %arg4[%add3A_45] : memref<163840xi32, #tpu.memory_space<hbm>> -> memref<128xi32, #tpu.memory_space<hbm>>
        tpu.wait_dma2 semaphore(%run_scoped3A_244 : memref<!tpu.dma_semaphore, #tpu.memory_space<semaphore_mem>>) src(%dma_wait3A_246 : memref<128xi32, #tpu.memory_space<hbm>>) dst(%arg11 : memref<128xi32, #tpu.memory_space<vmem>>)
        tpu.yield
      }) : () -> ()
      %get3A = arith.constant 0 : index
      %get3A_46 = tpu.vector_load %arg10[%get3A] {strides = array<i32>} : memref<128xi32, #tpu.memory_space<vmem>>, vector<16xi32>,
      %get3A_47 = arith.constant 0 : index
      %get3A_48 = tpu.vector_load %arg11[%get3A_47] {strides = array<i32>} : memref<128xi32, #tpu.memory_space<vmem>>, vector<16xi32>,
      %gather3A = tpu.vector_load_idx %arg14[%get3A_46] : memref<10240xf32, #tpu.memory_space<vmem>>[vector<16xi32>], vector<16xf32>,
      %gather3A_49 = tpu.vector_load_idx %arg14[%get3A_48] : memref<10240xf32, #tpu.memory_space<vmem>>[vector<16xi32>], vector<16xf32>,
      %gt3A = arith.constant 0.000000e+00 : f32
      %gt3A_50 = vector.broadcast %gt3A : f32 to vector<16xf32>
      %gt3A_51 = arith.cmpf ogt, %gather3A_49, %gt3A_50 : vector<16xf32>
      %select_n3A = arith.select %gt3A_51, %get3A_46, %broadcast_in_dim3A_24 : vector<16xi1>, vector<16xi32>
      %gt3A_52 = arith.constant 0.000000e+00 : f32
      %gt3A_53 = vector.broadcast %gt3A_52 : f32 to vector<16xf32>
      %gt3A_54 = arith.cmpf ogt, %gather3A, %gt3A_53 : vector<16xf32>
      %select_n3A_55 = arith.select %gt3A_54, %get3A_48, %broadcast_in_dim3A_24 : vector<16xi1>, vector<16xi32>
      %mul3A_56 = arith.constant 2 : i32
      %mul3A_57 = vector.broadcast %mul3A_56 : i32 to vector<16xi32>
      %mul3A_58 = arith.muli %mul3A_57, %iota3A : vector<16xi32>
      %add3A_59 = arith.constant 0 : i32
      %add3A_60 = vector.broadcast %add3A_59 : i32 to vector<16xi32>
      %add3A_61 = arith.addi %add3A_60, %mul3A_58 : vector<16xi32>
      tpu.vector_store_idx %arg13[%add3A_61], %select_n3A : memref<256xi32, #tpu.memory_space<vmem>>[vector<16xi32>], vector<16xi32>,
      %add3A_62 = arith.constant 1 : i32
      %add3A_63 = vector.broadcast %add3A_62 : i32 to vector<16xi32>
      %add3A_64 = arith.addi %add3A_61, %add3A_63 : vector<16xi32>
      tpu.vector_store_idx %arg13[%add3A_64], %select_n3A_55 : memref<256xi32, #tpu.memory_space<vmem>>[vector<16xi32>], vector<16xi32>,
      %swap3A = arith.constant 0 : index
      %swap3A_65 = tpu.vector_load %arg12[%swap3A] {strides = array<i32>} : memref<128xf32, #tpu.memory_space<vmem>>, vector<16xf32>,
      tpu.vector_store %arg12[%swap3A], %gather3A {strides = array<i32>} : memref<128xf32, #tpu.memory_space<vmem>>, vector<16xf32>,
      %get3A_66 = arith.constant 16 : index
      %get3A_67 = tpu.vector_load %arg10[%get3A_66] {strides = array<i32>} : memref<128xi32, #tpu.memory_space<vmem>>, vector<16xi32>,
      %get3A_68 = arith.constant 16 : index
      %get3A_69 = tpu.vector_load %arg11[%get3A_68] {strides = array<i32>} : memref<128xi32, #tpu.memory_space<vmem>>, vector<16xi32>,
      %gather3A_70 = tpu.vector_load_idx %arg14[%get3A_67] : memref<10240xf32, #tpu.memory_space<vmem>>[vector<16xi32>], vector<16xf32>,
      %gather3A_71 = tpu.vector_load_idx %arg14[%get3A_69] : memref<10240xf32, #tpu.memory_space<vmem>>[vector<16xi32>], vector<16xf32>,
      %gt3A_72 = arith.constant 0.000000e+00 : f32
      %gt3A_73 = vector.broadcast %gt3A_72 : f32 to vector<16xf32>
      %gt3A_74 = arith.cmpf ogt, %gather3A_71, %gt3A_73 : vector<16xf32>
      %select_n3A_75 = arith.select %gt3A_74, %get3A_67, %broadcast_in_dim3A_24 : vector<16xi1>, vector<16xi32>
      %gt3A_76 = arith.constant 0.000000e+00 : f32
      %gt3A_77 = vector.broadcast %gt3A_76 : f32 to vector<16xf32>
      %gt3A_78 = arith.cmpf ogt, %gather3A_70, %gt3A_77 : vector<16xf32>
      %select_n3A_79 = arith.select %gt3A_78, %get3A_69, %broadcast_in_dim3A_24 : vector<16xi1>, vector<16xi32>
      %mul3A_80 = arith.constant 2 : i32
      %mul3A_81 = vector.broadcast %mul3A_80 : i32 to vector<16xi32>
      %mul3A_82 = arith.muli %mul3A_81, %iota3A : vector<16xi32>
      %add3A_83 = arith.constant 32 : i32
      %add3A_84 = vector.broadcast %add3A_83 : i32 to vector<16xi32>
      %add3A_85 = arith.addi %add3A_84, %mul3A_82 : vector<16xi32>
      tpu.vector_store_idx %arg13[%add3A_85], %select_n3A_75 : memref<256xi32, #tpu.memory_space<vmem>>[vector<16xi32>], vector<16xi32>,
      %add3A_86 = arith.constant 1 : i32
      %add3A_87 = vector.broadcast %add3A_86 : i32 to vector<16xi32>
      %add3A_88 = arith.addi %add3A_85, %add3A_87 : vector<16xi32>
      tpu.vector_store_idx %arg13[%add3A_88], %select_n3A_79 : memref<256xi32, #tpu.memory_space<vmem>>[vector<16xi32>], vector<16xi32>,
      %swap3A_89 = arith.constant 16 : index
      %swap3A_90 = tpu.vector_load %arg12[%swap3A_89] {strides = array<i32>} : memref<128xf32, #tpu.memory_space<vmem>>, vector<16xf32>,
      tpu.vector_store %arg12[%swap3A_89], %gather3A_70 {strides = array<i32>} : memref<128xf32, #tpu.memory_space<vmem>>, vector<16xf32>,
      %get3A_91 = arith.constant 32 : index
      %get3A_92 = tpu.vector_load %arg10[%get3A_91] {strides = array<i32>} : memref<128xi32, #tpu.memory_space<vmem>>, vector<16xi32>,
      %get3A_93 = arith.constant 32 : index
      %get3A_94 = tpu.vector_load %arg11[%get3A_93] {strides = array<i32>} : memref<128xi32, #tpu.memory_space<vmem>>, vector<16xi32>,
      %gather3A_95 = tpu.vector_load_idx %arg14[%get3A_92] : memref<10240xf32, #tpu.memory_space<vmem>>[vector<16xi32>], vector<16xf32>,
      %gather3A_96 = tpu.vector_load_idx %arg14[%get3A_94] : memref<10240xf32, #tpu.memory_space<vmem>>[vector<16xi32>], vector<16xf32>,
      %gt3A_97 = arith.constant 0.000000e+00 : f32
      %gt3A_98 = vector.broadcast %gt3A_97 : f32 to vector<16xf32>
      %gt3A_99 = arith.cmpf ogt, %gather3A_96, %gt3A_98 : vector<16xf32>
      %select_n3A_100 = arith.select %gt3A_99, %get3A_92, %broadcast_in_dim3A_24 : vector<16xi1>, vector<16xi32>
      %gt3A_101 = arith.constant 0.000000e+00 : f32
      %gt3A_102 = vector.broadcast %gt3A_101 : f32 to vector<16xf32>
      %gt3A_103 = arith.cmpf ogt, %gather3A_95, %gt3A_102 : vector<16xf32>
      %select_n3A_104 = arith.select %gt3A_103, %get3A_94, %broadcast_in_dim3A_24 : vector<16xi1>, vector<16xi32>
      %mul3A_105 = arith.constant 2 : i32
      %mul3A_106 = vector.broadcast %mul3A_105 : i32 to vector<16xi32>
      %mul3A_107 = arith.muli %mul3A_106, %iota3A : vector<16xi32>
      %add3A_108 = arith.constant 64 : i32
      %add3A_109 = vector.broadcast %add3A_108 : i32 to vector<16xi32>
      %add3A_110 = arith.addi %add3A_109, %mul3A_107 : vector<16xi32>
      tpu.vector_store_idx %arg13[%add3A_110], %select_n3A_100 : memref<256xi32, #tpu.memory_space<vmem>>[vector<16xi32>], vector<16xi32>,
      %add3A_111 = arith.constant 1 : i32
      %add3A_112 = vector.broadcast %add3A_111 : i32 to vector<16xi32>
      %add3A_113 = arith.addi %add3A_110, %add3A_112 : vector<16xi32>
      tpu.vector_store_idx %arg13[%add3A_113], %select_n3A_104 : memref<256xi32, #tpu.memory_space<vmem>>[vector<16xi32>], vector<16xi32>,
      %swap3A_114 = arith.constant 32 : index
      %swap3A_115 = tpu.vector_load %arg12[%swap3A_114] {strides = array<i32>} : memref<128xf32, #tpu.memory_space<vmem>>, vector<16xf32>,
      tpu.vector_store %arg12[%swap3A_114], %gather3A_95 {strides = array<i32>} : memref<128xf32, #tpu.memory_space<vmem>>, vector<16xf32>,
      %get3A_116 = arith.constant 48 : index
      %get3A_117 = tpu.vector_load %arg10[%get3A_116] {strides = array<i32>} : memref<128xi32, #tpu.memory_space<vmem>>, vector<16xi32>,
      %get3A_118 = arith.constant 48 : index
      %get3A_119 = tpu.vector_load %arg11[%get3A_118] {strides = array<i32>} : memref<128xi32, #tpu.memory_space<vmem>>, vector<16xi32>,
      %gather3A_120 = tpu.vector_load_idx %arg14[%get3A_117] : memref<10240xf32, #tpu.memory_space<vmem>>[vector<16xi32>], vector<16xf32>,
      %gather3A_121 = tpu.vector_load_idx %arg14[%get3A_119] : memref<10240xf32, #tpu.memory_space<vmem>>[vector<16xi32>], vector<16xf32>,
      %gt3A_122 = arith.constant 0.000000e+00 : f32
      %gt3A_123 = vector.broadcast %gt3A_122 : f32 to vector<16xf32>
      %gt3A_124 = arith.cmpf ogt, %gather3A_121, %gt3A_123 : vector<16xf32>
      %select_n3A_125 = arith.select %gt3A_124, %get3A_117, %broadcast_in_dim3A_24 : vector<16xi1>, vector<16xi32>
      %gt3A_126 = arith.constant 0.000000e+00 : f32
      %gt3A_127 = vector.broadcast %gt3A_126 : f32 to vector<16xf32>
      %gt3A_128 = arith.cmpf ogt, %gather3A_120, %gt3A_127 : vector<16xf32>
      %select_n3A_129 = arith.select %gt3A_128, %get3A_119, %broadcast_in_dim3A_24 : vector<16xi1>, vector<16xi32>
      %mul3A_130 = arith.constant 2 : i32
      %mul3A_131 = vector.broadcast %mul3A_130 : i32 to vector<16xi32>
      %mul3A_132 = arith.muli %mul3A_131, %iota3A : vector<16xi32>
      %add3A_133 = arith.constant 96 : i32
      %add3A_134 = vector.broadcast %add3A_133 : i32 to vector<16xi32>
      %add3A_135 = arith.addi %add3A_134, %mul3A_132 : vector<16xi32>
      tpu.vector_store_idx %arg13[%add3A_135], %select_n3A_125 : memref<256xi32, #tpu.memory_space<vmem>>[vector<16xi32>], vector<16xi32>,
      %add3A_136 = arith.constant 1 : i32
      %add3A_137 = vector.broadcast %add3A_136 : i32 to vector<16xi32>
      %add3A_138 = arith.addi %add3A_135, %add3A_137 : vector<16xi32>
      tpu.vector_store_idx %arg13[%add3A_138], %select_n3A_129 : memref<256xi32, #tpu.memory_space<vmem>>[vector<16xi32>], vector<16xi32>,
      %swap3A_139 = arith.constant 48 : index
      %swap3A_140 = tpu.vector_load %arg12[%swap3A_139] {strides = array<i32>} : memref<128xf32, #tpu.memory_space<vmem>>, vector<16xf32>,
      tpu.vector_store %arg12[%swap3A_139], %gather3A_120 {strides = array<i32>} : memref<128xf32, #tpu.memory_space<vmem>>, vector<16xf32>,
      %get3A_141 = arith.constant 64 : index
      %get3A_142 = tpu.vector_load %arg10[%get3A_141] {strides = array<i32>} : memref<128xi32, #tpu.memory_space<vmem>>, vector<16xi32>,
      %get3A_143 = arith.constant 64 : index
      %get3A_144 = tpu.vector_load %arg11[%get3A_143] {strides = array<i32>} : memref<128xi32, #tpu.memory_space<vmem>>, vector<16xi32>,
      %gather3A_145 = tpu.vector_load_idx %arg14[%get3A_142] : memref<10240xf32, #tpu.memory_space<vmem>>[vector<16xi32>], vector<16xf32>,
      %gather3A_146 = tpu.vector_load_idx %arg14[%get3A_144] : memref<10240xf32, #tpu.memory_space<vmem>>[vector<16xi32>], vector<16xf32>,
      %gt3A_147 = arith.constant 0.000000e+00 : f32
      %gt3A_148 = vector.broadcast %gt3A_147 : f32 to vector<16xf32>
      %gt3A_149 = arith.cmpf ogt, %gather3A_146, %gt3A_148 : vector<16xf32>
      %select_n3A_150 = arith.select %gt3A_149, %get3A_142, %broadcast_in_dim3A_24 : vector<16xi1>, vector<16xi32>
      %gt3A_151 = arith.constant 0.000000e+00 : f32
      %gt3A_152 = vector.broadcast %gt3A_151 : f32 to vector<16xf32>
      %gt3A_153 = arith.cmpf ogt, %gather3A_145, %gt3A_152 : vector<16xf32>
      %select_n3A_154 = arith.select %gt3A_153, %get3A_144, %broadcast_in_dim3A_24 : vector<16xi1>, vector<16xi32>
      %mul3A_155 = arith.constant 2 : i32
      %mul3A_156 = vector.broadcast %mul3A_155 : i32 to vector<16xi32>
      %mul3A_157 = arith.muli %mul3A_156, %iota3A : vector<16xi32>
      %add3A_158 = arith.constant 128 : i32
      %add3A_159 = vector.broadcast %add3A_158 : i32 to vector<16xi32>
      %add3A_160 = arith.addi %add3A_159, %mul3A_157 : vector<16xi32>
      tpu.vector_store_idx %arg13[%add3A_160], %select_n3A_150 : memref<256xi32, #tpu.memory_space<vmem>>[vector<16xi32>], vector<16xi32>,
      %add3A_161 = arith.constant 1 : i32
      %add3A_162 = vector.broadcast %add3A_161 : i32 to vector<16xi32>
      %add3A_163 = arith.addi %add3A_160, %add3A_162 : vector<16xi32>
      tpu.vector_store_idx %arg13[%add3A_163], %select_n3A_154 : memref<256xi32, #tpu.memory_space<vmem>>[vector<16xi32>], vector<16xi32>,
      %swap3A_164 = arith.constant 64 : index
      %swap3A_165 = tpu.vector_load %arg12[%swap3A_164] {strides = array<i32>} : memref<128xf32, #tpu.memory_space<vmem>>, vector<16xf32>,
      tpu.vector_store %arg12[%swap3A_164], %gather3A_145 {strides = array<i32>} : memref<128xf32, #tpu.memory_space<vmem>>, vector<16xf32>,
      %get3A_166 = arith.constant 80 : index
      %get3A_167 = tpu.vector_load %arg10[%get3A_166] {strides = array<i32>} : memref<128xi32, #tpu.memory_space<vmem>>, vector<16xi32>,
      %get3A_168 = arith.constant 80 : index
      %get3A_169 = tpu.vector_load %arg11[%get3A_168] {strides = array<i32>} : memref<128xi32, #tpu.memory_space<vmem>>, vector<16xi32>,
      %gather3A_170 = tpu.vector_load_idx %arg14[%get3A_167] : memref<10240xf32, #tpu.memory_space<vmem>>[vector<16xi32>], vector<16xf32>,
      %gather3A_171 = tpu.vector_load_idx %arg14[%get3A_169] : memref<10240xf32, #tpu.memory_space<vmem>>[vector<16xi32>], vector<16xf32>,
      %gt3A_172 = arith.constant 0.000000e+00 : f32
      %gt3A_173 = vector.broadcast %gt3A_172 : f32 to vector<16xf32>
      %gt3A_174 = arith.cmpf ogt, %gather3A_171, %gt3A_173 : vector<16xf32>
      %select_n3A_175 = arith.select %gt3A_174, %get3A_167, %broadcast_in_dim3A_24 : vector<16xi1>, vector<16xi32>
      %gt3A_176 = arith.constant 0.000000e+00 : f32
      %gt3A_177 = vector.broadcast %gt3A_176 : f32 to vector<16xf32>
      %gt3A_178 = arith.cmpf ogt, %gather3A_170, %gt3A_177 : vector<16xf32>
      %select_n3A_179 = arith.select %gt3A_178, %get3A_169, %broadcast_in_dim3A_24 : vector<16xi1>, vector<16xi32>
      %mul3A_180 = arith.constant 2 : i32
      %mul3A_181 = vector.broadcast %mul3A_180 : i32 to vector<16xi32>
      %mul3A_182 = arith.muli %mul3A_181, %iota3A : vector<16xi32>
      %add3A_183 = arith.constant 160 : i32
      %add3A_184 = vector.broadcast %add3A_183 : i32 to vector<16xi32>
      %add3A_185 = arith.addi %add3A_184, %mul3A_182 : vector<16xi32>
      tpu.vector_store_idx %arg13[%add3A_185], %select_n3A_175 : memref<256xi32, #tpu.memory_space<vmem>>[vector<16xi32>], vector<16xi32>,
      %add3A_186 = arith.constant 1 : i32
      %add3A_187 = vector.broadcast %add3A_186 : i32 to vector<16xi32>
      %add3A_188 = arith.addi %add3A_185, %add3A_187 : vector<16xi32>
      tpu.vector_store_idx %arg13[%add3A_188], %select_n3A_179 : memref<256xi32, #tpu.memory_space<vmem>>[vector<16xi32>], vector<16xi32>,
      %swap3A_189 = arith.constant 80 : index
      %swap3A_190 = tpu.vector_load %arg12[%swap3A_189] {strides = array<i32>} : memref<128xf32, #tpu.memory_space<vmem>>, vector<16xf32>,
      tpu.vector_store %arg12[%swap3A_189], %gather3A_170 {strides = array<i32>} : memref<128xf32, #tpu.memory_space<vmem>>, vector<16xf32>,
      %get3A_191 = arith.constant 96 : index
      %get3A_192 = tpu.vector_load %arg10[%get3A_191] {strides = array<i32>} : memref<128xi32, #tpu.memory_space<vmem>>, vector<16xi32>,
      %get3A_193 = arith.constant 96 : index
      %get3A_194 = tpu.vector_load %arg11[%get3A_193] {strides = array<i32>} : memref<128xi32, #tpu.memory_space<vmem>>, vector<16xi32>,
      %gather3A_195 = tpu.vector_load_idx %arg14[%get3A_192] : memref<10240xf32, #tpu.memory_space<vmem>>[vector<16xi32>], vector<16xf32>,
      %gather3A_196 = tpu.vector_load_idx %arg14[%get3A_194] : memref<10240xf32, #tpu.memory_space<vmem>>[vector<16xi32>], vector<16xf32>,
      %gt3A_197 = arith.constant 0.000000e+00 : f32
      %gt3A_198 = vector.broadcast %gt3A_197 : f32 to vector<16xf32>
      %gt3A_199 = arith.cmpf ogt, %gather3A_196, %gt3A_198 : vector<16xf32>
      %select_n3A_200 = arith.select %gt3A_199, %get3A_192, %broadcast_in_dim3A_24 : vector<16xi1>, vector<16xi32>
      %gt3A_201 = arith.constant 0.000000e+00 : f32
      %gt3A_202 = vector.broadcast %gt3A_201 : f32 to vector<16xf32>
      %gt3A_203 = arith.cmpf ogt, %gather3A_195, %gt3A_202 : vector<16xf32>
      %select_n3A_204 = arith.select %gt3A_203, %get3A_194, %broadcast_in_dim3A_24 : vector<16xi1>, vector<16xi32>
      %mul3A_205 = arith.constant 2 : i32
      %mul3A_206 = vector.broadcast %mul3A_205 : i32 to vector<16xi32>
      %mul3A_207 = arith.muli %mul3A_206, %iota3A : vector<16xi32>
      %add3A_208 = arith.constant 192 : i32
      %add3A_209 = vector.broadcast %add3A_208 : i32 to vector<16xi32>
      %add3A_210 = arith.addi %add3A_209, %mul3A_207 : vector<16xi32>
      tpu.vector_store_idx %arg13[%add3A_210], %select_n3A_200 : memref<256xi32, #tpu.memory_space<vmem>>[vector<16xi32>], vector<16xi32>,
      %add3A_211 = arith.constant 1 : i32
      %add3A_212 = vector.broadcast %add3A_211 : i32 to vector<16xi32>
      %add3A_213 = arith.addi %add3A_210, %add3A_212 : vector<16xi32>
      tpu.vector_store_idx %arg13[%add3A_213], %select_n3A_204 : memref<256xi32, #tpu.memory_space<vmem>>[vector<16xi32>], vector<16xi32>,
      %swap3A_214 = arith.constant 96 : index
      %swap3A_215 = tpu.vector_load %arg12[%swap3A_214] {strides = array<i32>} : memref<128xf32, #tpu.memory_space<vmem>>, vector<16xf32>,
      tpu.vector_store %arg12[%swap3A_214], %gather3A_195 {strides = array<i32>} : memref<128xf32, #tpu.memory_space<vmem>>, vector<16xf32>,
      %get3A_216 = arith.constant 112 : index
      %get3A_217 = tpu.vector_load %arg10[%get3A_216] {strides = array<i32>} : memref<128xi32, #tpu.memory_space<vmem>>, vector<16xi32>,
      %get3A_218 = arith.constant 112 : index
      %get3A_219 = tpu.vector_load %arg11[%get3A_218] {strides = array<i32>} : memref<128xi32, #tpu.memory_space<vmem>>, vector<16xi32>,
      %gather3A_220 = tpu.vector_load_idx %arg14[%get3A_217] : memref<10240xf32, #tpu.memory_space<vmem>>[vector<16xi32>], vector<16xf32>,
      %gather3A_221 = tpu.vector_load_idx %arg14[%get3A_219] : memref<10240xf32, #tpu.memory_space<vmem>>[vector<16xi32>], vector<16xf32>,
      %gt3A_222 = arith.constant 0.000000e+00 : f32
      %gt3A_223 = vector.broadcast %gt3A_222 : f32 to vector<16xf32>
      %gt3A_224 = arith.cmpf ogt, %gather3A_221, %gt3A_223 : vector<16xf32>
      %select_n3A_225 = arith.select %gt3A_224, %get3A_217, %broadcast_in_dim3A_24 : vector<16xi1>, vector<16xi32>
      %gt3A_226 = arith.constant 0.000000e+00 : f32
      %gt3A_227 = vector.broadcast %gt3A_226 : f32 to vector<16xf32>
      %gt3A_228 = arith.cmpf ogt, %gather3A_220, %gt3A_227 : vector<16xf32>
      %select_n3A_229 = arith.select %gt3A_228, %get3A_219, %broadcast_in_dim3A_24 : vector<16xi1>, vector<16xi32>
      %mul3A_230 = arith.constant 2 : i32
      %mul3A_231 = vector.broadcast %mul3A_230 : i32 to vector<16xi32>
      %mul3A_232 = arith.muli %mul3A_231, %iota3A : vector<16xi32>
      %add3A_233 = arith.constant 224 : i32
      %add3A_234 = vector.broadcast %add3A_233 : i32 to vector<16xi32>
      %add3A_235 = arith.addi %add3A_234, %mul3A_232 : vector<16xi32>
      tpu.vector_store_idx %arg13[%add3A_235], %select_n3A_225 : memref<256xi32, #tpu.memory_space<vmem>>[vector<16xi32>], vector<16xi32>,
      %add3A_236 = arith.constant 1 : i32
      %add3A_237 = vector.broadcast %add3A_236 : i32 to vector<16xi32>
      %add3A_238 = arith.addi %add3A_235, %add3A_237 : vector<16xi32>
      tpu.vector_store_idx %arg13[%add3A_238], %select_n3A_229 : memref<256xi32, #tpu.memory_space<vmem>>[vector<16xi32>], vector<16xi32>,
      %swap3A_239 = arith.constant 112 : index
      %swap3A_240 = tpu.vector_load %arg12[%swap3A_239] {strides = array<i32>} : memref<128xf32, #tpu.memory_space<vmem>>, vector<16xf32>,
      tpu.vector_store %arg12[%swap3A_239], %gather3A_220 {strides = array<i32>} : memref<128xf32, #tpu.memory_space<vmem>>, vector<16xf32>,
      %mul3A_241 = arith.constant 2 : i32
      %mul3A_242 = arith.muli %mul3A_241, %add3A_45 : i32
      "tpu.region"() ({
        %run_scoped3A_244 = tpu.sem_alloc : memref<!tpu.dma_semaphore, #tpu.memory_space<semaphore_mem>>
        %dma_start3A = tpu.memref_slice %arg7[%mul3A_242] : memref<327680xi32, #tpu.memory_space<hbm>> -> memref<256xi32, #tpu.memory_space<hbm>>
        %dma_start3A_245 = tpu.memref_slice %arg7[%mul3A_242] : memref<327680xi32, #tpu.memory_space<hbm>> -> memref<256xi32, #tpu.memory_space<hbm>>
        tpu.enqueue_dma source(%arg13 : memref<256xi32, #tpu.memory_space<vmem>>) target(%dma_start3A_245 : memref<256xi32, #tpu.memory_space<hbm>>) target_semaphore(%run_scoped3A_244 : memref<!tpu.dma_semaphore, #tpu.memory_space<semaphore_mem>>)
        %dma_wait3A = tpu.memref_slice %arg7[%mul3A_242] : memref<327680xi32, #tpu.memory_space<hbm>> -> memref<256xi32, #tpu.memory_space<hbm>>
        %dma_wait3A_246 = tpu.memref_slice %arg7[%mul3A_242] : memref<327680xi32, #tpu.memory_space<hbm>> -> memref<256xi32, #tpu.memory_space<hbm>>
        tpu.wait_dma2 semaphore(%run_scoped3A_244 : memref<!tpu.dma_semaphore, #tpu.memory_space<semaphore_mem>>) src(%arg13 : memref<256xi32, #tpu.memory_space<vmem>>) dst(%dma_wait3A_246 : memref<256xi32, #tpu.memory_space<hbm>>)
        tpu.yield
      }) : () -> ()
      "tpu.region"() ({
        %run_scoped3A_244 = tpu.sem_alloc : memref<!tpu.dma_semaphore, #tpu.memory_space<semaphore_mem>>
        %dma_start3A = arith.constant 0 : i32
        %dma_start3A_245 = tpu.memref_slice %arg17[%dma_start3A] : memref<10240xf32, #tpu.memory_space<vmem_shared>> -> memref<10240xf32, #tpu.memory_space<vmem_shared>>
        tpu.enqueue_indirect_dma source(%arg12 : memref<128xf32, #tpu.memory_space<vmem>>) target(%dma_start3A_245 : memref<10240xf32, #tpu.memory_space<vmem_shared>>) offsets(%arg11 : memref<128xi32, #tpu.memory_space<vmem>>) semaphore(%run_scoped3A_244 : memref<!tpu.dma_semaphore, #tpu.memory_space<semaphore_mem>>) {add = true}
        %dma_wait3A = arith.constant 0 : i32
        %dma_wait3A_246 = tpu.memref_slice %arg17[%dma_wait3A] : memref<10240xf32, #tpu.memory_space<vmem_shared>> -> memref<10240xf32, #tpu.memory_space<vmem_shared>>
        tpu.wait_indirect_dma semaphore(%run_scoped3A_244 : memref<!tpu.dma_semaphore, #tpu.memory_space<semaphore_mem>>) src(%arg12 : memref<128xf32, #tpu.memory_space<vmem>>) dst(%dma_wait3A_246 : memref<10240xf32, #tpu.memory_space<vmem_shared>>)
        tpu.yield
      }) : () -> ()
      %scan3A_243 = arith.constant 0 : i32
      scf.yield %scan3A_243 : i32
    }
    %scan3A_31 = arith.constant 40 : i32
    %barrier3A_32 = arith.constant 0 : index
    tpu.barrier barrier_id(%barrier3A_32)
    %eq3A = arith.constant 0 : i32
    %eq3A_33 = arith.cmpi eq, %arg0, %eq3A : i32
    %convert_element_type3A = arith.extui %eq3A_33 : i1 to i32
    %cond3A = arith.constant 0 : i32
    %cond3A_34 = arith.cmpi ne, %convert_element_type3A, %cond3A : i32
    scf.if %cond3A_34 {
      %mul3A_39 = arith.constant 640 : i32
      %mul3A_40 = arith.muli %arg1, %mul3A_39 : i32
      %mul3A_41 = arith.constant 640 : i32
      %mul3A_42 = arith.muli %arg1, %mul3A_41 : i32
      "tpu.region"() ({
        %run_scoped3A_43 = tpu.sem_alloc : memref<!tpu.dma_semaphore, #tpu.memory_space<semaphore_mem>>
        %dma_start3A = tpu.memref_slice %arg5[%mul3A_42] : memref<10240xf32, #tpu.memory_space<hbm>> -> memref<640xf32, #tpu.memory_space<hbm>>
        %dma_start3A_44 = tpu.memref_slice %arg16[%mul3A_40] : memref<10240xf32, #tpu.memory_space<vmem_shared>> -> memref<640xf32, #tpu.memory_space<vmem_shared>>
        tpu.enqueue_dma source(%dma_start3A_44 : memref<640xf32, #tpu.memory_space<vmem_shared>>) target(%dma_start3A : memref<640xf32, #tpu.memory_space<hbm>>) target_semaphore(%run_scoped3A_43 : memref<!tpu.dma_semaphore, #tpu.memory_space<semaphore_mem>>)
        %dma_wait3A = tpu.memref_slice %arg5[%mul3A_42] : memref<10240xf32, #tpu.memory_space<hbm>> -> memref<640xf32, #tpu.memory_space<hbm>>
        %dma_wait3A_45 = tpu.memref_slice %arg16[%mul3A_40] : memref<10240xf32, #tpu.memory_space<vmem_shared>> -> memref<640xf32, #tpu.memory_space<vmem_shared>>
        tpu.wait_dma2 semaphore(%run_scoped3A_43 : memref<!tpu.dma_semaphore, #tpu.memory_space<semaphore_mem>>) src(%dma_wait3A_45 : memref<640xf32, #tpu.memory_space<vmem_shared>>) dst(%dma_wait3A : memref<640xf32, #tpu.memory_space<hbm>>)
        tpu.yield
      }) : () -> ()
    } else {
    }
    %mul3A_35 = arith.constant 640 : i32
    %mul3A_36 = arith.muli %arg1, %mul3A_35 : i32
    %mul3A_37 = arith.constant 640 : i32
    %mul3A_38 = arith.muli %arg1, %mul3A_37 : i32
    "tpu.region"() ({
      %run_scoped3A_39 = tpu.sem_alloc : memref<!tpu.dma_semaphore, #tpu.memory_space<semaphore_mem>>
      %dma_start3A = tpu.memref_slice %arg6[%arg0, %mul3A_38] : memref<2x10240xf32, #tpu.memory_space<hbm>> -> memref<1x640xf32, #tpu.memory_space<hbm>>
      %dma_start3A_40 = tpu.memref_squeeze %dma_start3A : memref<1x640xf32, #tpu.memory_space<hbm>> -> memref<640xf32, #tpu.memory_space<hbm>>
      %dma_start3A_41 = tpu.memref_slice %arg17[%mul3A_36] : memref<10240xf32, #tpu.memory_space<vmem_shared>> -> memref<640xf32, #tpu.memory_space<vmem_shared>>
      tpu.enqueue_dma source(%dma_start3A_41 : memref<640xf32, #tpu.memory_space<vmem_shared>>) target(%dma_start3A_40 : memref<640xf32, #tpu.memory_space<hbm>>) target_semaphore(%run_scoped3A_39 : memref<!tpu.dma_semaphore, #tpu.memory_space<semaphore_mem>>)
      %dma_wait3A = tpu.memref_slice %arg6[%arg0, %mul3A_38] : memref<2x10240xf32, #tpu.memory_space<hbm>> -> memref<1x640xf32, #tpu.memory_space<hbm>>
      %dma_wait3A_42 = tpu.memref_squeeze %dma_wait3A : memref<1x640xf32, #tpu.memory_space<hbm>> -> memref<640xf32, #tpu.memory_space<hbm>>
      %dma_wait3A_43 = tpu.memref_slice %arg17[%mul3A_36] : memref<10240xf32, #tpu.memory_space<vmem_shared>> -> memref<640xf32, #tpu.memory_space<vmem_shared>>
      tpu.wait_dma2 semaphore(%run_scoped3A_39 : memref<!tpu.dma_semaphore, #tpu.memory_space<semaphore_mem>>) src(%dma_wait3A_43 : memref<640xf32, #tpu.memory_space<vmem_shared>>) dst(%dma_wait3A_42 : memref<640xf32, #tpu.memory_space<hbm>>)
      tpu.yield
    }) : () -> ()
    return
  }
}

#map = affine_map<(d0, d1) -> (0, 0)>
#map1 = affine_map<(d0, d1) -> (0, 0, 0)>
module attributes {stable_mosaic.version = 14 : i64} {
  func.func @_triples(%arg0: i32, %arg1: i32, %arg2: memref<10240x128xf32, #tpu.memory_space<hbm>>, %arg3: memref<1280x2x128xi32, #tpu.memory_space<hbm>>, %arg4: memref<320000x128xf32, #tpu.memory_space<hbm>>, %arg5: memref<2x128xi32, #tpu.memory_space<vmem>>, %arg6: memref<256x128xf32, #tpu.memory_space<vmem>>, %arg7: memref<!tpu.dma_semaphore, #tpu.memory_space<semaphore_mem>>, %arg8: memref<!tpu.dma_semaphore, #tpu.memory_space<semaphore_mem>>) attributes {dimension_semantics = [#tpu.dimension_semantics<core_parallel>, #tpu.dimension_semantics<subcore_parallel>], iteration_bounds = array<i64: 2, 16>, scalar_prefetch = 0 : i64, scratch_operands = 4 : i64, tpu.core_type = #tpu.core_type<sc_vector_subcore>, window_params = [{transform_indices = #map}, {transform_indices = #map1}, {transform_indices = #map}]} {
    %mul3A = arith.constant 2 : i32
    %mul3A_0 = arith.muli %arg1, %mul3A : i32
    %add3A = arith.addi %mul3A_0, %arg0 : i32
    %scan3A = arith.constant 0 : i32
    %scan3A_1 = arith.constant 0 : i32
    %scan3A_2 = arith.constant 39 : i32
    %scan3A_3 = arith.addi %scan3A_1, %scan3A_2 : i32
    %scan3A_4 = arith.constant 1 : i32
    %scan3A_5 = scf.for %scan3A_9 = %scan3A_1 to %scan3A_3 step %scan3A_4 iter_args(%scan3A_10 = %scan3A) -> (i32)  : i32 {
      %mul3A_11 = arith.constant 39 : i32
      %mul3A_12 = arith.muli %add3A, %mul3A_11 : i32
      %add3A_13 = arith.addi %mul3A_12, %scan3A_9 : i32
      "tpu.region"() ({
        %run_scoped3A = tpu.sem_alloc : memref<!tpu.dma_semaphore, #tpu.memory_space<semaphore_mem>>
        %dma_start3A_57 = arith.constant 0 : i32
        %dma_start3A_58 = arith.constant 0 : i32
        %dma_start3A_59 = tpu.memref_slice %arg3[%add3A_13, %dma_start3A_57, %dma_start3A_58] : memref<1280x2x128xi32, #tpu.memory_space<hbm>> -> memref<1x2x128xi32, #tpu.memory_space<hbm>>
        %dma_start3A_60 = tpu.memref_squeeze %dma_start3A_59 : memref<1x2x128xi32, #tpu.memory_space<hbm>> -> memref<2x128xi32, #tpu.memory_space<hbm>>
        %dma_start3A_61 = arith.constant 0 : i32
        %dma_start3A_62 = arith.constant 0 : i32
        %dma_start3A_63 = tpu.memref_slice %arg3[%add3A_13, %dma_start3A_61, %dma_start3A_62] : memref<1280x2x128xi32, #tpu.memory_space<hbm>> -> memref<1x2x128xi32, #tpu.memory_space<hbm>>
        %dma_start3A_64 = tpu.memref_squeeze %dma_start3A_63 : memref<1x2x128xi32, #tpu.memory_space<hbm>> -> memref<2x128xi32, #tpu.memory_space<hbm>>
        tpu.enqueue_dma source(%dma_start3A_64 : memref<2x128xi32, #tpu.memory_space<hbm>>) target(%arg5 : memref<2x128xi32, #tpu.memory_space<vmem>>) target_semaphore(%run_scoped3A : memref<!tpu.dma_semaphore, #tpu.memory_space<semaphore_mem>>)
        %dma_wait3A_65 = arith.constant 0 : i32
        %dma_wait3A_66 = arith.constant 0 : i32
        %dma_wait3A_67 = tpu.memref_slice %arg3[%add3A_13, %dma_wait3A_65, %dma_wait3A_66] : memref<1280x2x128xi32, #tpu.memory_space<hbm>> -> memref<1x2x128xi32, #tpu.memory_space<hbm>>
        %dma_wait3A_68 = tpu.memref_squeeze %dma_wait3A_67 : memref<1x2x128xi32, #tpu.memory_space<hbm>> -> memref<2x128xi32, #tpu.memory_space<hbm>>
        %dma_wait3A_69 = arith.constant 0 : i32
        %dma_wait3A_70 = arith.constant 0 : i32
        %dma_wait3A_71 = tpu.memref_slice %arg3[%add3A_13, %dma_wait3A_69, %dma_wait3A_70] : memref<1280x2x128xi32, #tpu.memory_space<hbm>> -> memref<1x2x128xi32, #tpu.memory_space<hbm>>
        %dma_wait3A_72 = tpu.memref_squeeze %dma_wait3A_71 : memref<1x2x128xi32, #tpu.memory_space<hbm>> -> memref<2x128xi32, #tpu.memory_space<hbm>>
        tpu.wait_dma2 semaphore(%run_scoped3A : memref<!tpu.dma_semaphore, #tpu.memory_space<semaphore_mem>>) src(%dma_wait3A_72 : memref<2x128xi32, #tpu.memory_space<hbm>>) dst(%arg5 : memref<2x128xi32, #tpu.memory_space<vmem>>)
        tpu.yield
      }) : () -> ()
      %dma_start3A = arith.constant 0 : i32
      %dma_start3A_14 = arith.constant 0 : i32
      %dma_start3A_15 = arith.constant 0 : i32
      %dma_start3A_16 = tpu.memref_slice %arg6[%dma_start3A_14, %dma_start3A_15] : memref<256x128xf32, #tpu.memory_space<vmem>> -> memref<128x128xf32, #tpu.memory_space<vmem>>
      %dma_start3A_17 = arith.constant 0 : i32
      %dma_start3A_18 = tpu.memref_slice %arg5[%dma_start3A, %dma_start3A_17] : memref<2x128xi32, #tpu.memory_space<vmem>> -> memref<1x128xi32, #tpu.memory_space<vmem>>
      %dma_start3A_19 = tpu.memref_squeeze %dma_start3A_18 : memref<1x128xi32, #tpu.memory_space<vmem>> -> memref<128xi32, #tpu.memory_space<vmem>>
      %dma_start3A_20 = arith.constant 0 : i32
      %dma_start3A_21 = arith.constant 0 : i32
      %dma_start3A_22 = tpu.memref_slice %arg2[%dma_start3A_20, %dma_start3A_21] : memref<10240x128xf32, #tpu.memory_space<hbm>> -> memref<10240x128xf32, #tpu.memory_space<hbm>>
      tpu.enqueue_indirect_dma source(%dma_start3A_22 : memref<10240x128xf32, #tpu.memory_space<hbm>>) target(%dma_start3A_16 : memref<128x128xf32, #tpu.memory_space<vmem>>) offsets(%dma_start3A_19 : memref<128xi32, #tpu.memory_space<vmem>>) semaphore(%arg7 : memref<!tpu.dma_semaphore, #tpu.memory_space<semaphore_mem>>)
      %dma_start3A_23 = arith.constant 1 : i32
      %dma_start3A_24 = arith.constant 128 : i32
      %dma_start3A_25 = arith.constant 0 : i32
      %dma_start3A_26 = tpu.memref_slice %arg6[%dma_start3A_24, %dma_start3A_25] : memref<256x128xf32, #tpu.memory_space<vmem>> -> memref<128x128xf32, #tpu.memory_space<vmem>>
      %dma_start3A_27 = arith.constant 0 : i32
      %dma_start3A_28 = tpu.memref_slice %arg5[%dma_start3A_23, %dma_start3A_27] : memref<2x128xi32, #tpu.memory_space<vmem>> -> memref<1x128xi32, #tpu.memory_space<vmem>>
      %dma_start3A_29 = tpu.memref_squeeze %dma_start3A_28 : memref<1x128xi32, #tpu.memory_space<vmem>> -> memref<128xi32, #tpu.memory_space<vmem>>
      %dma_start3A_30 = arith.constant 0 : i32
      %dma_start3A_31 = arith.constant 0 : i32
      %dma_start3A_32 = tpu.memref_slice %arg2[%dma_start3A_30, %dma_start3A_31] : memref<10240x128xf32, #tpu.memory_space<hbm>> -> memref<10240x128xf32, #tpu.memory_space<hbm>>
      tpu.enqueue_indirect_dma source(%dma_start3A_32 : memref<10240x128xf32, #tpu.memory_space<hbm>>) target(%dma_start3A_26 : memref<128x128xf32, #tpu.memory_space<vmem>>) offsets(%dma_start3A_29 : memref<128xi32, #tpu.memory_space<vmem>>) semaphore(%arg8 : memref<!tpu.dma_semaphore, #tpu.memory_space<semaphore_mem>>)
      %dma_wait3A = arith.constant 0 : i32
      %dma_wait3A_33 = arith.constant 0 : i32
      %dma_wait3A_34 = arith.constant 0 : i32
      %dma_wait3A_35 = tpu.memref_slice %arg6[%dma_wait3A_33, %dma_wait3A_34] : memref<256x128xf32, #tpu.memory_space<vmem>> -> memref<128x128xf32, #tpu.memory_space<vmem>>
      %dma_wait3A_36 = arith.constant 0 : i32
      %dma_wait3A_37 = tpu.memref_slice %arg5[%dma_wait3A, %dma_wait3A_36] : memref<2x128xi32, #tpu.memory_space<vmem>> -> memref<1x128xi32, #tpu.memory_space<vmem>>
      %dma_wait3A_38 = tpu.memref_squeeze %dma_wait3A_37 : memref<1x128xi32, #tpu.memory_space<vmem>> -> memref<128xi32, #tpu.memory_space<vmem>>
      %dma_wait3A_39 = arith.constant 0 : i32
      %dma_wait3A_40 = arith.constant 0 : i32
      %dma_wait3A_41 = tpu.memref_slice %arg2[%dma_wait3A_39, %dma_wait3A_40] : memref<10240x128xf32, #tpu.memory_space<hbm>> -> memref<10240x128xf32, #tpu.memory_space<hbm>>
      tpu.wait_indirect_dma semaphore(%arg7 : memref<!tpu.dma_semaphore, #tpu.memory_space<semaphore_mem>>) src(%dma_wait3A_41 : memref<10240x128xf32, #tpu.memory_space<hbm>>) dst(%dma_wait3A_35 : memref<128x128xf32, #tpu.memory_space<vmem>>)
      %dma_wait3A_42 = arith.constant 1 : i32
      %dma_wait3A_43 = arith.constant 128 : i32
      %dma_wait3A_44 = arith.constant 0 : i32
      %dma_wait3A_45 = tpu.memref_slice %arg6[%dma_wait3A_43, %dma_wait3A_44] : memref<256x128xf32, #tpu.memory_space<vmem>> -> memref<128x128xf32, #tpu.memory_space<vmem>>
      %dma_wait3A_46 = arith.constant 0 : i32
      %dma_wait3A_47 = tpu.memref_slice %arg5[%dma_wait3A_42, %dma_wait3A_46] : memref<2x128xi32, #tpu.memory_space<vmem>> -> memref<1x128xi32, #tpu.memory_space<vmem>>
      %dma_wait3A_48 = tpu.memref_squeeze %dma_wait3A_47 : memref<1x128xi32, #tpu.memory_space<vmem>> -> memref<128xi32, #tpu.memory_space<vmem>>
      %dma_wait3A_49 = arith.constant 0 : i32
      %dma_wait3A_50 = arith.constant 0 : i32
      %dma_wait3A_51 = tpu.memref_slice %arg2[%dma_wait3A_49, %dma_wait3A_50] : memref<10240x128xf32, #tpu.memory_space<hbm>> -> memref<10240x128xf32, #tpu.memory_space<hbm>>
      tpu.wait_indirect_dma semaphore(%arg8 : memref<!tpu.dma_semaphore, #tpu.memory_space<semaphore_mem>>) src(%dma_wait3A_51 : memref<10240x128xf32, #tpu.memory_space<hbm>>) dst(%dma_wait3A_45 : memref<128x128xf32, #tpu.memory_space<vmem>>)
      %mul3A_52 = arith.constant 2 : i32
      %mul3A_53 = arith.muli %add3A_13, %mul3A_52 : i32
      %mul3A_54 = arith.constant 128 : i32
      %mul3A_55 = arith.muli %mul3A_53, %mul3A_54 : i32
      "tpu.region"() ({
        %run_scoped3A = tpu.sem_alloc : memref<!tpu.dma_semaphore, #tpu.memory_space<semaphore_mem>>
        %dma_start3A_57 = arith.constant 0 : i32
        %dma_start3A_58 = tpu.memref_slice %arg4[%mul3A_55, %dma_start3A_57] : memref<320000x128xf32, #tpu.memory_space<hbm>> -> memref<256x128xf32, #tpu.memory_space<hbm>>
        %dma_start3A_59 = arith.constant 0 : i32
        %dma_start3A_60 = tpu.memref_slice %arg4[%mul3A_55, %dma_start3A_59] : memref<320000x128xf32, #tpu.memory_space<hbm>> -> memref<256x128xf32, #tpu.memory_space<hbm>>
        tpu.enqueue_dma source(%arg6 : memref<256x128xf32, #tpu.memory_space<vmem>>) target(%dma_start3A_60 : memref<256x128xf32, #tpu.memory_space<hbm>>) target_semaphore(%run_scoped3A : memref<!tpu.dma_semaphore, #tpu.memory_space<semaphore_mem>>)
        %dma_wait3A_61 = arith.constant 0 : i32
        %dma_wait3A_62 = tpu.memref_slice %arg4[%mul3A_55, %dma_wait3A_61] : memref<320000x128xf32, #tpu.memory_space<hbm>> -> memref<256x128xf32, #tpu.memory_space<hbm>>
        %dma_wait3A_63 = arith.constant 0 : i32
        %dma_wait3A_64 = tpu.memref_slice %arg4[%mul3A_55, %dma_wait3A_63] : memref<320000x128xf32, #tpu.memory_space<hbm>> -> memref<256x128xf32, #tpu.memory_space<hbm>>
        tpu.wait_dma2 semaphore(%run_scoped3A : memref<!tpu.dma_semaphore, #tpu.memory_space<semaphore_mem>>) src(%arg6 : memref<256x128xf32, #tpu.memory_space<vmem>>) dst(%dma_wait3A_64 : memref<256x128xf32, #tpu.memory_space<hbm>>)
        tpu.yield
      }) : () -> ()
      %scan3A_56 = arith.constant 0 : i32
      scf.yield %scan3A_56 : i32
    }
    %scan3A_6 = arith.constant 39 : i32
    %lt3A = arith.constant 2 : i32
    %lt3A_7 = arith.cmpi slt, %add3A, %lt3A : i32
    %convert_element_type3A = arith.extui %lt3A_7 : i1 to i32
    %cond3A = arith.constant 0 : i32
    %cond3A_8 = arith.cmpi ne, %convert_element_type3A, %cond3A : i32
    scf.if %cond3A_8 {
      %add3A_9 = arith.constant 1248 : i32
      %add3A_10 = arith.addi %add3A_9, %add3A : i32
      "tpu.region"() ({
        %run_scoped3A = tpu.sem_alloc : memref<!tpu.dma_semaphore, #tpu.memory_space<semaphore_mem>>
        %dma_start3A_53 = arith.constant 0 : i32
        %dma_start3A_54 = arith.constant 0 : i32
        %dma_start3A_55 = tpu.memref_slice %arg3[%add3A_10, %dma_start3A_53, %dma_start3A_54] : memref<1280x2x128xi32, #tpu.memory_space<hbm>> -> memref<1x2x128xi32, #tpu.memory_space<hbm>>
        %dma_start3A_56 = tpu.memref_squeeze %dma_start3A_55 : memref<1x2x128xi32, #tpu.memory_space<hbm>> -> memref<2x128xi32, #tpu.memory_space<hbm>>
        %dma_start3A_57 = arith.constant 0 : i32
        %dma_start3A_58 = arith.constant 0 : i32
        %dma_start3A_59 = tpu.memref_slice %arg3[%add3A_10, %dma_start3A_57, %dma_start3A_58] : memref<1280x2x128xi32, #tpu.memory_space<hbm>> -> memref<1x2x128xi32, #tpu.memory_space<hbm>>
        %dma_start3A_60 = tpu.memref_squeeze %dma_start3A_59 : memref<1x2x128xi32, #tpu.memory_space<hbm>> -> memref<2x128xi32, #tpu.memory_space<hbm>>
        tpu.enqueue_dma source(%dma_start3A_60 : memref<2x128xi32, #tpu.memory_space<hbm>>) target(%arg5 : memref<2x128xi32, #tpu.memory_space<vmem>>) target_semaphore(%run_scoped3A : memref<!tpu.dma_semaphore, #tpu.memory_space<semaphore_mem>>)
        %dma_wait3A_61 = arith.constant 0 : i32
        %dma_wait3A_62 = arith.constant 0 : i32
        %dma_wait3A_63 = tpu.memref_slice %arg3[%add3A_10, %dma_wait3A_61, %dma_wait3A_62] : memref<1280x2x128xi32, #tpu.memory_space<hbm>> -> memref<1x2x128xi32, #tpu.memory_space<hbm>>
        %dma_wait3A_64 = tpu.memref_squeeze %dma_wait3A_63 : memref<1x2x128xi32, #tpu.memory_space<hbm>> -> memref<2x128xi32, #tpu.memory_space<hbm>>
        %dma_wait3A_65 = arith.constant 0 : i32
        %dma_wait3A_66 = arith.constant 0 : i32
        %dma_wait3A_67 = tpu.memref_slice %arg3[%add3A_10, %dma_wait3A_65, %dma_wait3A_66] : memref<1280x2x128xi32, #tpu.memory_space<hbm>> -> memref<1x2x128xi32, #tpu.memory_space<hbm>>
        %dma_wait3A_68 = tpu.memref_squeeze %dma_wait3A_67 : memref<1x2x128xi32, #tpu.memory_space<hbm>> -> memref<2x128xi32, #tpu.memory_space<hbm>>
        tpu.wait_dma2 semaphore(%run_scoped3A : memref<!tpu.dma_semaphore, #tpu.memory_space<semaphore_mem>>) src(%dma_wait3A_68 : memref<2x128xi32, #tpu.memory_space<hbm>>) dst(%arg5 : memref<2x128xi32, #tpu.memory_space<vmem>>)
        tpu.yield
      }) : () -> ()
      %dma_start3A = arith.constant 0 : i32
      %dma_start3A_11 = arith.constant 0 : i32
      %dma_start3A_12 = arith.constant 0 : i32
      %dma_start3A_13 = tpu.memref_slice %arg6[%dma_start3A_11, %dma_start3A_12] : memref<256x128xf32, #tpu.memory_space<vmem>> -> memref<128x128xf32, #tpu.memory_space<vmem>>
      %dma_start3A_14 = arith.constant 0 : i32
      %dma_start3A_15 = tpu.memref_slice %arg5[%dma_start3A, %dma_start3A_14] : memref<2x128xi32, #tpu.memory_space<vmem>> -> memref<1x128xi32, #tpu.memory_space<vmem>>
      %dma_start3A_16 = tpu.memref_squeeze %dma_start3A_15 : memref<1x128xi32, #tpu.memory_space<vmem>> -> memref<128xi32, #tpu.memory_space<vmem>>
      %dma_start3A_17 = arith.constant 0 : i32
      %dma_start3A_18 = arith.constant 0 : i32
      %dma_start3A_19 = tpu.memref_slice %arg2[%dma_start3A_17, %dma_start3A_18] : memref<10240x128xf32, #tpu.memory_space<hbm>> -> memref<10240x128xf32, #tpu.memory_space<hbm>>
      tpu.enqueue_indirect_dma source(%dma_start3A_19 : memref<10240x128xf32, #tpu.memory_space<hbm>>) target(%dma_start3A_13 : memref<128x128xf32, #tpu.memory_space<vmem>>) offsets(%dma_start3A_16 : memref<128xi32, #tpu.memory_space<vmem>>) semaphore(%arg7 : memref<!tpu.dma_semaphore, #tpu.memory_space<semaphore_mem>>)
      %dma_start3A_20 = arith.constant 1 : i32
      %dma_start3A_21 = arith.constant 128 : i32
      %dma_start3A_22 = arith.constant 0 : i32
      %dma_start3A_23 = tpu.memref_slice %arg6[%dma_start3A_21, %dma_start3A_22] : memref<256x128xf32, #tpu.memory_space<vmem>> -> memref<128x128xf32, #tpu.memory_space<vmem>>
      %dma_start3A_24 = arith.constant 0 : i32
      %dma_start3A_25 = tpu.memref_slice %arg5[%dma_start3A_20, %dma_start3A_24] : memref<2x128xi32, #tpu.memory_space<vmem>> -> memref<1x128xi32, #tpu.memory_space<vmem>>
      %dma_start3A_26 = tpu.memref_squeeze %dma_start3A_25 : memref<1x128xi32, #tpu.memory_space<vmem>> -> memref<128xi32, #tpu.memory_space<vmem>>
      %dma_start3A_27 = arith.constant 0 : i32
      %dma_start3A_28 = arith.constant 0 : i32
      %dma_start3A_29 = tpu.memref_slice %arg2[%dma_start3A_27, %dma_start3A_28] : memref<10240x128xf32, #tpu.memory_space<hbm>> -> memref<10240x128xf32, #tpu.memory_space<hbm>>
      tpu.enqueue_indirect_dma source(%dma_start3A_29 : memref<10240x128xf32, #tpu.memory_space<hbm>>) target(%dma_start3A_23 : memref<128x128xf32, #tpu.memory_space<vmem>>) offsets(%dma_start3A_26 : memref<128xi32, #tpu.memory_space<vmem>>) semaphore(%arg8 : memref<!tpu.dma_semaphore, #tpu.memory_space<semaphore_mem>>)
      %dma_wait3A = arith.constant 0 : i32
      %dma_wait3A_30 = arith.constant 0 : i32
      %dma_wait3A_31 = arith.constant 0 : i32
      %dma_wait3A_32 = tpu.memref_slice %arg6[%dma_wait3A_30, %dma_wait3A_31] : memref<256x128xf32, #tpu.memory_space<vmem>> -> memref<128x128xf32, #tpu.memory_space<vmem>>
      %dma_wait3A_33 = arith.constant 0 : i32
      %dma_wait3A_34 = tpu.memref_slice %arg5[%dma_wait3A, %dma_wait3A_33] : memref<2x128xi32, #tpu.memory_space<vmem>> -> memref<1x128xi32, #tpu.memory_space<vmem>>
      %dma_wait3A_35 = tpu.memref_squeeze %dma_wait3A_34 : memref<1x128xi32, #tpu.memory_space<vmem>> -> memref<128xi32, #tpu.memory_space<vmem>>
      %dma_wait3A_36 = arith.constant 0 : i32
      %dma_wait3A_37 = arith.constant 0 : i32
      %dma_wait3A_38 = tpu.memref_slice %arg2[%dma_wait3A_36, %dma_wait3A_37] : memref<10240x128xf32, #tpu.memory_space<hbm>> -> memref<10240x128xf32, #tpu.memory_space<hbm>>
      tpu.wait_indirect_dma semaphore(%arg7 : memref<!tpu.dma_semaphore, #tpu.memory_space<semaphore_mem>>) src(%dma_wait3A_38 : memref<10240x128xf32, #tpu.memory_space<hbm>>) dst(%dma_wait3A_32 : memref<128x128xf32, #tpu.memory_space<vmem>>)
      %dma_wait3A_39 = arith.constant 1 : i32
      %dma_wait3A_40 = arith.constant 128 : i32
      %dma_wait3A_41 = arith.constant 0 : i32
      %dma_wait3A_42 = tpu.memref_slice %arg6[%dma_wait3A_40, %dma_wait3A_41] : memref<256x128xf32, #tpu.memory_space<vmem>> -> memref<128x128xf32, #tpu.memory_space<vmem>>
      %dma_wait3A_43 = arith.constant 0 : i32
      %dma_wait3A_44 = tpu.memref_slice %arg5[%dma_wait3A_39, %dma_wait3A_43] : memref<2x128xi32, #tpu.memory_space<vmem>> -> memref<1x128xi32, #tpu.memory_space<vmem>>
      %dma_wait3A_45 = tpu.memref_squeeze %dma_wait3A_44 : memref<1x128xi32, #tpu.memory_space<vmem>> -> memref<128xi32, #tpu.memory_space<vmem>>
      %dma_wait3A_46 = arith.constant 0 : i32
      %dma_wait3A_47 = arith.constant 0 : i32
      %dma_wait3A_48 = tpu.memref_slice %arg2[%dma_wait3A_46, %dma_wait3A_47] : memref<10240x128xf32, #tpu.memory_space<hbm>> -> memref<10240x128xf32, #tpu.memory_space<hbm>>
      tpu.wait_indirect_dma semaphore(%arg8 : memref<!tpu.dma_semaphore, #tpu.memory_space<semaphore_mem>>) src(%dma_wait3A_48 : memref<10240x128xf32, #tpu.memory_space<hbm>>) dst(%dma_wait3A_42 : memref<128x128xf32, #tpu.memory_space<vmem>>)
      %mul3A_49 = arith.constant 2 : i32
      %mul3A_50 = arith.muli %add3A_10, %mul3A_49 : i32
      %mul3A_51 = arith.constant 128 : i32
      %mul3A_52 = arith.muli %mul3A_50, %mul3A_51 : i32
      "tpu.region"() ({
        %run_scoped3A = tpu.sem_alloc : memref<!tpu.dma_semaphore, #tpu.memory_space<semaphore_mem>>
        %dma_start3A_53 = arith.constant 0 : i32
        %dma_start3A_54 = tpu.memref_slice %arg4[%mul3A_52, %dma_start3A_53] : memref<320000x128xf32, #tpu.memory_space<hbm>> -> memref<256x128xf32, #tpu.memory_space<hbm>>
        %dma_start3A_55 = arith.constant 0 : i32
        %dma_start3A_56 = tpu.memref_slice %arg4[%mul3A_52, %dma_start3A_55] : memref<320000x128xf32, #tpu.memory_space<hbm>> -> memref<256x128xf32, #tpu.memory_space<hbm>>
        tpu.enqueue_dma source(%arg6 : memref<256x128xf32, #tpu.memory_space<vmem>>) target(%dma_start3A_56 : memref<256x128xf32, #tpu.memory_space<hbm>>) target_semaphore(%run_scoped3A : memref<!tpu.dma_semaphore, #tpu.memory_space<semaphore_mem>>)
        %dma_wait3A_57 = arith.constant 0 : i32
        %dma_wait3A_58 = tpu.memref_slice %arg4[%mul3A_52, %dma_wait3A_57] : memref<320000x128xf32, #tpu.memory_space<hbm>> -> memref<256x128xf32, #tpu.memory_space<hbm>>
        %dma_wait3A_59 = arith.constant 0 : i32
        %dma_wait3A_60 = tpu.memref_slice %arg4[%mul3A_52, %dma_wait3A_59] : memref<320000x128xf32, #tpu.memory_space<hbm>> -> memref<256x128xf32, #tpu.memory_space<hbm>>
        tpu.wait_dma2 semaphore(%run_scoped3A : memref<!tpu.dma_semaphore, #tpu.memory_space<semaphore_mem>>) src(%arg6 : memref<256x128xf32, #tpu.memory_space<vmem>>) dst(%dma_wait3A_60 : memref<256x128xf32, #tpu.memory_space<hbm>>)
        tpu.yield
      }) : () -> ()
    } else {
    }
    return
  }
}

module attributes {stable_mosaic.version = 14 : i64} {
  func.func @_k1_body(%arg0: i32, %arg1: memref<512x128xf32, #tpu.memory_space<vmem>>, %arg2: memref<512x1xf32, #tpu.memory_space<vmem>>, %arg3: memref<128x128xf32, #tpu.memory_space<vmem>>, %arg4: memref<128x128xf32, #tpu.memory_space<vmem>>, %arg5: memref<512x128xf32, #tpu.memory_space<vmem>>, %arg6: memref<512x128xf32, #tpu.memory_space<vmem>>) attributes {dimension_semantics = [#tpu.dimension_semantics<arbitrary>], iteration_bounds = array<i64: 20>, scalar_prefetch = 0 : i64, scratch_operands = 0 : i64, tpu.core_type = #tpu.core_type<tc>, window_params = [{transform_indices = @transform_0, window_bounds = array<i64: 512, 128>}, {transform_indices = @transform_1, window_bounds = array<i64: 512, 1>}, {pipeline_mode = #tpu.pipeline_mode<synchronous>, transform_indices = @transform_2, window_bounds = array<i64: 128, 128>}, {pipeline_mode = #tpu.pipeline_mode<synchronous>, transform_indices = @transform_3, window_bounds = array<i64: 128, 128>}, {transform_indices = @transform_4, window_bounds = array<i64: 512, 128>}, {transform_indices = @transform_5, window_bounds = array<i64: 512, 128>}]} {
    %get3A = arith.constant 0 : index
    %get3A_0 = arith.constant 0 : index
    %get3A_1 = vector.load %arg1[%get3A, %get3A_0] : memref<512x128xf32, #tpu.memory_space<vmem>>, vector<512x128xf32>
    %get3A_2 = arith.constant 0 : index
    %get3A_3 = arith.constant 0 : index
    %get3A_4 = vector.load %arg2[%get3A_2, %get3A_3] : memref<512x1xf32, #tpu.memory_space<vmem>>, vector<512x1xf32>
    %mul3A = vector.broadcast %get3A_4 : vector<512x1xf32> to vector<512x128xf32>
    %mul3A_5 = arith.mulf %get3A_1, %mul3A : vector<512x128xf32>
    %get3A_6 = arith.constant 0 : index
    %get3A_7 = arith.constant 0 : index
    %get3A_8 = vector.load %arg3[%get3A_6, %get3A_7] : memref<128x128xf32, #tpu.memory_space<vmem>>, vector<128x128xf32>
    %dot_general3A = arith.constant dense<0.000000e+00> : vector<512x128xf32>
    %dot_general3A_9 = tpu.matmul %mul3A_5, %get3A_8, %dot_general3A {dimension_numbers = #tpu.dot_dimension_numbers<[1], [0], [0], [1], [0, 0, 1, 1], [], []>, transpose_lhs_hint = false} : vector<512x128xf32>, vector<128x128xf32>, vector<512x128xf32> -> vector<512x128xf32>
    %swap3A = arith.constant 0 : index
    %swap3A_10 = arith.constant 0 : index
    %swap3A_11 = vector.load %arg5[%swap3A, %swap3A_10] : memref<512x128xf32, #tpu.memory_space<vmem>>, vector<512x128xf32>
    tpu.vector_store %arg5[%swap3A, %swap3A_10], %dot_general3A_9 {strides = array<i32>} : memref<512x128xf32, #tpu.memory_space<vmem>>, vector<512x128xf32>,
    %get3A_12 = arith.constant 0 : index
    %get3A_13 = arith.constant 0 : index
    %get3A_14 = vector.load %arg4[%get3A_12, %get3A_13] : memref<128x128xf32, #tpu.memory_space<vmem>>, vector<128x128xf32>
    %dot_general3A_15 = arith.constant dense<0.000000e+00> : vector<512x128xf32>
    %dot_general3A_16 = tpu.matmul %mul3A_5, %get3A_14, %dot_general3A_15 {dimension_numbers = #tpu.dot_dimension_numbers<[1], [0], [0], [1], [0, 0, 1, 1], [], []>, transpose_lhs_hint = false} : vector<512x128xf32>, vector<128x128xf32>, vector<512x128xf32> -> vector<512x128xf32>
    %swap3A_17 = arith.constant 0 : index
    %swap3A_18 = arith.constant 0 : index
    %swap3A_19 = vector.load %arg6[%swap3A_17, %swap3A_18] : memref<512x128xf32, #tpu.memory_space<vmem>>, vector<512x128xf32>
    tpu.vector_store %arg6[%swap3A_17, %swap3A_18], %dot_general3A_16 {strides = array<i32>} : memref<512x128xf32, #tpu.memory_space<vmem>>, vector<512x128xf32>,
    return
  }
  func.func @transform_0(%arg0: i32) -> (i32, i32) {
    %c0_i32 = arith.constant 0 : i32
    %c0_i32_0 = arith.constant 0 : i32
    return %arg0, %c0_i32 : i32, i32
  }
  func.func @transform_1(%arg0: i32) -> (i32, i32) {
    %c0_i32 = arith.constant 0 : i32
    %c0_i32_0 = arith.constant 0 : i32
    return %arg0, %c0_i32 : i32, i32
  }
  func.func @transform_2(%arg0: i32) -> (i32, i32) {
    %c0_i32 = arith.constant 0 : i32
    %c0_i32_0 = arith.constant 0 : i32
    %c0_i32_1 = arith.constant 0 : i32
    return %c0_i32, %c0_i32_0 : i32, i32
  }
  func.func @transform_3(%arg0: i32) -> (i32, i32) {
    %c0_i32 = arith.constant 0 : i32
    %c0_i32_0 = arith.constant 0 : i32
    %c0_i32_1 = arith.constant 0 : i32
    return %c0_i32, %c0_i32_0 : i32, i32
  }
  func.func @transform_4(%arg0: i32) -> (i32, i32) {
    %c0_i32 = arith.constant 0 : i32
    %c0_i32_0 = arith.constant 0 : i32
    return %arg0, %c0_i32 : i32, i32
  }
  func.func @transform_5(%arg0: i32) -> (i32, i32) {
    %c0_i32 = arith.constant 0 : i32
    %c0_i32_0 = arith.constant 0 : i32
    return %arg0, %c0_i32 : i32, i32
  }
}

module attributes {stable_mosaic.version = 14 : i64} {
  func.func @_k2_body(%arg0: i32, %arg1: memref<512x128xf32, #tpu.memory_space<vmem>>, %arg2: memref<512x128xf32, #tpu.memory_space<vmem>>, %arg3: memref<512x128xf32, #tpu.memory_space<vmem>>, %arg4: memref<512x1xf32, #tpu.memory_space<vmem>>, %arg5: memref<512x1xf32, #tpu.memory_space<vmem>>, %arg6: memref<512x1xf32, #tpu.memory_space<vmem>>, %arg7: memref<128x128xf32, #tpu.memory_space<vmem>>, %arg8: memref<128x128xf32, #tpu.memory_space<vmem>>, %arg9: memref<512x128xf32, #tpu.memory_space<vmem>>, %arg10: memref<512x128xf32, #tpu.memory_space<vmem>>) attributes {dimension_semantics = [#tpu.dimension_semantics<arbitrary>], iteration_bounds = array<i64: 20>, scalar_prefetch = 0 : i64, scratch_operands = 0 : i64, tpu.core_type = #tpu.core_type<tc>, window_params = [{transform_indices = @transform_0, window_bounds = array<i64: 512, 128>}, {transform_indices = @transform_1, window_bounds = array<i64: 512, 128>}, {transform_indices = @transform_2, window_bounds = array<i64: 512, 128>}, {transform_indices = @transform_3, window_bounds = array<i64: 512, 1>}, {transform_indices = @transform_4, window_bounds = array<i64: 512, 1>}, {transform_indices = @transform_5, window_bounds = array<i64: 512, 1>}, {pipeline_mode = #tpu.pipeline_mode<synchronous>, transform_indices = @transform_6, window_bounds = array<i64: 128, 128>}, {pipeline_mode = #tpu.pipeline_mode<synchronous>, transform_indices = @transform_7, window_bounds = array<i64: 128, 128>}, {transform_indices = @transform_8, window_bounds = array<i64: 512, 128>}, {transform_indices = @transform_9, window_bounds = array<i64: 512, 128>}]} {
    %get3A = arith.constant 0 : index
    %get3A_0 = arith.constant 0 : index
    %get3A_1 = vector.load %arg4[%get3A, %get3A_0] : memref<512x1xf32, #tpu.memory_space<vmem>>, vector<512x1xf32>
    %get3A_2 = arith.constant 0 : index
    %get3A_3 = arith.constant 0 : index
    %get3A_4 = vector.load %arg5[%get3A_2, %get3A_3] : memref<512x1xf32, #tpu.memory_space<vmem>>, vector<512x1xf32>
    %add3A = arith.addf %get3A_1, %get3A_4 : vector<512x1xf32>
    %max3A = arith.constant 1.000000e+00 : f32
    %max3A_5 = vector.broadcast %max3A : f32 to vector<512x1xf32>
    %max3A_6 = arith.maximumf %add3A, %max3A_5 : vector<512x1xf32>
    %div3A = arith.constant 1.000000e+00 : f32
    %div3A_7 = vector.broadcast %div3A : f32 to vector<512x1xf32>
    %div3A_8 = arith.divf %div3A_7, %max3A_6 : vector<512x1xf32>
    %get3A_9 = arith.constant 0 : index
    %get3A_10 = arith.constant 0 : index
    %get3A_11 = vector.load %arg1[%get3A_9, %get3A_10] : memref<512x128xf32, #tpu.memory_space<vmem>>, vector<512x128xf32>
    %get3A_12 = arith.constant 0 : index
    %get3A_13 = arith.constant 0 : index
    %get3A_14 = vector.load %arg2[%get3A_12, %get3A_13] : memref<512x128xf32, #tpu.memory_space<vmem>>, vector<512x128xf32>
    %get3A_15 = arith.constant 0 : index
    %get3A_16 = arith.constant 0 : index
    %get3A_17 = vector.load %arg3[%get3A_15, %get3A_16] : memref<512x128xf32, #tpu.memory_space<vmem>>, vector<512x128xf32>
    %add3A_18 = arith.addf %get3A_14, %get3A_17 : vector<512x128xf32>
    %mul3A = vector.broadcast %div3A_8 : vector<512x1xf32> to vector<512x128xf32>
    %mul3A_19 = arith.mulf %add3A_18, %mul3A : vector<512x128xf32>
    %add3A_20 = arith.addf %get3A_11, %mul3A_19 : vector<512x128xf32>
    %max3A_21 = arith.constant 0.000000e+00 : f32
    %max3A_22 = vector.broadcast %max3A_21 : f32 to vector<512x128xf32>
    %max3A_23 = arith.maximumf %add3A_20, %max3A_22 : vector<512x128xf32>
    %get3A_24 = arith.constant 0 : index
    %get3A_25 = arith.constant 0 : index
    %get3A_26 = vector.load %arg6[%get3A_24, %get3A_25] : memref<512x1xf32, #tpu.memory_space<vmem>>, vector<512x1xf32>
    %mul3A_27 = vector.broadcast %get3A_26 : vector<512x1xf32> to vector<512x128xf32>
    %mul3A_28 = arith.mulf %max3A_23, %mul3A_27 : vector<512x128xf32>
    %get3A_29 = arith.constant 0 : index
    %get3A_30 = arith.constant 0 : index
    %get3A_31 = vector.load %arg7[%get3A_29, %get3A_30] : memref<128x128xf32, #tpu.memory_space<vmem>>, vector<128x128xf32>
    %dot_general3A = arith.constant dense<0.000000e+00> : vector<512x128xf32>
    %dot_general3A_32 = tpu.matmul %mul3A_28, %get3A_31, %dot_general3A {dimension_numbers = #tpu.dot_dimension_numbers<[1], [0], [0], [1], [0, 0, 1, 1], [], []>, transpose_lhs_hint = false} : vector<512x128xf32>, vector<128x128xf32>, vector<512x128xf32> -> vector<512x128xf32>
    %swap3A = arith.constant 0 : index
    %swap3A_33 = arith.constant 0 : index
    %swap3A_34 = vector.load %arg9[%swap3A, %swap3A_33] : memref<512x128xf32, #tpu.memory_space<vmem>>, vector<512x128xf32>
    tpu.vector_store %arg9[%swap3A, %swap3A_33], %dot_general3A_32 {strides = array<i32>} : memref<512x128xf32, #tpu.memory_space<vmem>>, vector<512x128xf32>,
    %get3A_35 = arith.constant 0 : index
    %get3A_36 = arith.constant 0 : index
    %get3A_37 = vector.load %arg8[%get3A_35, %get3A_36] : memref<128x128xf32, #tpu.memory_space<vmem>>, vector<128x128xf32>
    %dot_general3A_38 = arith.constant dense<0.000000e+00> : vector<512x128xf32>
    %dot_general3A_39 = tpu.matmul %mul3A_28, %get3A_37, %dot_general3A_38 {dimension_numbers = #tpu.dot_dimension_numbers<[1], [0], [0], [1], [0, 0, 1, 1], [], []>, transpose_lhs_hint = false} : vector<512x128xf32>, vector<128x128xf32>, vector<512x128xf32> -> vector<512x128xf32>
    %swap3A_40 = arith.constant 0 : index
    %swap3A_41 = arith.constant 0 : index
    %swap3A_42 = vector.load %arg10[%swap3A_40, %swap3A_41] : memref<512x128xf32, #tpu.memory_space<vmem>>, vector<512x128xf32>
    tpu.vector_store %arg10[%swap3A_40, %swap3A_41], %dot_general3A_39 {strides = array<i32>} : memref<512x128xf32, #tpu.memory_space<vmem>>, vector<512x128xf32>,
    return
  }
  func.func @transform_0(%arg0: i32) -> (i32, i32) {
    %c0_i32 = arith.constant 0 : i32
    %c0_i32_0 = arith.constant 0 : i32
    return %arg0, %c0_i32 : i32, i32
  }
  func.func @transform_1(%arg0: i32) -> (i32, i32) {
    %c0_i32 = arith.constant 0 : i32
    %c0_i32_0 = arith.constant 0 : i32
    return %arg0, %c0_i32 : i32, i32
  }
  func.func @transform_2(%arg0: i32) -> (i32, i32) {
    %c0_i32 = arith.constant 0 : i32
    %c0_i32_0 = arith.constant 0 : i32
    return %arg0, %c0_i32 : i32, i32
  }
  func.func @transform_3(%arg0: i32) -> (i32, i32) {
    %c0_i32 = arith.constant 0 : i32
    %c0_i32_0 = arith.constant 0 : i32
    return %arg0, %c0_i32 : i32, i32
  }
  func.func @transform_4(%arg0: i32) -> (i32, i32) {
    %c0_i32 = arith.constant 0 : i32
    %c0_i32_0 = arith.constant 0 : i32
    return %arg0, %c0_i32 : i32, i32
  }
  func.func @transform_5(%arg0: i32) -> (i32, i32) {
    %c0_i32 = arith.constant 0 : i32
    %c0_i32_0 = arith.constant 0 : i32
    return %arg0, %c0_i32 : i32, i32
  }
  func.func @transform_6(%arg0: i32) -> (i32, i32) {
    %c0_i32 = arith.constant 0 : i32
    %c0_i32_0 = arith.constant 0 : i32
    %c0_i32_1 = arith.constant 0 : i32
    return %c0_i32, %c0_i32_0 : i32, i32
  }
  func.func @transform_7(%arg0: i32) -> (i32, i32) {
    %c0_i32 = arith.constant 0 : i32
    %c0_i32_0 = arith.constant 0 : i32
    %c0_i32_1 = arith.constant 0 : i32
    return %c0_i32, %c0_i32_0 : i32, i32
  }
  func.func @transform_8(%arg0: i32) -> (i32, i32) {
    %c0_i32 = arith.constant 0 : i32
    %c0_i32_0 = arith.constant 0 : i32
    return %arg0, %c0_i32 : i32, i32
  }
  func.func @transform_9(%arg0: i32) -> (i32, i32) {
    %c0_i32 = arith.constant 0 : i32
    %c0_i32_0 = arith.constant 0 : i32
    return %arg0, %c0_i32 : i32, i32
  }
}

module attributes {stable_mosaic.version = 14 : i64} {
  func.func @_k3_body(%arg0: i32, %arg1: memref<512x128xf32, #tpu.memory_space<vmem>>, %arg2: memref<512x128xf32, #tpu.memory_space<vmem>>, %arg3: memref<512x128xf32, #tpu.memory_space<vmem>>, %arg4: memref<512x1xf32, #tpu.memory_space<vmem>>, %arg5: memref<512x1xf32, #tpu.memory_space<vmem>>, %arg6: memref<512x1xf32, #tpu.memory_space<vmem>>, %arg7: memref<512x128xf32, #tpu.memory_space<vmem>>) attributes {dimension_semantics = [#tpu.dimension_semantics<arbitrary>], iteration_bounds = array<i64: 20>, scalar_prefetch = 0 : i64, scratch_operands = 0 : i64, tpu.core_type = #tpu.core_type<tc>, window_params = [{transform_indices = @transform_0, window_bounds = array<i64: 512, 128>}, {transform_indices = @transform_1, window_bounds = array<i64: 512, 128>}, {transform_indices = @transform_2, window_bounds = array<i64: 512, 128>}, {transform_indices = @transform_3, window_bounds = array<i64: 512, 1>}, {transform_indices = @transform_4, window_bounds = array<i64: 512, 1>}, {transform_indices = @transform_5, window_bounds = array<i64: 512, 1>}, {transform_indices = @transform_6, window_bounds = array<i64: 512, 128>}]} {
    %get3A = arith.constant 0 : index
    %get3A_0 = arith.constant 0 : index
    %get3A_1 = vector.load %arg4[%get3A, %get3A_0] : memref<512x1xf32, #tpu.memory_space<vmem>>, vector<512x1xf32>
    %get3A_2 = arith.constant 0 : index
    %get3A_3 = arith.constant 0 : index
    %get3A_4 = vector.load %arg5[%get3A_2, %get3A_3] : memref<512x1xf32, #tpu.memory_space<vmem>>, vector<512x1xf32>
    %add3A = arith.addf %get3A_1, %get3A_4 : vector<512x1xf32>
    %max3A = arith.constant 1.000000e+00 : f32
    %max3A_5 = vector.broadcast %max3A : f32 to vector<512x1xf32>
    %max3A_6 = arith.maximumf %add3A, %max3A_5 : vector<512x1xf32>
    %div3A = arith.constant 1.000000e+00 : f32
    %div3A_7 = vector.broadcast %div3A : f32 to vector<512x1xf32>
    %div3A_8 = arith.divf %div3A_7, %max3A_6 : vector<512x1xf32>
    %get3A_9 = arith.constant 0 : index
    %get3A_10 = arith.constant 0 : index
    %get3A_11 = vector.load %arg1[%get3A_9, %get3A_10] : memref<512x128xf32, #tpu.memory_space<vmem>>, vector<512x128xf32>
    %get3A_12 = arith.constant 0 : index
    %get3A_13 = arith.constant 0 : index
    %get3A_14 = vector.load %arg2[%get3A_12, %get3A_13] : memref<512x128xf32, #tpu.memory_space<vmem>>, vector<512x128xf32>
    %get3A_15 = arith.constant 0 : index
    %get3A_16 = arith.constant 0 : index
    %get3A_17 = vector.load %arg3[%get3A_15, %get3A_16] : memref<512x128xf32, #tpu.memory_space<vmem>>, vector<512x128xf32>
    %add3A_18 = arith.addf %get3A_14, %get3A_17 : vector<512x128xf32>
    %mul3A = vector.broadcast %div3A_8 : vector<512x1xf32> to vector<512x128xf32>
    %mul3A_19 = arith.mulf %add3A_18, %mul3A : vector<512x128xf32>
    %add3A_20 = arith.addf %get3A_11, %mul3A_19 : vector<512x128xf32>
    %max3A_21 = arith.constant 0.000000e+00 : f32
    %max3A_22 = vector.broadcast %max3A_21 : f32 to vector<512x128xf32>
    %max3A_23 = arith.maximumf %add3A_20, %max3A_22 : vector<512x128xf32>
    %get3A_24 = arith.constant 0 : index
    %get3A_25 = arith.constant 0 : index
    %get3A_26 = vector.load %arg6[%get3A_24, %get3A_25] : memref<512x1xf32, #tpu.memory_space<vmem>>, vector<512x1xf32>
    %mul3A_27 = vector.broadcast %get3A_26 : vector<512x1xf32> to vector<512x128xf32>
    %mul3A_28 = arith.mulf %max3A_23, %mul3A_27 : vector<512x128xf32>
    %swap3A = arith.constant 0 : index
    %swap3A_29 = arith.constant 0 : index
    %swap3A_30 = vector.load %arg7[%swap3A, %swap3A_29] : memref<512x128xf32, #tpu.memory_space<vmem>>, vector<512x128xf32>
    tpu.vector_store %arg7[%swap3A, %swap3A_29], %mul3A_28 {strides = array<i32>} : memref<512x128xf32, #tpu.memory_space<vmem>>, vector<512x128xf32>,
    return
  }
  func.func @transform_0(%arg0: i32) -> (i32, i32) {
    %c0_i32 = arith.constant 0 : i32
    %c0_i32_0 = arith.constant 0 : i32
    return %arg0, %c0_i32 : i32, i32
  }
  func.func @transform_1(%arg0: i32) -> (i32, i32) {
    %c0_i32 = arith.constant 0 : i32
    %c0_i32_0 = arith.constant 0 : i32
    return %arg0, %c0_i32 : i32, i32
  }
  func.func @transform_2(%arg0: i32) -> (i32, i32) {
    %c0_i32 = arith.constant 0 : i32
    %c0_i32_0 = arith.constant 0 : i32
    return %arg0, %c0_i32 : i32, i32
  }
  func.func @transform_3(%arg0: i32) -> (i32, i32) {
    %c0_i32 = arith.constant 0 : i32
    %c0_i32_0 = arith.constant 0 : i32
    return %arg0, %c0_i32 : i32, i32
  }
  func.func @transform_4(%arg0: i32) -> (i32, i32) {
    %c0_i32 = arith.constant 0 : i32
    %c0_i32_0 = arith.constant 0 : i32
    return %arg0, %c0_i32 : i32, i32
  }
  func.func @transform_5(%arg0: i32) -> (i32, i32) {
    %c0_i32 = arith.constant 0 : i32
    %c0_i32_0 = arith.constant 0 : i32
    return %arg0, %c0_i32 : i32, i32
  }
  func.func @transform_6(%arg0: i32) -> (i32, i32) {
    %c0_i32 = arith.constant 0 : i32
    %c0_i32_0 = arith.constant 0 : i32
    return %arg0, %c0_i32 : i32, i32
  }
}

</mosaic_0001>

<sc_bundles>
// kernel: kernel.12.cloned.1.call-start
scs
__scs_entry_jumppad:
0x0: {  	(pc) =	sbr.rel $0x88, $3  }
0x1: {  	(tag) =	ssettag $0x0;
	lr =	simm.s32 $0x1  }
0x2: {  	[smem:$0x3F9A] =	sst lr;
	_ =	strace $0xD0000000  }
0x3: {  	_ = 	snop  }
0x4: {  	_ = 	snop  }
0x5: {  	_ = 	snop  }
0x6: {  	_ = 	snop  }
0x7: {  	_ = 	snop  }
__scs_overlays_trampoline_lowered:
0x8: {  	[smem:$0x3FA9] =	sst s0  }
0x9: {  	[smem:$0x3FAA] =	sst s1  }
0xa: {  	[smem:$0x3FAB] =	sst s2  }
0xb: {  	[smem:$0x3FAC] =	sst s3  }
0xc: {  	[smem:$0x3FAD] =	sst s4  }
0xd: {  	[smem:$0x3FAE] =	sst s5  }
0xe: {  	[smem:$0x3FAF] =	sst s6  }
0xf: {  	[smem:$0x3FB0] =	sst s7  }
0x10: {  	[smem:$0x3FB1] =	sst s8  }
0x11: {  	[smem:$0x3FB2] =	sst s9;
	s0 =	simm.s32 @!p0 $0x0  }
0x12: {  	s1 =	sld [smem:$0x3F98];
	s0 =	simm.s32 @p0 $0x1  }
0x13: {  	[smem:$0x3FB3] =	sst s0;
	s0 =	simm.s32 @!p1 $0x0  }
0x14: {  	s2 =	sld [smem:$0x3F97];
	s0 =	simm.s32 @p1 $0x1  }
0x15: {  	[smem:$0x3FB4] =	sst s0;
	s0 =	simm.s32 @!p2 $0x0  }
0x16: {  	s3 =	sld [smem:$0x3FDB];
	s0 =	simm.s32 @p2 $0x1  }
0x17: {  	s4 =	simm.s32 $0x1BF5;
	[smem:$0x3FB6] =	sst s0  }
0x18: {  	s0 =	sld [smem:$0x3F99];
	_ =	swait.ge [sflag:s4], $0x0  }
0x19: {  	s7 =	sld [smem:$0x3F9A]  }
0x1a: {  	s8 =	sadd.s32 $0xFFFFE003, lr  }
0x1b: {  	s9 =	sadd.s32 $0xFFFFFEF7, lr;
	s5 =	simm.s32 $0xFFFFFFFF;
	p2 =	slt.u32 s8, $0xFFFFF086  }
0x1c: {  	p1 =	slt.u32 s9, $0xF7A;
	s5 =	simm.s32 @!p2 $0x0  }
0x1d: {  	s5 =	simm.s32 @p1 $0x1;
	p0 =	seq.s32 s7, s2  }
0x1e: {  	s7 =	smul.u32 @!p0 $0xF7A, s2;
	p2 =	seq.s32 @!p0 s5, $0x0  }
0x1f: {  	s9 =	smul.u32 $0xF7A, s1;
	s8 =	simm.s32 @!p0 $0x1BF5;
	p2 =	por !p2, p0  }
0x20: {  	[sflag:s8] =	ssyncset.s32 @!p0 $0xFFFFF086;
	s6 =	sadd.s32 @!p0 s3, s7;
	s7 =	simm.s32 @!p0 $0x108  }
0x21: {  	s3 =	sadd.s32 s3, s9;
	s6 =	sadd.s32 @!p0 $0x88, s6;
	s7 =	simm.s32 @p2 $0x1082  }
0x22: {  	[simem:s7], [sflag:s8] =	dma.local @!p0 [hbm:s6], $0xF7A  }
0x23: {  	s9 =	sor.u32 $0xD0000000, s2;
	s6 =	simm.s32 $0x108;
	_ =	swait.ge @!p0 [sflag:s8], $0x0  }
0x24: {  	s3 =	sadd.s32 $0x88, s3;
	s6 =	simm.s32 @!p1 $0x1082;
	[sflag:s4] =	ssyncset.s32 $0xFFFFF086  }
0x25: {  	[simem:s6], [sflag:s4] =	dma.local [hbm:s3], $0xF7A  }
0x26: {  	[smem:$0x3F9A] =	sst s1;
	(tag) =	ssettag s2;
	_ =	strace s9  }
0x27: {  	s1 =	sld [smem:$0x3FAA]  }
0x28: {  	s2 =	sld [smem:$0x3FAB]  }
0x29: {  	s4 =	sld [smem:$0x3FAD]  }
0x2a: {  	p0 =	seq.s32 s5, $0x0;
	s5 =	sld [smem:$0x3FAE]  }
0x2b: {  	s6 =	sld [smem:$0x3FAF]  }
0x2c: {  	s7 =	sld [smem:$0x3FB0]  }
0x2d: {  	s3 =	simm.s32 $0x108;
	s8 =	sld [smem:$0x3FB1]  }
0x2e: {  	s3 =	simm.s32 @!p0 $0x1082;
	s9 =	sld [smem:$0x3FB2]  }
0x2f: {  	lr =	sadd.s32 s0, s3;
	s0 =	sld [smem:$0x3FA9]  }
0x30: {  	s3 =	sld [smem:$0x3FAC]  }
0x31: {  	[smem:$0x3FB5] =	sst s10  }
0x32: {  	s10 =	sld [smem:$0x3FB3];
	_ =	sdelay $0x3  }
0x33: {  	p0 =	seq.s32 s10, $0x1;
	s10 =	sld [smem:$0x3FB5];
	_ =	sdelay $0x3  }
0x34: {  	[smem:$0x3FB5] =	sst s10  }
0x35: {  	s10 =	sld [smem:$0x3FB4];
	_ =	sdelay $0x3  }
0x36: {  	p1 =	seq.s32 s10, $0x1;
	s10 =	sld [smem:$0x3FB5];
	_ =	sdelay $0x3  }
0x37: {  	[smem:$0x3FB5] =	sst s10  }
0x38: {  	s10 =	sld [smem:$0x3FB6]  }
0x39: {  	_ = 	snop;
	(pc) =	sbr.ind lr, $3  }
0x3a: {  	_ = 	snop  }
0x3b: {  	_ = 	snop  }
0x3c: {  	p2 =	seq.s32 s10, $0x1;
	s10 =	sld [smem:$0x3FB5]  }
0x3d: {  	_ =	shalt  }
0x3e: {  	_ =	shalt  }
0x3f: {  	_ =	shalt  }
0x40: {  	_ =	shalt  }
0x41: {  	_ =	shalt  }
0x42: {  	_ =	shalt  }
0x43: {  	_ =	shalt  }
0x44: {  	_ =	shalt  }
0x45: {  	_ =	shalt  }
0x46: {  	_ =	shalt  }
0x47: {  	_ =	shalt  }
0x48: {  	_ =	shalt  }
0x49: {  	_ =	shalt  }
0x4a: {  	_ =	shalt  }
0x4b: {  	_ =	shalt  }
0x4c: {  	_ =	shalt  }
0x4d: {  	_ =	shalt  }
0x4e: {  	_ =	shalt  }
0x4f: {  	_ =	shalt  }
0x50: {  	_ =	shalt  }
0x51: {  	_ =	shalt  }
0x52: {  	_ =	shalt  }
0x53: {  	_ =	shalt  }
0x54: {  	_ =	shalt  }
0x55: {  	_ =	shalt  }
0x56: {  	_ =	shalt  }
0x57: {  	_ =	shalt  }
0x58: {  	_ =	shalt  }
0x59: {  	_ =	shalt  }
0x5a: {  	_ =	shalt  }
0x5b: {  	_ =	shalt  }
0x5c: {  	_ =	shalt  }
0x5d: {  	_ =	shalt  }
0x5e: {  	_ =	shalt  }
0x5f: {  	_ =	shalt  }
0x60: {  	_ =	shalt  }
0x61: {  	_ =	shalt  }
0x62: {  	_ =	shalt  }
0x63: {  	_ =	shalt  }
0x64: {  	_ =	shalt  }
0x65: {  	_ =	shalt  }
0x66: {  	_ =	shalt  }
0x67: {  	_ =	shalt  }
0x68: {  	_ =	shalt  }
0x69: {  	_ =	shalt  }
0x6a: {  	_ =	shalt  }
0x6b: {  	_ =	shalt  }
0x6c: {  	_ =	shalt  }
0x6d: {  	_ =	shalt  }
0x6e: {  	_ =	shalt  }
0x6f: {  	_ =	shalt  }
0x70: {  	_ =	shalt  }
0x71: {  	_ =	shalt  }
0x72: {  	_ =	shalt  }
0x73: {  	_ =	shalt  }
0x74: {  	_ =	shalt  }
0x75: {  	_ =	shalt  }
0x76: {  	_ =	shalt  }
0x77: {  	_ =	shalt  }
0x78: {  	_ =	shalt  }
0x79: {  	_ =	shalt  }
0x7a: {  	_ =	shalt  }
0x7b: {  	_ =	shalt  }
0x7c: {  	_ =	shalt  }
0x7d: {  	_ =	shalt  }
0x7e: {  	_ =	shalt  }
0x7f: {  	_ =	shalt  }
0x80: {  	_ =	shalt  }
0x81: {  	_ =	shalt  }
0x82: {  	_ =	shalt  }
0x83: {  	_ =	shalt  }
0x84: {  	_ =	shalt  }
0x85: {  	_ =	shalt  }
0x86: {  	_ =	shalt  }
0x87: {  	_ =	shalt  }
.Lfunc_end0:
.L_simem_size_0:
called_computation.1_lowered:
.L_overlay_start_0:
0x88: {  	s2 =	sld [smem:$0x3FD9]  }
0x89: {  	s3 =	sld [smem:$0x3FFE];
	_ =	sdelay $0x1  }
0x8a: {  	s1 =	srdreg.scid  }
0x8b: {  	s0 =	sand.u32 $0x1, s1  }
0x8c: {  	s17 =	sshll.u32 s0, $0xA;
	s2 =	sadd.s32 s3, s2  }
0x8d: {  	s2 =	sadd.s32 s2, s17  }
0x8e: {  	[smem:$0x3FC1] =	sst s2  }
0x8f: {  	_ = 	snop  }
0x90: {  	s2 =	sld [smem:$0x3FD0];
	(tm) =	ssettm $0x1  }
0x91: {  	s18 =	sld [smem:$0x3FFB];
	_ =	sdelay $0x3  }
0x92: {  	_ =	strace s18  }
0x93: {  	s3 =	sld [smem:$0x3FFC];
	_ =	sdelay $0x3  }
0x94: {  	_ =	strace s3  }
0x95: {  	s3 =	sld [smem:$0x3FFD];
	_ =	sdelay $0x3  }
0x96: {  	_ =	strace s3  }
0x97: {  	_ =	strace $0x8FFFFFFF  }
0x98: {  	s19 =	sld [smem:$0x3FDB];
	_ =	sdelay $0x1  }
0x99: {  	s4 =	simm.s32 $_scs_section_size  }
0x9a: {  	s5 =	simm.s32 $_size__tile_overlayer_lowered;
	s6 =	simm.s32 $_tile_overlayer_lowered  }
0x9b: {  	s22 =	simm.s32 $0x1BFF;
	s21 =	sshll.u32 s6, $0x1;
	s3 =	sadd.s32 s4, s19  }
0x9c: {  	s7 =	simm.s32 $0x0;
	s20 =	sshll.u32 s5, $0x1;
	s5 =	sadd.s32 s21, s3  }
0x9d: {  	[timem:s7], [sflag:s22] =	dma.local [hbm:s5], s20  }
0x9e: {  	_ =	swait.ge [sflag:s22], s20  }
0x9f: {  	s4 =	ssub.s32 $0x0, s20;
	[sflag:s22] =	ssyncset.done $0x0  }
0xa0: {  	[sflag:s22] =	ssyncadd.s32 s4;
	_ =	sdelay $0x1  }
0xa1: {  	s23 =	simm.s32 $0x1B8B  }
0xa2: {  	_ =	swait.ge [sflag:s23], $0x1  }
0xa3: {  	[sflag:s23] =	ssyncset.done $0x0  }
0xa4: {  	s25 =	simm.s32 $0x1B8E;
	s24 =	sld [smem:$0x3FFE];
	[sflag:s23] =	ssyncadd.s32 $0xFFFFFFFF  }
0xa5: {  	s26 =	simm.s32 $execute0_lowered;
	[smem:$0x3FD2] =	sst s25  }
0xa6: {  	s5 =	sshll.u32 s26, $0x1;
	_ =	strace $0x80000049;
	[dreg:$0x1] =	wrdreg $0xFFFFFFFF  }
0xa7: {  	s28 =	simm.s32 $_size_execute0_lowered;
	s3 =	sadd.s32 s3, s5;
	[dreg:$0x0] =	wrdreg $0x0  }
0xa8: {  	s5 =	sshll.u32 s28, $0x1;
	[dreg:$0x2] =	wrdreg s3  }
0xa9: {  	[dreg:$0x3] =	wrdreg s5  }
0xaa: {  	[dreg:$0x4] =	wrdreg $0xC0  }
0xab: {  	_ =	task [dreg:s7], $0x5FFFF  }
0xac: {  	[dreg:$0x1] =	wrdreg $0xFFFFFFFF  }
0xad: {  	[dreg:$0x0] =	wrdreg $0x60  }
0xae: {  	[dreg:$0x2] =	wrdreg s24  }
0xaf: {  	[dreg:$0x3] =	wrdreg s2  }
0xb0: {  	[dreg:$0x4] =	wrdreg $0x41000  }
0xb1: {  	[dreg:$0x5] =	wrdreg $0x9  }
0xb2: {  	_ =	task.clear_ibuf [dreg:s7], $0x6FFFF;
	_ =	strace $0x90000049  }
0xb3: {  	s29 =	simm.s32 $0x9;
	_ =	strace $0x8000004B  }
0xb4: {  	_ =	swait.ge [sflag:s29], $0x1  }
0xb5: {  	[sflag:s29] =	ssyncadd.s32 $0xFFFFFFFF  }
0xb6: {  	_ =	strace $0x9000004B  }
0xb7: {  	_ =	sfence  }
0xb8: {  	s30 =	sld [smem:$0x0];
	_ =	sdelay $0x2  }
0xb9: {  	s31 =	sshll.u32 s1, $0xD;
	s1 =	sshrl.u32 s1, $0x2  }
0xba: {  	s3 =	sand.u32 $0x4000, s31;
	s1 =	sadd.s32 s1, s30  }
0xbb: {  	s0 =	sor.u32 s3, s0;
	s1 =	sshll.u32 s1, $0x11  }
0xbc: {  	s0 =	sor.u32 s1, s0  }
0xbd: {  	s0 =	sadd.s32 $0x8F2B, s0  }
0xbe: {  	[sflag:s0] =	ssyncadd.remote.s32 $0x1  }
0xbf: {  	_ =	sfence.sel $0xFFFF  }
0xc0: {  	[dreg:$0x0] =	wrdreg $0xFFFFFFFF;
	(pc) =	sbr.abs _section_cstart, $3  }
0xc1: {  	[dreg:$0x1] =	wrdreg $0xFFFFFFFF  }
0xc2: {  	_ =	task.clear_ibuf [dreg:s7], $0x2FFFF;
	_ =	strace $0x9FFFFFFF  }
0xc3: {  	(tm) =	ssettm $0x7FFFFFFF  }
tec
execute0_lowered:
.L_overlay_start_1:
0x0: {  	(tag) =	ssettag $0x1  }
0x1: {  	s5 =	rddreg [dreg:$0x0]  }
0x2: {  	s10 =	rddreg [dreg:$0x1]  }
0x3: {  	s2 =	rddreg [dreg:$0x2]  }
0x4: {  	s0 =	rddreg [dreg:$0x3];
	s3 =	simm.s32 $0x0  }
0x5: {  	s1 =	stileid.u32;
	s7 =	srdreg.scid;
	s15 =	simm.s32 $0x2  }
0x6: {  	s16 =	simm.s32 $0x80;
	s17 =	simm.s32 $0x1;
	s6 =	smul.u32 $0x500, s1  }
0x7: {  	s20 =	simm.s32 $0x0;
	[smem:$0x7FF] =	sst s3;
	s8 =	smul.u32 $0x50000, s1  }
0x8: {  	s4 =	sadd.s32 $0x3F800, s5;
	s7 =	sand.u32 $0x1, s7;
	s12 =	smul.u32 $0x14000, s1  }
0x9: {  	s18 =	sshll.u32 s1, $0x6;
	_ =	strace $0x8000004A;
	s9 =	smul.u32 $0x140000, s7  }
0xa: {  	s29 =	ssub.s32 $0x2, s7;
	s14 =	smul.u32 $0x280, s7;
	s18 =	sor.u32 $0x1C02, s18  }
0xb: {  	s11 =	sadd.s32 s6, s5;
	s30 =	sshrl.u32 s8, $0x2;
	s31 =	sshrl.u32 s29, $0x1  }
0xc: {  	s5 =	sadd.s32 s30, s2;
	s13 =	ssub.s32 s29, s31;
	s12 =	sadd.s32 s12, s9  }
0xd: {  	s14 =	sadd.s32 s14, s11;
	s6 =	sadd.s32 $0x4000, s5;
	s7 =	sadd.s32 $0x8000, s5  }
0xe: {  	s8 =	sadd.s32 $0xC000, s5;
	s9 =	sadd.s32 $0x10000, s5;
	s12 =	sshrl.u32 s12, $0x3  }
0xf: {  	s11 =	smax.u32 s13, $0x1;
	s13 =	sadd.s32 $0x7E00, s14;
	s19 =	sshrl.u32 s5, $0x3  }
0x10: {  	v0 =	vimm.f32 $0.0e+00;
	s10 =	sadd.s32 s10, s12;
	s12 =	sadd.s32 $0x2E00, s14;
	s14 =	simm.s32 $0x100  }
.LBB2_1:
0x11: {  	s21 =	simm.s32 $0x0;
	s22 =	simm.s32 $0x200  }
.LBB2_2:
0x12: {  	p0 =	sne.s32 s22, $0xFE00;
	[tilespmem:s21+$0x170] =	vst v0  }
0x13: {  	[tilespmem:s21+$0x100] =	vst v0  }
0x14: {  	[tilespmem:s21+$0x110] =	vst v0  }
.Ltmp0:
0x15: {  	[tilespmem:s21+$0x120] =	vst v0;
	(pc) =	sbr.rel @p0 .LBB2_2-.Ltmp0, $4  }
0x16: {  	[tilespmem:s21+$0x130] =	vst v0  }
0x17: {  	[tilespmem:s21+$0x140] =	vst v0  }
0x18: {  	[tilespmem:s21+$0x150] =	vst v0  }
0x19: {  	[tilespmem:s21+$0x160] =	vst v0;
	s21 =	sshra.s32 s22, $0x2;
	s22 =	sadd.s32 $0x200, s22  }
0x1a: {  	[tilespmem:s21+$0x170] =	vst v0  }
0x1b: {  	[tilespmem:s21+$0x100] =	vst v0  }
0x1c: {  	[tilespmem:s21+$0x110] =	vst v0  }
0x1d: {  	[tilespmem:s21+$0x120] =	vst v0  }
0x1e: {  	[tilespmem:s21+$0x130] =	vst v0  }
0x1f: {  	[tilespmem:s21+$0x140] =	vst v0  }
0x20: {  	[tilespmem:s21+$0x150] =	vst v0  }
0x21: {  	[tilespmem:s21+$0x160] =	vst v0  }
0x22: {  	[spmem:s5] =	stream.linear.scatter [tilespmem:s14], [sflag:$0x2], $0x4000, $0x38;
	[tilespmem:$0x18100] =	vst v63  }
0x23: {  	_ =	swait.ge [sflag:s15], $0x4000  }
0x24: {  	[sflag:s15] =	ssyncset.done $0x0  }
0x25: {  	[sflag:s15] =	ssyncadd.s32 $0xFFFFC000  }
0x26: {  	[spmem:s6] =	stream.linear.scatter [tilespmem:s14], [sflag:$0x2], $0x4000, $0x38;
	[tilespmem:$0x18100] =	vst v63  }
0x27: {  	_ =	swait.ge [sflag:s15], $0x4000  }
0x28: {  	[sflag:s15] =	ssyncset.done $0x0  }
0x29: {  	[sflag:s15] =	ssyncadd.s32 $0xFFFFC000  }
0x2a: {  	[spmem:s7] =	stream.linear.scatter [tilespmem:s14], [sflag:$0x2], $0x4000, $0x38;
	[tilespmem:$0x18100] =	vst v63  }
0x2b: {  	_ =	swait.ge [sflag:s15], $0x4000  }
0x2c: {  	[sflag:s15] =	ssyncset.done $0x0  }
0x2d: {  	[sflag:s15] =	ssyncadd.s32 $0xFFFFC000  }
0x2e: {  	[spmem:s8] =	stream.linear.scatter [tilespmem:s14], [sflag:$0x2], $0x4000, $0x38;
	[tilespmem:$0x18100] =	vst v63  }
0x2f: {  	_ =	swait.ge [sflag:s15], $0x4000  }
0x30: {  	[sflag:s15] =	ssyncset.done $0x0  }
0x31: {  	[sflag:s15] =	ssyncadd.s32 $0xFFFFC000  }
0x32: {  	[spmem:s9] =	stream.linear.scatter [tilespmem:s14], [sflag:$0x2], $0x4000, $0x38;
	[tilespmem:$0x18100] =	vst v63  }
0x33: {  	_ =	swait.ge [sflag:s15], $0x4000  }
0x34: {  	[sflag:s15] =	ssyncset.done $0x0  }
0x35: {  	[sflag:s15] =	ssyncadd.s32 $0xFFFFC000  }
0x36: {  	s30 =	sadd.s32 $0x0, s13;
	[bflag:$0x0] =	sbarrier.arrive $0xFFFF  }
0x37: {  	[tilespmem:s3], [sflag:$0x2] =	stream.linear.gather [hbm4b:s30+s3], $0x80, $0x38;
	[tilespmem:$0x18100] =	vst v63  }
0x38: {  	_ =	swait.ge [sflag:s15], $0x80  }
0x39: {  	[sflag:s15] =	ssyncset.done $0x0  }
0x3a: {  	s31 =	sadd.s32 $0x0, s12;
	[sflag:s15] =	ssyncadd.s32 $0xFFFFFF80  }
0x3b: {  	[tilespmem:s16], [sflag:$0x2] =	stream.linear.gather [hbm4b:s31+s3], $0x80, $0x38;
	[tilespmem:$0x18100] =	vst v63  }
0x3c: {  	_ =	swait.ge [sflag:s15], $0x80  }
0x3d: {  	[sflag:s15] =	ssyncset.done $0x0  }
0x3e: {  	[sflag:s15] =	ssyncadd.s32 $0xFFFFFF80  }
0x3f: {  	[tilespmem:s14], [sflag:$0x1] =	stream.indirect.gather [hbm4b:s4+s16], $0x80, s3, s16, $0xb8;
	[tilespmem:$0x18100] =	vst v63  }
0x40: {  	_ =	swait.ge [sflag:s17], $0x4000  }
0x41: {  	[sflag:s17] =	ssyncset.done $0x0  }
0x42: {  	[sflag:s17] =	ssyncadd.s32 $0xFFFFC000  }
0x43: {  	[spmem:s2] =	stream.indirect.scatter.add.f32 [tilespmem:s14], [sflag:$0x2], $0x80, s16, s16, $0xb8;
	[tilespmem:$0x18100] =	vst v63  }
0x44: {  	_ =	swait.ge [sflag:s15], $0x4000  }
0x45: {  	s21 =	simm.s32 $0x10;
	s22 =	simm.s32 $0x20;
	[sflag:s15] =	ssyncset.done $0x0  }
.LBB2_4:
0x46: {  	s23 =	sadd.s32 s21, s13  }
0x47: {  	[sflag:s15] =	ssyncadd.s32 $0xFFFFC000;
	s24 =	smov.u32 s22;
	s25 =	sadd.s32 $0x10, s22  }
0x48: {  	[tilespmem:s3], [sflag:$0x2] =	stream.linear.gather [hbm4b:s23+s3], $0x80, $0x38;
	[tilespmem:$0x18100] =	vst v63  }
0x49: {  	p0 =	sne.s32 s22, $0x270;
	_ =	swait.ge [sflag:s15], $0x80  }
0x4a: {  	[sflag:s15] =	ssyncset.done $0x0  }
0x4b: {  	s22 =	sadd.s32 s21, s12;
	s21 =	smov.u32 s24;
	[sflag:s15] =	ssyncadd.s32 $0xFFFFFF80  }
0x4c: {  	[tilespmem:s16], [sflag:$0x2] =	stream.linear.gather [hbm4b:s22+s3], $0x80, $0x38;
	[tilespmem:$0x18100] =	vst v63  }
0x4d: {  	_ =	swait.ge [sflag:s15], $0x80  }
0x4e: {  	[sflag:s15] =	ssyncset.done $0x0  }
0x4f: {  	[sflag:s15] =	ssyncadd.s32 $0xFFFFFF80  }
0x50: {  	[tilespmem:s14], [sflag:$0x1] =	stream.indirect.gather [hbm4b:s4+s16], $0x80, s3, s16, $0xb8;
	[tilespmem:$0x18100] =	vst v63  }
0x51: {  	_ =	swait.ge [sflag:s17], $0x4000  }
.Ltmp1:
0x52: {  	[sflag:s17] =	ssyncset.done $0x0;
	(pc) =	sbr.rel @p0 .LBB2_4-.Ltmp1, $4  }
0x53: {  	[sflag:s17] =	ssyncadd.s32 $0xFFFFC000  }
0x54: {  	[spmem:s2] =	stream.indirect.scatter.add.f32 [tilespmem:s14], [sflag:$0x2], $0x80, s16, s16, $0xb8;
	[tilespmem:$0x18100] =	vst v63  }
0x55: {  	_ =	swait.ge [sflag:s15], $0x4000  }
0x56: {  	s22 =	smov.u32 s25;
	[sflag:s15] =	ssyncset.done $0x0  }
0x57: {  	s22 =	sadd.s32 s21, s13;
	[sflag:s15] =	ssyncadd.s32 $0xFFFFC000  }
0x58: {  	[tilespmem:s3], [sflag:$0x2] =	stream.linear.gather [hbm4b:s22+s3], $0x80, $0x38;
	[tilespmem:$0x18100] =	vst v63  }
0x59: {  	_ =	swait.ge [sflag:s15], $0x80  }
0x5a: {  	[sflag:s15] =	ssyncset.done $0x0  }
0x5b: {  	s31 =	sadd.s32 s21, s12;
	[sflag:s15] =	ssyncadd.s32 $0xFFFFFF80  }
0x5c: {  	[tilespmem:s16], [sflag:$0x2] =	stream.linear.gather [hbm4b:s31+s3], $0x80, $0x38;
	[tilespmem:$0x18100] =	vst v63  }
0x5d: {  	_ =	swait.ge [sflag:s15], $0x80  }
0x5e: {  	[sflag:s15] =	ssyncset.done $0x0  }
0x5f: {  	[sflag:s15] =	ssyncadd.s32 $0xFFFFFF80  }
0x60: {  	[tilespmem:s14], [sflag:$0x1] =	stream.indirect.gather [hbm4b:s4+s16], $0x80, s3, s16, $0xb8;
	[tilespmem:$0x18100] =	vst v63  }
0x61: {  	_ =	swait.ge [sflag:s17], $0x4000  }
0x62: {  	[sflag:s17] =	ssyncset.done $0x0  }
0x63: {  	[sflag:s17] =	ssyncadd.s32 $0xFFFFC000  }
0x64: {  	[spmem:s2] =	stream.indirect.scatter.add.f32 [tilespmem:s14], [sflag:$0x2], $0x80, s16, s16, $0xb8;
	[tilespmem:$0x18100] =	vst v63  }
0x65: {  	_ =	swait.ge [sflag:s15], $0x4000  }
0x66: {  	s20 =	sadd.s32 $0x1, s20;
	[sflag:s15] =	ssyncset.done $0x0  }
0x67: {  	p0 =	sne.s32 s20, s11;
	[sflag:s15] =	ssyncadd.s32 $0xFFFFC000  }
.Ltmp2:
0x68: {  	[bflag:$0x0] =	sbarrier.arrive $0xFFFF;
	(pc) =	sbr.rel @p0 .LBB2_1-.Ltmp2, $4  }
0x69: {  	[hbm:s10], [sflag:s18] =	dma.local [spmem:s19], $0x2800  }
0x6a: {  	_ =	swait.ge [sflag:s15], $0x2800  }
0x6b: {  	[sflag:s15] =	ssyncset.done $0x0  }
0x6c: {  	[sflag:s15] =	ssyncadd.s32 $0xFFFFD800  }
0x6d: {  	_ =	sfence.sel $0x180000  }
0x6e: {  	[bflag:$0x0] =	sbarrier.arrive $0xFFFF  }
0x6f: {  	p0 =	sne.s32 s1, $0x0;
	_ =	strace $0x9000004A  }
0x70: {  	s0 =	sadd.s32 @!p0 $0x100000, s0;
	[bflag:$0x2] =	sbarrier.arrive $0xFFFF  }
0x71: {  	[sflag:s0] =	ssyncadd.tile.s32 @!p0 $0x1;
	_ =	shalt  }
.Lfunc_end2:
_tile_overlayer_lowered:
.L_overlay_start_2:
0x72: {  	(tag) =	ssettag $0x2  }
0x73: {  	s0 =	rddreg [dreg:$0x0];
	s2 =	stileid.u32  }
0x74: {  	s1 =	rddreg [dreg:$0x1];
	p0 =	sne.s32 s2, $0x0  }
0x75: {  	s3 =	rddreg [dreg:$0x2];
	[bflag:$0x3] =	sbarrier.arrive $0xFFFF;
	s2 =	simm.s32 @!p0 $0x1C02  }
0x76: {  	[timem:s3], [sflag:s2] =	dma.local @!p0 [hbm:s0], s1  }
0x77: {  	s0 =	simm.s32 @!p0 $0x2  }
0x78: {  	_ =	swait.ge @!p0 [sflag:s0], s1  }
0x79: {  	s1 =	ssub.s32 @!p0 $0x0, s1;
	[sflag:s0] =	ssyncset.done @!p0 $0x0  }
0x7a: {  	[sflag:s0] =	ssyncadd.s32 @!p0 s1  }
0x7b: {  	[bflag:$0x3] =	sbarrier.arrive $0xFFFF  }
0x7c: {  	_ =	shalt  }

// kernel: kernel.15.cloned.1.call-start
scs
__scs_entry_jumppad:
0x0: {  	(pc) =	sbr.rel $0x88, $3  }
0x1: {  	(tag) =	ssettag $0x0;
	lr =	simm.s32 $0x1  }
0x2: {  	[smem:$0x3F9A] =	sst lr;
	_ =	strace $0xD0000000  }
0x3: {  	_ = 	snop  }
0x4: {  	_ = 	snop  }
0x5: {  	_ = 	snop  }
0x6: {  	_ = 	snop  }
0x7: {  	_ = 	snop  }
__scs_overlays_trampoline_lowered:
0x8: {  	[smem:$0x3FA9] =	sst s0  }
0x9: {  	[smem:$0x3FAA] =	sst s1  }
0xa: {  	[smem:$0x3FAB] =	sst s2  }
0xb: {  	[smem:$0x3FAC] =	sst s3  }
0xc: {  	[smem:$0x3FAD] =	sst s4  }
0xd: {  	[smem:$0x3FAE] =	sst s5  }
0xe: {  	[smem:$0x3FAF] =	sst s6  }
0xf: {  	[smem:$0x3FB0] =	sst s7  }
0x10: {  	[smem:$0x3FB1] =	sst s8  }
0x11: {  	[smem:$0x3FB2] =	sst s9;
	s0 =	simm.s32 @!p0 $0x0  }
0x12: {  	s1 =	sld [smem:$0x3F98];
	s0 =	simm.s32 @p0 $0x1  }
0x13: {  	[smem:$0x3FB3] =	sst s0;
	s0 =	simm.s32 @!p1 $0x0  }
0x14: {  	s2 =	sld [smem:$0x3F97];
	s0 =	simm.s32 @p1 $0x1  }
0x15: {  	[smem:$0x3FB4] =	sst s0;
	s0 =	simm.s32 @!p2 $0x0  }
0x16: {  	s3 =	sld [smem:$0x3FDB];
	s0 =	simm.s32 @p2 $0x1  }
0x17: {  	s4 =	simm.s32 $0x1BF5;
	[smem:$0x3FB6] =	sst s0  }
0x18: {  	s0 =	sld [smem:$0x3F99];
	_ =	swait.ge [sflag:s4], $0x0  }
0x19: {  	s7 =	sld [smem:$0x3F9A]  }
0x1a: {  	s8 =	sadd.s32 $0xFFFFE003, lr  }
0x1b: {  	s9 =	sadd.s32 $0xFFFFFEF7, lr;
	s5 =	simm.s32 $0xFFFFFFFF;
	p2 =	slt.u32 s8, $0xFFFFF086  }
0x1c: {  	p1 =	slt.u32 s9, $0xF7A;
	s5 =	simm.s32 @!p2 $0x0  }
0x1d: {  	s5 =	simm.s32 @p1 $0x1;
	p0 =	seq.s32 s7, s2  }
0x1e: {  	s7 =	smul.u32 @!p0 $0xF7A, s2;
	p2 =	seq.s32 @!p0 s5, $0x0  }
0x1f: {  	s9 =	smul.u32 $0xF7A, s1;
	s8 =	simm.s32 @!p0 $0x1BF5;
	p2 =	por !p2, p0  }
0x20: {  	[sflag:s8] =	ssyncset.s32 @!p0 $0xFFFFF086;
	s6 =	sadd.s32 @!p0 s3, s7;
	s7 =	simm.s32 @!p0 $0x108  }
0x21: {  	s3 =	sadd.s32 s3, s9;
	s6 =	sadd.s32 @!p0 $0x88, s6;
	s7 =	simm.s32 @p2 $0x1082  }
0x22: {  	[simem:s7], [sflag:s8] =	dma.local @!p0 [hbm:s6], $0xF7A  }
0x23: {  	s9 =	sor.u32 $0xD0000000, s2;
	s6 =	simm.s32 $0x108;
	_ =	swait.ge @!p0 [sflag:s8], $0x0  }
0x24: {  	s3 =	sadd.s32 $0x88, s3;
	s6 =	simm.s32 @!p1 $0x1082;
	[sflag:s4] =	ssyncset.s32 $0xFFFFF086  }
0x25: {  	[simem:s6], [sflag:s4] =	dma.local [hbm:s3], $0xF7A  }
0x26: {  	[smem:$0x3F9A] =	sst s1;
	(tag) =	ssettag s2;
	_ =	strace s9  }
0x27: {  	s1 =	sld [smem:$0x3FAA]  }
0x28: {  	s2 =	sld [smem:$0x3FAB]  }
0x29: {  	s4 =	sld [smem:$0x3FAD]  }
0x2a: {  	p0 =	seq.s32 s5, $0x0;
	s5 =	sld [smem:$0x3FAE]  }
0x2b: {  	s6 =	sld [smem:$0x3FAF]  }
0x2c: {  	s7 =	sld [smem:$0x3FB0]  }
0x2d: {  	s3 =	simm.s32 $0x108;
	s8 =	sld [smem:$0x3FB1]  }
0x2e: {  	s3 =	simm.s32 @!p0 $0x1082;
	s9 =	sld [smem:$0x3FB2]  }
0x2f: {  	lr =	sadd.s32 s0, s3;
	s0 =	sld [smem:$0x3FA9]  }
0x30: {  	s3 =	sld [smem:$0x3FAC]  }
0x31: {  	[smem:$0x3FB5] =	sst s10  }
0x32: {  	s10 =	sld [smem:$0x3FB3];
	_ =	sdelay $0x3  }
0x33: {  	p0 =	seq.s32 s10, $0x1;
	s10 =	sld [smem:$0x3FB5];
	_ =	sdelay $0x3  }
0x34: {  	[smem:$0x3FB5] =	sst s10  }
0x35: {  	s10 =	sld [smem:$0x3FB4];
	_ =	sdelay $0x3  }
0x36: {  	p1 =	seq.s32 s10, $0x1;
	s10 =	sld [smem:$0x3FB5];
	_ =	sdelay $0x3  }
0x37: {  	[smem:$0x3FB5] =	sst s10  }
0x38: {  	s10 =	sld [smem:$0x3FB6]  }
0x39: {  	_ = 	snop;
	(pc) =	sbr.ind lr, $3  }
0x3a: {  	_ = 	snop  }
0x3b: {  	_ = 	snop  }
0x3c: {  	p2 =	seq.s32 s10, $0x1;
	s10 =	sld [smem:$0x3FB5]  }
0x3d: {  	_ =	shalt  }
0x3e: {  	_ =	shalt  }
0x3f: {  	_ =	shalt  }
0x40: {  	_ =	shalt  }
0x41: {  	_ =	shalt  }
0x42: {  	_ =	shalt  }
0x43: {  	_ =	shalt  }
0x44: {  	_ =	shalt  }
0x45: {  	_ =	shalt  }
0x46: {  	_ =	shalt  }
0x47: {  	_ =	shalt  }
0x48: {  	_ =	shalt  }
0x49: {  	_ =	shalt  }
0x4a: {  	_ =	shalt  }
0x4b: {  	_ =	shalt  }
0x4c: {  	_ =	shalt  }
0x4d: {  	_ =	shalt  }
0x4e: {  	_ =	shalt  }
0x4f: {  	_ =	shalt  }
0x50: {  	_ =	shalt  }
0x51: {  	_ =	shalt  }
0x52: {  	_ =	shalt  }
0x53: {  	_ =	shalt  }
0x54: {  	_ =	shalt  }
0x55: {  	_ =	shalt  }
0x56: {  	_ =	shalt  }
0x57: {  	_ =	shalt  }
0x58: {  	_ =	shalt  }
0x59: {  	_ =	shalt  }
0x5a: {  	_ =	shalt  }
0x5b: {  	_ =	shalt  }
0x5c: {  	_ =	shalt  }
0x5d: {  	_ =	shalt  }
0x5e: {  	_ =	shalt  }
0x5f: {  	_ =	shalt  }
0x60: {  	_ =	shalt  }
0x61: {  	_ =	shalt  }
0x62: {  	_ =	shalt  }
0x63: {  	_ =	shalt  }
0x64: {  	_ =	shalt  }
0x65: {  	_ =	shalt  }
0x66: {  	_ =	shalt  }
0x67: {  	_ =	shalt  }
0x68: {  	_ =	shalt  }
0x69: {  	_ =	shalt  }
0x6a: {  	_ =	shalt  }
0x6b: {  	_ =	shalt  }
0x6c: {  	_ =	shalt  }
0x6d: {  	_ =	shalt  }
0x6e: {  	_ =	shalt  }
0x6f: {  	_ =	shalt  }
0x70: {  	_ =	shalt  }
0x71: {  	_ =	shalt  }
0x72: {  	_ =	shalt  }
0x73: {  	_ =	shalt  }
0x74: {  	_ =	shalt  }
0x75: {  	_ =	shalt  }
0x76: {  	_ =	shalt  }
0x77: {  	_ =	shalt  }
0x78: {  	_ =	shalt  }
0x79: {  	_ =	shalt  }
0x7a: {  	_ =	shalt  }
0x7b: {  	_ =	shalt  }
0x7c: {  	_ =	shalt  }
0x7d: {  	_ =	shalt  }
0x7e: {  	_ =	shalt  }
0x7f: {  	_ =	shalt  }
0x80: {  	_ =	shalt  }
0x81: {  	_ =	shalt  }
0x82: {  	_ =	shalt  }
0x83: {  	_ =	shalt  }
0x84: {  	_ =	shalt  }
0x85: {  	_ =	shalt  }
0x86: {  	_ =	shalt  }
0x87: {  	_ =	shalt  }
.Lfunc_end0:
.L_simem_size_0:
called_computation.2_lowered:
.L_overlay_start_0:
0x88: {  	s2 =	sld [smem:$0x3FD9]  }
0x89: {  	s3 =	sld [smem:$0x3FFE];
	_ =	sdelay $0x1  }
0x8a: {  	s1 =	srdreg.scid  }
0x8b: {  	s0 =	sand.u32 $0x1, s1  }
0x8c: {  	s17 =	sshll.u32 s0, $0xA;
	s2 =	sadd.s32 s3, s2  }
0x8d: {  	s2 =	sadd.s32 s2, s17  }
0x8e: {  	[smem:$0x3FC1] =	sst s2  }
0x8f: {  	_ = 	snop  }
0x90: {  	s2 =	sld [smem:$0x3FD0];
	(tm) =	ssettm $0x1  }
0x91: {  	s18 =	sld [smem:$0x3FFB];
	_ =	sdelay $0x3  }
0x92: {  	_ =	strace s18  }
0x93: {  	s3 =	sld [smem:$0x3FFC];
	_ =	sdelay $0x3  }
0x94: {  	_ =	strace s3  }
0x95: {  	s3 =	sld [smem:$0x3FFD];
	_ =	sdelay $0x3  }
0x96: {  	_ =	strace s3  }
0x97: {  	_ =	strace $0x8FFFFFFF  }
0x98: {  	s19 =	sld [smem:$0x3FDB];
	_ =	sdelay $0x1  }
0x99: {  	s4 =	simm.s32 $_scs_section_size  }
0x9a: {  	s5 =	simm.s32 $_size__tile_overlayer_lowered;
	s6 =	simm.s32 $_tile_overlayer_lowered  }
0x9b: {  	s22 =	simm.s32 $0x1BFF;
	s21 =	sshll.u32 s6, $0x1;
	s3 =	sadd.s32 s4, s19  }
0x9c: {  	s7 =	simm.s32 $0x0;
	s20 =	sshll.u32 s5, $0x1;
	s5 =	sadd.s32 s21, s3  }
0x9d: {  	[timem:s7], [sflag:s22] =	dma.local [hbm:s5], s20  }
0x9e: {  	_ =	swait.ge [sflag:s22], s20  }
0x9f: {  	s4 =	ssub.s32 $0x0, s20;
	[sflag:s22] =	ssyncset.done $0x0  }
0xa0: {  	[sflag:s22] =	ssyncadd.s32 s4;
	_ =	sdelay $0x1  }
0xa1: {  	s23 =	simm.s32 $0x1B8B  }
0xa2: {  	_ =	swait.ge [sflag:s23], $0x1  }
0xa3: {  	[sflag:s23] =	ssyncset.done $0x0  }
0xa4: {  	s25 =	simm.s32 $0x1B8E;
	s24 =	sld [smem:$0x3FFE];
	[sflag:s23] =	ssyncadd.s32 $0xFFFFFFFF  }
0xa5: {  	s26 =	simm.s32 $execute0_lowered;
	[smem:$0x3FD2] =	sst s25  }
0xa6: {  	s5 =	sshll.u32 s26, $0x1;
	_ =	strace $0x8000004C;
	[dreg:$0x1] =	wrdreg $0xFFFFFFFF  }
0xa7: {  	s28 =	simm.s32 $_size_execute0_lowered;
	s3 =	sadd.s32 s3, s5;
	[dreg:$0x0] =	wrdreg $0x0  }
0xa8: {  	s5 =	sshll.u32 s28, $0x1;
	[dreg:$0x2] =	wrdreg s3  }
0xa9: {  	[dreg:$0x3] =	wrdreg s5  }
0xaa: {  	[dreg:$0x4] =	wrdreg $0xC0  }
0xab: {  	_ =	task [dreg:s7], $0x5FFFF  }
0xac: {  	[dreg:$0x1] =	wrdreg $0xFFFFFFFF  }
0xad: {  	[dreg:$0x0] =	wrdreg $0x60  }
0xae: {  	[dreg:$0x2] =	wrdreg s24  }
0xaf: {  	[dreg:$0x3] =	wrdreg s2  }
0xb0: {  	[dreg:$0x4] =	wrdreg $0x41000  }
0xb1: {  	[dreg:$0x5] =	wrdreg $0x9  }
0xb2: {  	_ =	task.clear_ibuf [dreg:s7], $0x6FFFF;
	_ =	strace $0x9000004C  }
0xb3: {  	s29 =	simm.s32 $0x9;
	_ =	strace $0x8000004E  }
0xb4: {  	_ =	swait.ge [sflag:s29], $0x1  }
0xb5: {  	[sflag:s29] =	ssyncadd.s32 $0xFFFFFFFF  }
0xb6: {  	_ =	strace $0x9000004E  }
0xb7: {  	_ =	sfence  }
0xb8: {  	s30 =	sld [smem:$0x0];
	_ =	sdelay $0x2  }
0xb9: {  	s31 =	sshll.u32 s1, $0xD;
	s1 =	sshrl.u32 s1, $0x2  }
0xba: {  	s3 =	sand.u32 $0x4000, s31;
	s1 =	sadd.s32 s1, s30  }
0xbb: {  	s0 =	sor.u32 s3, s0;
	s1 =	sshll.u32 s1, $0x11  }
0xbc: {  	s0 =	sor.u32 s1, s0  }
0xbd: {  	s0 =	sadd.s32 $0x8F2B, s0  }
0xbe: {  	[sflag:s0] =	ssyncadd.remote.s32 $0x1  }
0xbf: {  	_ =	sfence.sel $0xFFFF  }
0xc0: {  	[dreg:$0x0] =	wrdreg $0xFFFFFFFF;
	(pc) =	sbr.abs _section_cstart, $3  }
0xc1: {  	[dreg:$0x1] =	wrdreg $0xFFFFFFFF  }
0xc2: {  	_ =	task.clear_ibuf [dreg:s7], $0x2FFFF;
	_ =	strace $0x9FFFFFFF  }
0xc3: {  	(tm) =	ssettm $0x7FFFFFFF  }
tec
execute0_lowered:
.L_overlay_start_1:
0x0: {  	(tag) =	ssettag $0x1  }
0x1: {  	s5 =	rddreg [dreg:$0x0]  }
0x2: {  	s10 =	rddreg [dreg:$0x1]  }
0x3: {  	s2 =	rddreg [dreg:$0x2]  }
0x4: {  	s0 =	rddreg [dreg:$0x3];
	s3 =	simm.s32 $0x0  }
0x5: {  	s1 =	stileid.u32;
	s7 =	srdreg.scid;
	s15 =	simm.s32 $0x2  }
0x6: {  	s16 =	simm.s32 $0x80;
	s17 =	simm.s32 $0x1;
	s6 =	smul.u32 $0x500, s1  }
0x7: {  	s20 =	simm.s32 $0x0;
	[smem:$0x7FF] =	sst s3;
	s8 =	smul.u32 $0x50000, s1  }
0x8: {  	s4 =	sadd.s32 $0x3F800, s5;
	s7 =	sand.u32 $0x1, s7;
	s12 =	smul.u32 $0x14000, s1  }
0x9: {  	s18 =	sshll.u32 s1, $0x6;
	_ =	strace $0x8000004D;
	s9 =	smul.u32 $0x140000, s7  }
0xa: {  	s29 =	ssub.s32 $0x2, s7;
	s14 =	smul.u32 $0x280, s7;
	s18 =	sor.u32 $0x1C02, s18  }
0xb: {  	s11 =	sadd.s32 s6, s5;
	s30 =	sshrl.u32 s8, $0x2;
	s31 =	sshrl.u32 s29, $0x1  }
0xc: {  	s5 =	sadd.s32 s30, s2;
	s13 =	ssub.s32 s29, s31;
	s12 =	sadd.s32 s12, s9  }
0xd: {  	s14 =	sadd.s32 s14, s11;
	s6 =	sadd.s32 $0x4000, s5;
	s7 =	sadd.s32 $0x8000, s5  }
0xe: {  	s8 =	sadd.s32 $0xC000, s5;
	s9 =	sadd.s32 $0x10000, s5;
	s12 =	sshrl.u32 s12, $0x3  }
0xf: {  	s11 =	smax.u32 s13, $0x1;
	s13 =	sadd.s32 $0x7E00, s14;
	s19 =	sshrl.u32 s5, $0x3  }
0x10: {  	v0 =	vimm.f32 $0.0e+00;
	s10 =	sadd.s32 s10, s12;
	s12 =	sadd.s32 $0x2E00, s14;
	s14 =	simm.s32 $0x100  }
.LBB2_1:
0x11: {  	s21 =	simm.s32 $0x0;
	s22 =	simm.s32 $0x200  }
.LBB2_2:
0x12: {  	p0 =	sne.s32 s22, $0xFE00;
	[tilespmem:s21+$0x170] =	vst v0  }
0x13: {  	[tilespmem:s21+$0x100] =	vst v0  }
0x14: {  	[tilespmem:s21+$0x110] =	vst v0  }
.Ltmp0:
0x15: {  	[tilespmem:s21+$0x120] =	vst v0;
	(pc) =	sbr.rel @p0 .LBB2_2-.Ltmp0, $4  }
0x16: {  	[tilespmem:s21+$0x130] =	vst v0  }
0x17: {  	[tilespmem:s21+$0x140] =	vst v0  }
0x18: {  	[tilespmem:s21+$0x150] =	vst v0  }
0x19: {  	[tilespmem:s21+$0x160] =	vst v0;
	s21 =	sshra.s32 s22, $0x2;
	s22 =	sadd.s32 $0x200, s22  }
0x1a: {  	[tilespmem:s21+$0x170] =	vst v0  }
0x1b: {  	[tilespmem:s21+$0x100] =	vst v0  }
0x1c: {  	[tilespmem:s21+$0x110] =	vst v0  }
0x1d: {  	[tilespmem:s21+$0x120] =	vst v0  }
0x1e: {  	[tilespmem:s21+$0x130] =	vst v0  }
0x1f: {  	[tilespmem:s21+$0x140] =	vst v0  }
0x20: {  	[tilespmem:s21+$0x150] =	vst v0  }
0x21: {  	[tilespmem:s21+$0x160] =	vst v0  }
0x22: {  	[spmem:s5] =	stream.linear.scatter [tilespmem:s14], [sflag:$0x2], $0x4000, $0x38;
	[tilespmem:$0x18100] =	vst v63  }
0x23: {  	_ =	swait.ge [sflag:s15], $0x4000  }
0x24: {  	[sflag:s15] =	ssyncset.done $0x0  }
0x25: {  	[sflag:s15] =	ssyncadd.s32 $0xFFFFC000  }
0x26: {  	[spmem:s6] =	stream.linear.scatter [tilespmem:s14], [sflag:$0x2], $0x4000, $0x38;
	[tilespmem:$0x18100] =	vst v63  }
0x27: {  	_ =	swait.ge [sflag:s15], $0x4000  }
0x28: {  	[sflag:s15] =	ssyncset.done $0x0  }
0x29: {  	[sflag:s15] =	ssyncadd.s32 $0xFFFFC000  }
0x2a: {  	[spmem:s7] =	stream.linear.scatter [tilespmem:s14], [sflag:$0x2], $0x4000, $0x38;
	[tilespmem:$0x18100] =	vst v63  }
0x2b: {  	_ =	swait.ge [sflag:s15], $0x4000  }
0x2c: {  	[sflag:s15] =	ssyncset.done $0x0  }
0x2d: {  	[sflag:s15] =	ssyncadd.s32 $0xFFFFC000  }
0x2e: {  	[spmem:s8] =	stream.linear.scatter [tilespmem:s14], [sflag:$0x2], $0x4000, $0x38;
	[tilespmem:$0x18100] =	vst v63  }
0x2f: {  	_ =	swait.ge [sflag:s15], $0x4000  }
0x30: {  	[sflag:s15] =	ssyncset.done $0x0  }
0x31: {  	[sflag:s15] =	ssyncadd.s32 $0xFFFFC000  }
0x32: {  	[spmem:s9] =	stream.linear.scatter [tilespmem:s14], [sflag:$0x2], $0x4000, $0x38;
	[tilespmem:$0x18100] =	vst v63  }
0x33: {  	_ =	swait.ge [sflag:s15], $0x4000  }
0x34: {  	[sflag:s15] =	ssyncset.done $0x0  }
0x35: {  	[sflag:s15] =	ssyncadd.s32 $0xFFFFC000  }
0x36: {  	s30 =	sadd.s32 $0x0, s13;
	[bflag:$0x0] =	sbarrier.arrive $0xFFFF  }
0x37: {  	[tilespmem:s3], [sflag:$0x2] =	stream.linear.gather [hbm4b:s30+s3], $0x80, $0x38;
	[tilespmem:$0x18100] =	vst v63  }
0x38: {  	_ =	swait.ge [sflag:s15], $0x80  }
0x39: {  	[sflag:s15] =	ssyncset.done $0x0  }
0x3a: {  	s31 =	sadd.s32 $0x0, s12;
	[sflag:s15] =	ssyncadd.s32 $0xFFFFFF80  }
0x3b: {  	[tilespmem:s16], [sflag:$0x2] =	stream.linear.gather [hbm4b:s31+s3], $0x80, $0x38;
	[tilespmem:$0x18100] =	vst v63  }
0x3c: {  	_ =	swait.ge [sflag:s15], $0x80  }
0x3d: {  	[sflag:s15] =	ssyncset.done $0x0  }
0x3e: {  	[sflag:s15] =	ssyncadd.s32 $0xFFFFFF80  }
0x3f: {  	[tilespmem:s14], [sflag:$0x1] =	stream.indirect.gather [hbm4b:s4+s16], $0x80, s3, s16, $0xb8;
	[tilespmem:$0x18100] =	vst v63  }
0x40: {  	_ =	swait.ge [sflag:s17], $0x4000  }
0x41: {  	[sflag:s17] =	ssyncset.done $0x0  }
0x42: {  	[sflag:s17] =	ssyncadd.s32 $0xFFFFC000  }
0x43: {  	[spmem:s2] =	stream.indirect.scatter.add.f32 [tilespmem:s14], [sflag:$0x2], $0x80, s16, s16, $0xb8;
	[tilespmem:$0x18100] =	vst v63  }
0x44: {  	_ =	swait.ge [sflag:s15], $0x4000  }
0x45: {  	s21 =	simm.s32 $0x10;
	s22 =	simm.s32 $0x20;
	[sflag:s15] =	ssyncset.done $0x0  }
.LBB2_4:
0x46: {  	s23 =	sadd.s32 s21, s13  }
0x47: {  	[sflag:s15] =	ssyncadd.s32 $0xFFFFC000;
	s24 =	smov.u32 s22;
	s25 =	sadd.s32 $0x10, s22  }
0x48: {  	[tilespmem:s3], [sflag:$0x2] =	stream.linear.gather [hbm4b:s23+s3], $0x80, $0x38;
	[tilespmem:$0x18100] =	vst v63  }
0x49: {  	p0 =	sne.s32 s22, $0x270;
	_ =	swait.ge [sflag:s15], $0x80  }
0x4a: {  	[sflag:s15] =	ssyncset.done $0x0  }
0x4b: {  	s22 =	sadd.s32 s21, s12;
	s21 =	smov.u32 s24;
	[sflag:s15] =	ssyncadd.s32 $0xFFFFFF80  }
0x4c: {  	[tilespmem:s16], [sflag:$0x2] =	stream.linear.gather [hbm4b:s22+s3], $0x80, $0x38;
	[tilespmem:$0x18100] =	vst v63  }
0x4d: {  	_ =	swait.ge [sflag:s15], $0x80  }
0x4e: {  	[sflag:s15] =	ssyncset.done $0x0  }
0x4f: {  	[sflag:s15] =	ssyncadd.s32 $0xFFFFFF80  }
0x50: {  	[tilespmem:s14], [sflag:$0x1] =	stream.indirect.gather [hbm4b:s4+s16], $0x80, s3, s16, $0xb8;
	[tilespmem:$0x18100] =	vst v63  }
0x51: {  	_ =	swait.ge [sflag:s17], $0x4000  }
.Ltmp1:
0x52: {  	[sflag:s17] =	ssyncset.done $0x0;
	(pc) =	sbr.rel @p0 .LBB2_4-.Ltmp1, $4  }
0x53: {  	[sflag:s17] =	ssyncadd.s32 $0xFFFFC000  }
0x54: {  	[spmem:s2] =	stream.indirect.scatter.add.f32 [tilespmem:s14], [sflag:$0x2], $0x80, s16, s16, $0xb8;
	[tilespmem:$0x18100] =	vst v63  }
0x55: {  	_ =	swait.ge [sflag:s15], $0x4000  }
0x56: {  	s22 =	smov.u32 s25;
	[sflag:s15] =	ssyncset.done $0x0  }
0x57: {  	s22 =	sadd.s32 s21, s13;
	[sflag:s15] =	ssyncadd.s32 $0xFFFFC000  }
0x58: {  	[tilespmem:s3], [sflag:$0x2] =	stream.linear.gather [hbm4b:s22+s3], $0x80, $0x38;
	[tilespmem:$0x18100] =	vst v63  }
0x59: {  	_ =	swait.ge [sflag:s15], $0x80  }
0x5a: {  	[sflag:s15] =	ssyncset.done $0x0  }
0x5b: {  	s31 =	sadd.s32 s21, s12;
	[sflag:s15] =	ssyncadd.s32 $0xFFFFFF80  }
0x5c: {  	[tilespmem:s16], [sflag:$0x2] =	stream.linear.gather [hbm4b:s31+s3], $0x80, $0x38;
	[tilespmem:$0x18100] =	vst v63  }
0x5d: {  	_ =	swait.ge [sflag:s15], $0x80  }
0x5e: {  	[sflag:s15] =	ssyncset.done $0x0  }
0x5f: {  	[sflag:s15] =	ssyncadd.s32 $0xFFFFFF80  }
0x60: {  	[tilespmem:s14], [sflag:$0x1] =	stream.indirect.gather [hbm4b:s4+s16], $0x80, s3, s16, $0xb8;
	[tilespmem:$0x18100] =	vst v63  }
0x61: {  	_ =	swait.ge [sflag:s17], $0x4000  }
0x62: {  	[sflag:s17] =	ssyncset.done $0x0  }
0x63: {  	[sflag:s17] =	ssyncadd.s32 $0xFFFFC000  }
0x64: {  	[spmem:s2] =	stream.indirect.scatter.add.f32 [tilespmem:s14], [sflag:$0x2], $0x80, s16, s16, $0xb8;
	[tilespmem:$0x18100] =	vst v63  }
0x65: {  	_ =	swait.ge [sflag:s15], $0x4000  }
0x66: {  	s20 =	sadd.s32 $0x1, s20;
	[sflag:s15] =	ssyncset.done $0x0  }
0x67: {  	p0 =	sne.s32 s20, s11;
	[sflag:s15] =	ssyncadd.s32 $0xFFFFC000  }
.Ltmp2:
0x68: {  	[bflag:$0x0] =	sbarrier.arrive $0xFFFF;
	(pc) =	sbr.rel @p0 .LBB2_1-.Ltmp2, $4  }
0x69: {  	[hbm:s10], [sflag:s18] =	dma.local [spmem:s19], $0x2800  }
0x6a: {  	_ =	swait.ge [sflag:s15], $0x2800  }
0x6b: {  	[sflag:s15] =	ssyncset.done $0x0  }
0x6c: {  	[sflag:s15] =	ssyncadd.s32 $0xFFFFD800  }
0x6d: {  	_ =	sfence.sel $0x180000  }
0x6e: {  	[bflag:$0x0] =	sbarrier.arrive $0xFFFF  }
0x6f: {  	p0 =	sne.s32 s1, $0x0;
	_ =	strace $0x9000004D  }
0x70: {  	s0 =	sadd.s32 @!p0 $0x100000, s0;
	[bflag:$0x2] =	sbarrier.arrive $0xFFFF  }
0x71: {  	[sflag:s0] =	ssyncadd.tile.s32 @!p0 $0x1;
	_ =	shalt  }
.Lfunc_end2:
_tile_overlayer_lowered:
.L_overlay_start_2:
0x72: {  	(tag) =	ssettag $0x2  }
0x73: {  	s0 =	rddreg [dreg:$0x0];
	s2 =	stileid.u32  }
0x74: {  	s1 =	rddreg [dreg:$0x1];
	p0 =	sne.s32 s2, $0x0  }
0x75: {  	s3 =	rddreg [dreg:$0x2];
	[bflag:$0x3] =	sbarrier.arrive $0xFFFF;
	s2 =	simm.s32 @!p0 $0x1C02  }
0x76: {  	[timem:s3], [sflag:s2] =	dma.local @!p0 [hbm:s0], s1  }
0x77: {  	s0 =	simm.s32 @!p0 $0x2  }
0x78: {  	_ =	swait.ge @!p0 [sflag:s0], s1  }
0x79: {  	s1 =	ssub.s32 @!p0 $0x0, s1;
	[sflag:s0] =	ssyncset.done @!p0 $0x0  }
0x7a: {  	[sflag:s0] =	ssyncadd.s32 @!p0 s1  }
0x7b: {  	[bflag:$0x3] =	sbarrier.arrive $0xFFFF  }
0x7c: {  	_ =	shalt  }

// kernel: kernel.18.cloned.1.call-start
scs
__scs_entry_jumppad:
0x0: {  	(pc) =	sbr.rel $0x88, $3  }
0x1: {  	(tag) =	ssettag $0x0;
	lr =	simm.s32 $0x1  }
0x2: {  	[smem:$0x3F9A] =	sst lr;
	_ =	strace $0xD0000000  }
0x3: {  	_ = 	snop  }
0x4: {  	_ = 	snop  }
0x5: {  	_ = 	snop  }
0x6: {  	_ = 	snop  }
0x7: {  	_ = 	snop  }
__scs_overlays_trampoline_lowered:
0x8: {  	[smem:$0x3FA9] =	sst s0  }
0x9: {  	[smem:$0x3FAA] =	sst s1  }
0xa: {  	[smem:$0x3FAB] =	sst s2  }
0xb: {  	[smem:$0x3FAC] =	sst s3  }
0xc: {  	[smem:$0x3FAD] =	sst s4  }
0xd: {  	[smem:$0x3FAE] =	sst s5  }
0xe: {  	[smem:$0x3FAF] =	sst s6  }
0xf: {  	[smem:$0x3FB0] =	sst s7  }
0x10: {  	[smem:$0x3FB1] =	sst s8  }
0x11: {  	[smem:$0x3FB2] =	sst s9;
	s0 =	simm.s32 @!p0 $0x0  }
0x12: {  	s1 =	sld [smem:$0x3F98];
	s0 =	simm.s32 @p0 $0x1  }
0x13: {  	[smem:$0x3FB3] =	sst s0;
	s0 =	simm.s32 @!p1 $0x0  }
0x14: {  	s2 =	sld [smem:$0x3F97];
	s0 =	simm.s32 @p1 $0x1  }
0x15: {  	[smem:$0x3FB4] =	sst s0;
	s0 =	simm.s32 @!p2 $0x0  }
0x16: {  	s3 =	sld [smem:$0x3FDB];
	s0 =	simm.s32 @p2 $0x1  }
0x17: {  	s4 =	simm.s32 $0x1BF5;
	[smem:$0x3FB6] =	sst s0  }
0x18: {  	s0 =	sld [smem:$0x3F99];
	_ =	swait.ge [sflag:s4], $0x0  }
0x19: {  	s7 =	sld [smem:$0x3F9A]  }
0x1a: {  	s8 =	sadd.s32 $0xFFFFE003, lr  }
0x1b: {  	s9 =	sadd.s32 $0xFFFFFEF7, lr;
	s5 =	simm.s32 $0xFFFFFFFF;
	p2 =	slt.u32 s8, $0xFFFFF086  }
0x1c: {  	p1 =	slt.u32 s9, $0xF7A;
	s5 =	simm.s32 @!p2 $0x0  }
0x1d: {  	s5 =	simm.s32 @p1 $0x1;
	p0 =	seq.s32 s7, s2  }
0x1e: {  	s7 =	smul.u32 @!p0 $0xF7A, s2;
	p2 =	seq.s32 @!p0 s5, $0x0  }
0x1f: {  	s9 =	smul.u32 $0xF7A, s1;
	s8 =	simm.s32 @!p0 $0x1BF5;
	p2 =	por !p2, p0  }
0x20: {  	[sflag:s8] =	ssyncset.s32 @!p0 $0xFFFFF086;
	s6 =	sadd.s32 @!p0 s3, s7;
	s7 =	simm.s32 @!p0 $0x108  }
0x21: {  	s3 =	sadd.s32 s3, s9;
	s6 =	sadd.s32 @!p0 $0x88, s6;
	s7 =	simm.s32 @p2 $0x1082  }
0x22: {  	[simem:s7], [sflag:s8] =	dma.local @!p0 [hbm:s6], $0xF7A  }
0x23: {  	s9 =	sor.u32 $0xD0000000, s2;
	s6 =	simm.s32 $0x108;
	_ =	swait.ge @!p0 [sflag:s8], $0x0  }
0x24: {  	s3 =	sadd.s32 $0x88, s3;
	s6 =	simm.s32 @!p1 $0x1082;
	[sflag:s4] =	ssyncset.s32 $0xFFFFF086  }
0x25: {  	[simem:s6], [sflag:s4] =	dma.local [hbm:s3], $0xF7A  }
0x26: {  	[smem:$0x3F9A] =	sst s1;
	(tag) =	ssettag s2;
	_ =	strace s9  }
0x27: {  	s1 =	sld [smem:$0x3FAA]  }
0x28: {  	s2 =	sld [smem:$0x3FAB]  }
0x29: {  	s4 =	sld [smem:$0x3FAD]  }
0x2a: {  	p0 =	seq.s32 s5, $0x0;
	s5 =	sld [smem:$0x3FAE]  }
0x2b: {  	s6 =	sld [smem:$0x3FAF]  }
0x2c: {  	s7 =	sld [smem:$0x3FB0]  }
0x2d: {  	s3 =	simm.s32 $0x108;
	s8 =	sld [smem:$0x3FB1]  }
0x2e: {  	s3 =	simm.s32 @!p0 $0x1082;
	s9 =	sld [smem:$0x3FB2]  }
0x2f: {  	lr =	sadd.s32 s0, s3;
	s0 =	sld [smem:$0x3FA9]  }
0x30: {  	s3 =	sld [smem:$0x3FAC]  }
0x31: {  	[smem:$0x3FB5] =	sst s10  }
0x32: {  	s10 =	sld [smem:$0x3FB3];
	_ =	sdelay $0x3  }
0x33: {  	p0 =	seq.s32 s10, $0x1;
	s10 =	sld [smem:$0x3FB5];
	_ =	sdelay $0x3  }
0x34: {  	[smem:$0x3FB5] =	sst s10  }
0x35: {  	s10 =	sld [smem:$0x3FB4];
	_ =	sdelay $0x3  }
0x36: {  	p1 =	seq.s32 s10, $0x1;
	s10 =	sld [smem:$0x3FB5];
	_ =	sdelay $0x3  }
0x37: {  	[smem:$0x3FB5] =	sst s10  }
0x38: {  	s10 =	sld [smem:$0x3FB6]  }
0x39: {  	_ = 	snop;
	(pc) =	sbr.ind lr, $3  }
0x3a: {  	_ = 	snop  }
0x3b: {  	_ = 	snop  }
0x3c: {  	p2 =	seq.s32 s10, $0x1;
	s10 =	sld [smem:$0x3FB5]  }
0x3d: {  	_ =	shalt  }
0x3e: {  	_ =	shalt  }
0x3f: {  	_ =	shalt  }
0x40: {  	_ =	shalt  }
0x41: {  	_ =	shalt  }
0x42: {  	_ =	shalt  }
0x43: {  	_ =	shalt  }
0x44: {  	_ =	shalt  }
0x45: {  	_ =	shalt  }
0x46: {  	_ =	shalt  }
0x47: {  	_ =	shalt  }
0x48: {  	_ =	shalt  }
0x49: {  	_ =	shalt  }
0x4a: {  	_ =	shalt  }
0x4b: {  	_ =	shalt  }
0x4c: {  	_ =	shalt  }
0x4d: {  	_ =	shalt  }
0x4e: {  	_ =	shalt  }
0x4f: {  	_ =	shalt  }
0x50: {  	_ =	shalt  }
0x51: {  	_ =	shalt  }
0x52: {  	_ =	shalt  }
0x53: {  	_ =	shalt  }
0x54: {  	_ =	shalt  }
0x55: {  	_ =	shalt  }
0x56: {  	_ =	shalt  }
0x57: {  	_ =	shalt  }
0x58: {  	_ =	shalt  }
0x59: {  	_ =	shalt  }
0x5a: {  	_ =	shalt  }
0x5b: {  	_ =	shalt  }
0x5c: {  	_ =	shalt  }
0x5d: {  	_ =	shalt  }
0x5e: {  	_ =	shalt  }
0x5f: {  	_ =	shalt  }
0x60: {  	_ =	shalt  }
0x61: {  	_ =	shalt  }
0x62: {  	_ =	shalt  }
0x63: {  	_ =	shalt  }
0x64: {  	_ =	shalt  }
0x65: {  	_ =	shalt  }
0x66: {  	_ =	shalt  }
0x67: {  	_ =	shalt  }
0x68: {  	_ =	shalt  }
0x69: {  	_ =	shalt  }
0x6a: {  	_ =	shalt  }
0x6b: {  	_ =	shalt  }
0x6c: {  	_ =	shalt  }
0x6d: {  	_ =	shalt  }
0x6e: {  	_ =	shalt  }
0x6f: {  	_ =	shalt  }
0x70: {  	_ =	shalt  }
0x71: {  	_ =	shalt  }
0x72: {  	_ =	shalt  }
0x73: {  	_ =	shalt  }
0x74: {  	_ =	shalt  }
0x75: {  	_ =	shalt  }
0x76: {  	_ =	shalt  }
0x77: {  	_ =	shalt  }
0x78: {  	_ =	shalt  }
0x79: {  	_ =	shalt  }
0x7a: {  	_ =	shalt  }
0x7b: {  	_ =	shalt  }
0x7c: {  	_ =	shalt  }
0x7d: {  	_ =	shalt  }
0x7e: {  	_ =	shalt  }
0x7f: {  	_ =	shalt  }
0x80: {  	_ =	shalt  }
0x81: {  	_ =	shalt  }
0x82: {  	_ =	shalt  }
0x83: {  	_ =	shalt  }
0x84: {  	_ =	shalt  }
0x85: {  	_ =	shalt  }
0x86: {  	_ =	shalt  }
0x87: {  	_ =	shalt  }
.Lfunc_end0:
.L_simem_size_0:
called_computation.3_lowered:
.L_overlay_start_0:
0x88: {  	s2 =	sld [smem:$0x3FD9]  }
0x89: {  	s3 =	sld [smem:$0x3FFE];
	_ =	sdelay $0x1  }
0x8a: {  	s1 =	srdreg.scid  }
0x8b: {  	s0 =	sand.u32 $0x1, s1  }
0x8c: {  	s17 =	sshll.u32 s0, $0xA;
	s2 =	sadd.s32 s3, s2  }
0x8d: {  	s2 =	sadd.s32 s2, s17  }
0x8e: {  	[smem:$0x3FC1] =	sst s2  }
0x8f: {  	_ = 	snop  }
0x90: {  	s2 =	sld [smem:$0x3FD0];
	(tm) =	ssettm $0x1  }
0x91: {  	s18 =	sld [smem:$0x3FFB];
	_ =	sdelay $0x3  }
0x92: {  	_ =	strace s18  }
0x93: {  	s3 =	sld [smem:$0x3FFC];
	_ =	sdelay $0x3  }
0x94: {  	_ =	strace s3  }
0x95: {  	s3 =	sld [smem:$0x3FFD];
	_ =	sdelay $0x3  }
0x96: {  	_ =	strace s3  }
0x97: {  	_ =	strace $0x8FFFFFFF  }
0x98: {  	s19 =	sld [smem:$0x3FDB];
	_ =	sdelay $0x1  }
0x99: {  	s4 =	simm.s32 $_scs_section_size  }
0x9a: {  	s5 =	simm.s32 $_size__tile_overlayer_lowered;
	s6 =	simm.s32 $_tile_overlayer_lowered  }
0x9b: {  	s22 =	simm.s32 $0x1BFF;
	s21 =	sshll.u32 s6, $0x1;
	s3 =	sadd.s32 s4, s19  }
0x9c: {  	s7 =	simm.s32 $0x0;
	s20 =	sshll.u32 s5, $0x1;
	s5 =	sadd.s32 s21, s3  }
0x9d: {  	[timem:s7], [sflag:s22] =	dma.local [hbm:s5], s20  }
0x9e: {  	_ =	swait.ge [sflag:s22], s20  }
0x9f: {  	s4 =	ssub.s32 $0x0, s20;
	[sflag:s22] =	ssyncset.done $0x0  }
0xa0: {  	[sflag:s22] =	ssyncadd.s32 s4;
	_ =	sdelay $0x1  }
0xa1: {  	s23 =	simm.s32 $0x1B8B  }
0xa2: {  	_ =	swait.ge [sflag:s23], $0x1  }
0xa3: {  	[sflag:s23] =	ssyncset.done $0x0  }
0xa4: {  	s25 =	simm.s32 $0x1B8E;
	s24 =	sld [smem:$0x3FFE];
	[sflag:s23] =	ssyncadd.s32 $0xFFFFFFFF  }
0xa5: {  	s26 =	simm.s32 $execute0_lowered;
	[smem:$0x3FD2] =	sst s25  }
0xa6: {  	s5 =	sshll.u32 s26, $0x1;
	_ =	strace $0x8000004F;
	[dreg:$0x1] =	wrdreg $0xFFFFFFFF  }
0xa7: {  	s28 =	simm.s32 $_size_execute0_lowered;
	s3 =	sadd.s32 s3, s5;
	[dreg:$0x0] =	wrdreg $0x0  }
0xa8: {  	s5 =	sshll.u32 s28, $0x1;
	[dreg:$0x2] =	wrdreg s3  }
0xa9: {  	[dreg:$0x3] =	wrdreg s5  }
0xaa: {  	[dreg:$0x4] =	wrdreg $0xC0  }
0xab: {  	_ =	task [dreg:s7], $0x5FFFF  }
0xac: {  	[dreg:$0x1] =	wrdreg $0xFFFFFFFF  }
0xad: {  	[dreg:$0x0] =	wrdreg $0x60  }
0xae: {  	[dreg:$0x2] =	wrdreg s2  }
0xaf: {  	[dreg:$0x3] =	wrdreg s24  }
0xb0: {  	[dreg:$0x4] =	wrdreg $0x9  }
0xb1: {  	_ =	task.clear_ibuf [dreg:s7], $0x5FFFF;
	_ =	strace $0x9000004F  }
0xb2: {  	s29 =	simm.s32 $0x9;
	_ =	strace $0x80000051  }
0xb3: {  	_ =	swait.ge [sflag:s29], $0x1  }
0xb4: {  	[sflag:s29] =	ssyncadd.s32 $0xFFFFFFFF  }
0xb5: {  	_ =	strace $0x90000051  }
0xb6: {  	_ =	sfence  }
0xb7: {  	s30 =	sld [smem:$0x0];
	_ =	sdelay $0x2  }
0xb8: {  	s31 =	sshll.u32 s1, $0xD;
	s1 =	sshrl.u32 s1, $0x2  }
0xb9: {  	s3 =	sand.u32 $0x4000, s31;
	s1 =	sadd.s32 s1, s30  }
0xba: {  	s0 =	sor.u32 s3, s0;
	s1 =	sshll.u32 s1, $0x11  }
0xbb: {  	s0 =	sor.u32 s1, s0  }
0xbc: {  	s0 =	sadd.s32 $0x8F2B, s0  }
0xbd: {  	[sflag:s0] =	ssyncadd.remote.s32 $0x1  }
0xbe: {  	_ =	sfence.sel $0xFFFF  }
0xbf: {  	[dreg:$0x0] =	wrdreg $0xFFFFFFFF;
	(pc) =	sbr.abs _section_cstart, $3  }
0xc0: {  	[dreg:$0x1] =	wrdreg $0xFFFFFFFF  }
0xc1: {  	_ =	task.clear_ibuf [dreg:s7], $0x2FFFF;
	_ =	strace $0x9FFFFFFF  }
0xc2: {  	(tm) =	ssettm $0x7FFFFFFF  }
0xc3: {  	_ =	shalt  }
tec
execute0_lowered:
.L_overlay_start_1:
0x0: {  	(tag) =	ssettag $0x1  }
0x1: {  	s1 =	rddreg [dreg:$0x0]  }
0x2: {  	s3 =	rddreg [dreg:$0x1]  }
0x3: {  	s0 =	rddreg [dreg:$0x2];
	s2 =	simm.s32 $0x0  }
0x4: {  	s4 =	srdreg.scid;
	s14 =	stileid.u32;
	s13 =	simm.s32 $0x2  }
0x5: {  	[smem:$0x7FF] =	sst s2;
	s7 =	sadd.s32 $0xD800, s3;
	s9 =	smul.u32 $0x4E000, s14  }
0x6: {  	s5 =	sadd.s32 $0x17800, s3;
	s6 =	sand.u32 $0x1, s4;
	s11 =	smul.u32 $0x9C0, s14  }
0x7: {  	p0 =	sne.s32 s14, $0x0;
	s14 =	simm.s32 $0x0;
	_ =	strace $0x80000050  }
0x8: {  	s30 =	ssub.s32 $0x2, s6;
	s4 =	sshll.u32 s6, $0x8;
	s10 =	smul.u32 $0x27000, s6  }
0x9: {  	s12 =	smul.u32 $0x4E0, s6;
	s8 =	sshrl.u32 s30, $0x1;
	s4 =	sor.u32 $0x4E000, s4  }
0xa: {  	s9 =	sadd.s32 s9, s5;
	s8 =	ssub.s32 s30, s8;
	s31 =	sshrl.u32 s4, $0x3  }
0xb: {  	s4 =	sshll.u32 s4, $0x4;
	s6 =	sadd.s32 s10, s9;
	s9 =	simm.s32 $0x80  }
0xc: {  	s10 =	simm.s32 $0x100;
	s3 =	sadd.s32 s7, s31;
	s4 =	sadd.s32 s5, s4  }
0xd: {  	s5 =	smax.u32 s8, $0x1;
	s7 =	sadd.s32 s11, s7;
	s8 =	simm.s32 $0x3  }
0xe: {  	s11 =	simm.s32 $0x4100;
	s7 =	sadd.s32 s12, s7;
	s12 =	simm.s32 $0x1  }
.LBB2_1:
0xf: {  	s15 =	sadd.s32 $0x0, s7  }
0x10: {  	[tilespmem:s2], [sflag:$0x3] =	stream.linear.gather [hbm4b:s15+s2], $0x100, $0x38;
	[tilespmem:$0x8100] =	vst v63  }
0x11: {  	_ =	swait.ge [sflag:s8], $0x100  }
0x12: {  	[sflag:s8] =	ssyncset.done $0x0  }
0x13: {  	[sflag:s8] =	ssyncadd.s32 $0xFFFFFF00  }
0x14: {  	[tilespmem:s10], [sflag:$0x1] =	stream.indirect.gather [hbm4b:s1+s9], $0x80, s2, s9, $0xb8;
	[tilespmem:$0x8100] =	vst v63  }
0x15: {  	_ = 	snop  }
0x16: {  	[tilespmem:s11], [sflag:$0x2] =	stream.indirect.gather [hbm4b:s1+s9], $0x80, s9, s9, $0xb8;
	[tilespmem:$0x8100] =	vst v63  }
0x17: {  	_ =	swait.ge [sflag:s12], $0x4000  }
0x18: {  	[sflag:s12] =	ssyncset.done $0x0  }
0x19: {  	[sflag:s12] =	ssyncadd.s32 $0xFFFFC000  }
0x1a: {  	_ =	swait.ge [sflag:s13], $0x4000  }
0x1b: {  	[sflag:s13] =	ssyncset.done $0x0  }
0x1c: {  	[sflag:s13] =	ssyncadd.s32 $0xFFFFC000  }
0x1d: {  	[hbm4b:s6+s2] =	stream.linear.scatter [tilespmem:s10], [sflag:$0x3], $0x8000, $0x38;
	[tilespmem:$0x8100] =	vst v63  }
0x1e: {  	s16 =	simm.s32 $0x20;
	_ =	swait.ge [sflag:s8], $0x8000  }
0x1f: {  	s17 =	simm.s32 $0x40;
	s15 =	sadd.s32 $0x1000, s6;
	[sflag:s8] =	ssyncset.done $0x0  }
.LBB2_2:
0x20: {  	s18 =	sadd.s32 s16, s7  }
0x21: {  	[sflag:s8] =	ssyncadd.s32 $0xFFFF8000;
	s16 =	smov.u32 s17;
	s19 =	sadd.s32 $0x20, s17  }
0x22: {  	[tilespmem:s2], [sflag:$0x3] =	stream.linear.gather [hbm4b:s18+s2], $0x100, $0x38;
	[tilespmem:$0x8100] =	vst v63  }
0x23: {  	p1 =	sne.s32 s17, $0x4C0;
	_ =	swait.ge [sflag:s8], $0x100  }
0x24: {  	[sflag:s8] =	ssyncset.done $0x0  }
0x25: {  	[sflag:s8] =	ssyncadd.s32 $0xFFFFFF00  }
0x26: {  	[tilespmem:s10], [sflag:$0x1] =	stream.indirect.gather [hbm4b:s1+s9], $0x80, s2, s9, $0xb8;
	[tilespmem:$0x8100] =	vst v63  }
0x27: {  	_ = 	snop  }
0x28: {  	[tilespmem:s11], [sflag:$0x2] =	stream.indirect.gather [hbm4b:s1+s9], $0x80, s9, s9, $0xb8;
	[tilespmem:$0x8100] =	vst v63  }
0x29: {  	_ =	swait.ge [sflag:s12], $0x4000  }
0x2a: {  	[sflag:s12] =	ssyncset.done $0x0  }
0x2b: {  	[sflag:s12] =	ssyncadd.s32 $0xFFFFC000  }
0x2c: {  	_ =	swait.ge [sflag:s13], $0x4000  }
.Ltmp0:
0x2d: {  	[sflag:s13] =	ssyncset.done $0x0;
	(pc) =	sbr.rel @p1 .LBB2_2-.Ltmp0, $4  }
0x2e: {  	[sflag:s13] =	ssyncadd.s32 $0xFFFFC000  }
0x2f: {  	[hbm4b:s15+s2] =	stream.linear.scatter [tilespmem:s10], [sflag:$0x3], $0x8000, $0x38;
	[tilespmem:$0x8100] =	vst v63  }
0x30: {  	_ =	swait.ge [sflag:s8], $0x8000  }
0x31: {  	s17 =	smov.u32 s19;
	s15 =	sadd.s32 $0x1000, s15;
	[sflag:s8] =	ssyncset.done $0x0  }
0x32: {  	s16 =	sadd.s32 s16, s7;
	[sflag:s8] =	ssyncadd.s32 $0xFFFF8000  }
0x33: {  	[tilespmem:s2], [sflag:$0x3] =	stream.linear.gather [hbm4b:s16+s2], $0x100, $0x38;
	[tilespmem:$0x8100] =	vst v63  }
0x34: {  	_ =	swait.ge [sflag:s8], $0x100  }
0x35: {  	[sflag:s8] =	ssyncset.done $0x0  }
0x36: {  	[sflag:s8] =	ssyncadd.s32 $0xFFFFFF00  }
0x37: {  	[tilespmem:s10], [sflag:$0x1] =	stream.indirect.gather [hbm4b:s1+s9], $0x80, s2, s9, $0xb8;
	[tilespmem:$0x8100] =	vst v63  }
0x38: {  	_ = 	snop  }
0x39: {  	[tilespmem:s11], [sflag:$0x2] =	stream.indirect.gather [hbm4b:s1+s9], $0x80, s9, s9, $0xb8;
	[tilespmem:$0x8100] =	vst v63  }
0x3a: {  	_ =	swait.ge [sflag:s12], $0x4000  }
0x3b: {  	[sflag:s12] =	ssyncset.done $0x0  }
0x3c: {  	[sflag:s12] =	ssyncadd.s32 $0xFFFFC000  }
0x3d: {  	_ =	swait.ge [sflag:s13], $0x4000  }
0x3e: {  	[sflag:s13] =	ssyncset.done $0x0  }
0x3f: {  	[sflag:s13] =	ssyncadd.s32 $0xFFFFC000  }
0x40: {  	[hbm4b:s15+s2] =	stream.linear.scatter [tilespmem:s10], [sflag:$0x3], $0x8000, $0x38;
	[tilespmem:$0x8100] =	vst v63  }
0x41: {  	_ =	swait.ge [sflag:s8], $0x8000  }
0x42: {  	[sflag:s8] =	ssyncset.done $0x0  }
0x43: {  	s16 =	simm.s32 @!p0 $0x3;
	s15 =	simm.s32 @!p0 $0x0;
	[sflag:s8] =	ssyncadd.s32 $0xFFFF8000  }
0x44: {  	[tilespmem:s15], [sflag:$0x3] =	stream.linear.gather @!p0 [hbm4b:s3+s15], $0x100, $0x38;
	[tilespmem:$0x8100] =	vst v63  }
0x45: {  	_ =	swait.ge @!p0 [sflag:s16], $0x100  }
0x46: {  	[sflag:s16] =	ssyncset.done @!p0 $0x0  }
0x47: {  	s17 =	simm.s32 @!p0 $0x80;
	s18 =	simm.s32 @!p0 $0x100;
	[sflag:s16] =	ssyncadd.s32 @!p0 $0xFFFFFF00  }
0x48: {  	[tilespmem:s18], [sflag:$0x1] =	stream.indirect.gather @!p0 [hbm4b:s1+s17], $0x80, s15, s17, $0xb8;
	[tilespmem:$0x8100] =	vst v63  }
0x49: {  	s19 =	simm.s32 @!p0 $0x4100  }
0x4a: {  	[tilespmem:s19], [sflag:$0x2] =	stream.indirect.gather @!p0 [hbm4b:s1+s17], $0x80, s17, s17, $0xb8;
	[tilespmem:$0x8100] =	vst v63  }
0x4b: {  	s17 =	simm.s32 @!p0 $0x1  }
0x4c: {  	_ =	swait.ge @!p0 [sflag:s17], $0x4000  }
0x4d: {  	[sflag:s17] =	ssyncset.done @!p0 $0x0  }
0x4e: {  	[sflag:s17] =	ssyncadd.s32 @!p0 $0xFFFFC000;
	s17 =	simm.s32 @!p0 $0x2  }
0x4f: {  	s14 =	sadd.s32 $0x1, s14;
	_ =	swait.ge @!p0 [sflag:s17], $0x4000  }
0x50: {  	p1 =	sne.s32 s14, s5;
	[sflag:s17] =	ssyncset.done @!p0 $0x0  }
.Ltmp1:
0x51: {  	[sflag:s17] =	ssyncadd.s32 @!p0 $0xFFFFC000;
	(pc) =	sbr.rel @p1 .LBB2_1-.Ltmp1, $4  }
0x52: {  	[hbm4b:s4+s15] =	stream.linear.scatter @!p0 [tilespmem:s18], [sflag:$0x3], $0x8000, $0x38;
	[tilespmem:$0x8100] =	vst v63  }
0x53: {  	_ =	swait.ge @!p0 [sflag:s16], $0x8000  }
0x54: {  	[sflag:s16] =	ssyncset.done @!p0 $0x0  }
0x55: {  	[sflag:s16] =	ssyncadd.s32 @!p0 $0xFFFF8000  }
0x56: {  	_ =	sfence.sel $0x180000  }
0x57: {  	[bflag:$0x0] =	sbarrier.arrive $0xFFFF  }
0x58: {  	_ =	strace $0x90000050  }
0x59: {  	s0 =	sadd.s32 @!p0 $0x100000, s0;
	[bflag:$0x2] =	sbarrier.arrive $0xFFFF  }
0x5a: {  	[sflag:s0] =	ssyncadd.tile.s32 @!p0 $0x1;
	_ =	shalt  }
.Lfunc_end2:
_tile_overlayer_lowered:
.L_overlay_start_2:
0x5b: {  	(tag) =	ssettag $0x2  }
0x5c: {  	s0 =	rddreg [dreg:$0x0];
	s2 =	stileid.u32  }
0x5d: {  	s1 =	rddreg [dreg:$0x1];
	p0 =	sne.s32 s2, $0x0  }
0x5e: {  	s3 =	rddreg [dreg:$0x2];
	[bflag:$0x3] =	sbarrier.arrive $0xFFFF;
	s2 =	simm.s32 @!p0 $0x1C03  }
0x5f: {  	[timem:s3], [sflag:s2] =	dma.local @!p0 [hbm:s0], s1  }
0x60: {  	s0 =	simm.s32 @!p0 $0x3  }
0x61: {  	_ =	swait.ge @!p0 [sflag:s0], s1  }
0x62: {  	s1 =	ssub.s32 @!p0 $0x0, s1;
	[sflag:s0] =	ssyncset.done @!p0 $0x0  }
0x63: {  	[sflag:s0] =	ssyncadd.s32 @!p0 s1  }
0x64: {  	[bflag:$0x3] =	sbarrier.arrive $0xFFFF  }
0x65: {  	_ =	shalt  }

// kernel: kernel.9.cloned.1.call-start
scs
__scs_entry_jumppad:
0x0: {  	(pc) =	sbr.rel $0x88, $3  }
0x1: {  	(tag) =	ssettag $0x0;
	lr =	simm.s32 $0x1  }
0x2: {  	[smem:$0x3F9A] =	sst lr;
	_ =	strace $0xD0000000  }
0x3: {  	_ = 	snop  }
0x4: {  	_ = 	snop  }
0x5: {  	_ = 	snop  }
0x6: {  	_ = 	snop  }
0x7: {  	_ = 	snop  }
__scs_overlays_trampoline_lowered:
0x8: {  	[smem:$0x3FA9] =	sst s0  }
0x9: {  	[smem:$0x3FAA] =	sst s1  }
0xa: {  	[smem:$0x3FAB] =	sst s2  }
0xb: {  	[smem:$0x3FAC] =	sst s3  }
0xc: {  	[smem:$0x3FAD] =	sst s4  }
0xd: {  	[smem:$0x3FAE] =	sst s5  }
0xe: {  	[smem:$0x3FAF] =	sst s6  }
0xf: {  	[smem:$0x3FB0] =	sst s7  }
0x10: {  	[smem:$0x3FB1] =	sst s8  }
0x11: {  	[smem:$0x3FB2] =	sst s9;
	s0 =	simm.s32 @!p0 $0x0  }
0x12: {  	s1 =	sld [smem:$0x3F98];
	s0 =	simm.s32 @p0 $0x1  }
0x13: {  	[smem:$0x3FB3] =	sst s0;
	s0 =	simm.s32 @!p1 $0x0  }
0x14: {  	s2 =	sld [smem:$0x3F97];
	s0 =	simm.s32 @p1 $0x1  }
0x15: {  	[smem:$0x3FB4] =	sst s0;
	s0 =	simm.s32 @!p2 $0x0  }
0x16: {  	s3 =	sld [smem:$0x3FDB];
	s0 =	simm.s32 @p2 $0x1  }
0x17: {  	s4 =	simm.s32 $0x1BF5;
	[smem:$0x3FB6] =	sst s0  }
0x18: {  	s0 =	sld [smem:$0x3F99];
	_ =	swait.ge [sflag:s4], $0x0  }
0x19: {  	s7 =	sld [smem:$0x3F9A]  }
0x1a: {  	s8 =	sadd.s32 $0xFFFFE003, lr  }
0x1b: {  	s9 =	sadd.s32 $0xFFFFFEF7, lr;
	s5 =	simm.s32 $0xFFFFFFFF;
	p2 =	slt.u32 s8, $0xFFFFF086  }
0x1c: {  	p1 =	slt.u32 s9, $0xF7A;
	s5 =	simm.s32 @!p2 $0x0  }
0x1d: {  	s5 =	simm.s32 @p1 $0x1;
	p0 =	seq.s32 s7, s2  }
0x1e: {  	s7 =	smul.u32 @!p0 $0xF7A, s2;
	p2 =	seq.s32 @!p0 s5, $0x0  }
0x1f: {  	s9 =	smul.u32 $0xF7A, s1;
	s8 =	simm.s32 @!p0 $0x1BF5;
	p2 =	por !p2, p0  }
0x20: {  	[sflag:s8] =	ssyncset.s32 @!p0 $0xFFFFF086;
	s6 =	sadd.s32 @!p0 s3, s7;
	s7 =	simm.s32 @!p0 $0x108  }
0x21: {  	s3 =	sadd.s32 s3, s9;
	s6 =	sadd.s32 @!p0 $0x88, s6;
	s7 =	simm.s32 @p2 $0x1082  }
0x22: {  	[simem:s7], [sflag:s8] =	dma.local @!p0 [hbm:s6], $0xF7A  }
0x23: {  	s9 =	sor.u32 $0xD0000000, s2;
	s6 =	simm.s32 $0x108;
	_ =	swait.ge @!p0 [sflag:s8], $0x0  }
0x24: {  	s3 =	sadd.s32 $0x88, s3;
	s6 =	simm.s32 @!p1 $0x1082;
	[sflag:s4] =	ssyncset.s32 $0xFFFFF086  }
0x25: {  	[simem:s6], [sflag:s4] =	dma.local [hbm:s3], $0xF7A  }
0x26: {  	[smem:$0x3F9A] =	sst s1;
	(tag) =	ssettag s2;
	_ =	strace s9  }
0x27: {  	s1 =	sld [smem:$0x3FAA]  }
0x28: {  	s2 =	sld [smem:$0x3FAB]  }
0x29: {  	s4 =	sld [smem:$0x3FAD]  }
0x2a: {  	p0 =	seq.s32 s5, $0x0;
	s5 =	sld [smem:$0x3FAE]  }
0x2b: {  	s6 =	sld [smem:$0x3FAF]  }
0x2c: {  	s7 =	sld [smem:$0x3FB0]  }
0x2d: {  	s3 =	simm.s32 $0x108;
	s8 =	sld [smem:$0x3FB1]  }
0x2e: {  	s3 =	simm.s32 @!p0 $0x1082;
	s9 =	sld [smem:$0x3FB2]  }
0x2f: {  	lr =	sadd.s32 s0, s3;
	s0 =	sld [smem:$0x3FA9]  }
0x30: {  	s3 =	sld [smem:$0x3FAC]  }
0x31: {  	[smem:$0x3FB5] =	sst s10  }
0x32: {  	s10 =	sld [smem:$0x3FB3];
	_ =	sdelay $0x3  }
0x33: {  	p0 =	seq.s32 s10, $0x1;
	s10 =	sld [smem:$0x3FB5];
	_ =	sdelay $0x3  }
0x34: {  	[smem:$0x3FB5] =	sst s10  }
0x35: {  	s10 =	sld [smem:$0x3FB4];
	_ =	sdelay $0x3  }
0x36: {  	p1 =	seq.s32 s10, $0x1;
	s10 =	sld [smem:$0x3FB5];
	_ =	sdelay $0x3  }
0x37: {  	[smem:$0x3FB5] =	sst s10  }
0x38: {  	s10 =	sld [smem:$0x3FB6]  }
0x39: {  	_ = 	snop;
	(pc) =	sbr.ind lr, $3  }
0x3a: {  	_ = 	snop  }
0x3b: {  	_ = 	snop  }
0x3c: {  	p2 =	seq.s32 s10, $0x1;
	s10 =	sld [smem:$0x3FB5]  }
0x3d: {  	_ =	shalt  }
0x3e: {  	_ =	shalt  }
0x3f: {  	_ =	shalt  }
0x40: {  	_ =	shalt  }
0x41: {  	_ =	shalt  }
0x42: {  	_ =	shalt  }
0x43: {  	_ =	shalt  }
0x44: {  	_ =	shalt  }
0x45: {  	_ =	shalt  }
0x46: {  	_ =	shalt  }
0x47: {  	_ =	shalt  }
0x48: {  	_ =	shalt  }
0x49: {  	_ =	shalt  }
0x4a: {  	_ =	shalt  }
0x4b: {  	_ =	shalt  }
0x4c: {  	_ =	shalt  }
0x4d: {  	_ =	shalt  }
0x4e: {  	_ =	shalt  }
0x4f: {  	_ =	shalt  }
0x50: {  	_ =	shalt  }
0x51: {  	_ =	shalt  }
0x52: {  	_ =	shalt  }
0x53: {  	_ =	shalt  }
0x54: {  	_ =	shalt  }
0x55: {  	_ =	shalt  }
0x56: {  	_ =	shalt  }
0x57: {  	_ =	shalt  }
0x58: {  	_ =	shalt  }
0x59: {  	_ =	shalt  }
0x5a: {  	_ =	shalt  }
0x5b: {  	_ =	shalt  }
0x5c: {  	_ =	shalt  }
0x5d: {  	_ =	shalt  }
0x5e: {  	_ =	shalt  }
0x5f: {  	_ =	shalt  }
0x60: {  	_ =	shalt  }
0x61: {  	_ =	shalt  }
0x62: {  	_ =	shalt  }
0x63: {  	_ =	shalt  }
0x64: {  	_ =	shalt  }
0x65: {  	_ =	shalt  }
0x66: {  	_ =	shalt  }
0x67: {  	_ =	shalt  }
0x68: {  	_ =	shalt  }
0x69: {  	_ =	shalt  }
0x6a: {  	_ =	shalt  }
0x6b: {  	_ =	shalt  }
0x6c: {  	_ =	shalt  }
0x6d: {  	_ =	shalt  }
0x6e: {  	_ =	shalt  }
0x6f: {  	_ =	shalt  }
0x70: {  	_ =	shalt  }
0x71: {  	_ =	shalt  }
0x72: {  	_ =	shalt  }
0x73: {  	_ =	shalt  }
0x74: {  	_ =	shalt  }
0x75: {  	_ =	shalt  }
0x76: {  	_ =	shalt  }
0x77: {  	_ =	shalt  }
0x78: {  	_ =	shalt  }
0x79: {  	_ =	shalt  }
0x7a: {  	_ =	shalt  }
0x7b: {  	_ =	shalt  }
0x7c: {  	_ =	shalt  }
0x7d: {  	_ =	shalt  }
0x7e: {  	_ =	shalt  }
0x7f: {  	_ =	shalt  }
0x80: {  	_ =	shalt  }
0x81: {  	_ =	shalt  }
0x82: {  	_ =	shalt  }
0x83: {  	_ =	shalt  }
0x84: {  	_ =	shalt  }
0x85: {  	_ =	shalt  }
0x86: {  	_ =	shalt  }
0x87: {  	_ =	shalt  }
.Lfunc_end0:
.L_simem_size_0:
called_computation_lowered:
.L_overlay_start_0:
0x88: {  	s2 =	sld [smem:$0x3FD9]  }
0x89: {  	s3 =	sld [smem:$0x3FFE];
	_ =	sdelay $0x1  }
0x8a: {  	s1 =	srdreg.scid  }
0x8b: {  	s0 =	sand.u32 $0x1, s1  }
0x8c: {  	s17 =	sshll.u32 s0, $0xA;
	s2 =	sadd.s32 s3, s2  }
0x8d: {  	s2 =	sadd.s32 s2, s17  }
0x8e: {  	[smem:$0x3FC1] =	sst s2  }
0x8f: {  	_ = 	snop  }
0x90: {  	s2 =	sld [smem:$0x3FD0];
	(tm) =	ssettm $0x1  }
0x91: {  	s18 =	sld [smem:$0x3FFB];
	_ =	sdelay $0x3  }
0x92: {  	_ =	strace s18  }
0x93: {  	s3 =	sld [smem:$0x3FFC];
	_ =	sdelay $0x3  }
0x94: {  	_ =	strace s3  }
0x95: {  	s3 =	sld [smem:$0x3FFD];
	_ =	sdelay $0x3  }
0x96: {  	_ =	strace s3  }
0x97: {  	_ =	strace $0x8FFFFFFF  }
0x98: {  	s19 =	sld [smem:$0x3FDB];
	_ =	sdelay $0x1  }
0x99: {  	s4 =	simm.s32 $_scs_section_size  }
0x9a: {  	s5 =	simm.s32 $_size__tile_overlayer_lowered;
	s6 =	simm.s32 $_tile_overlayer_lowered  }
0x9b: {  	s22 =	simm.s32 $0x1BFF;
	s21 =	sshll.u32 s6, $0x1;
	s3 =	sadd.s32 s4, s19  }
0x9c: {  	s7 =	simm.s32 $0x0;
	s20 =	sshll.u32 s5, $0x1;
	s5 =	sadd.s32 s21, s3  }
0x9d: {  	[timem:s7], [sflag:s22] =	dma.local [hbm:s5], s20  }
0x9e: {  	_ =	swait.ge [sflag:s22], s20  }
0x9f: {  	s4 =	ssub.s32 $0x0, s20;
	[sflag:s22] =	ssyncset.done $0x0  }
0xa0: {  	[sflag:s22] =	ssyncadd.s32 s4;
	_ =	sdelay $0x1  }
0xa1: {  	s23 =	simm.s32 $0x1B8B  }
0xa2: {  	_ =	swait.ge [sflag:s23], $0x1  }
0xa3: {  	[sflag:s23] =	ssyncset.done $0x0  }
0xa4: {  	s25 =	simm.s32 $0x1B8E;
	s24 =	sld [smem:$0x3FFE];
	[sflag:s23] =	ssyncadd.s32 $0xFFFFFFFF  }
0xa5: {  	s26 =	simm.s32 $execute0_lowered;
	[smem:$0x3FD2] =	sst s25  }
0xa6: {  	s5 =	sshll.u32 s26, $0x1;
	_ =	strace $0x80000046;
	[dreg:$0x1] =	wrdreg $0xFFFFFFFF  }
0xa7: {  	s28 =	simm.s32 $_size_execute0_lowered;
	s3 =	sadd.s32 s3, s5;
	[dreg:$0x0] =	wrdreg $0x0  }
0xa8: {  	s5 =	sshll.u32 s28, $0x1;
	[dreg:$0x2] =	wrdreg s3  }
0xa9: {  	[dreg:$0x3] =	wrdreg s5  }
0xaa: {  	[dreg:$0x4] =	wrdreg $0xC0  }
0xab: {  	_ =	task [dreg:s7], $0x5FFFF  }
0xac: {  	[dreg:$0x1] =	wrdreg $0xFFFFFFFF  }
0xad: {  	[dreg:$0x0] =	wrdreg $0x60  }
0xae: {  	[dreg:$0x2] =	wrdreg s24  }
0xaf: {  	[dreg:$0x3] =	wrdreg s2  }
0xb0: {  	[dreg:$0x4] =	wrdreg $0x2F800  }
0xb1: {  	[dreg:$0x5] =	wrdreg $0x32000  }
0xb2: {  	[dreg:$0x6] =	wrdreg $0x9  }
0xb3: {  	_ =	task.clear_ibuf [dreg:s7], $0x7FFFF;
	_ =	strace $0x90000046  }
0xb4: {  	s29 =	simm.s32 $0x9;
	_ =	strace $0x80000048  }
0xb5: {  	_ =	swait.ge [sflag:s29], $0x1  }
0xb6: {  	[sflag:s29] =	ssyncadd.s32 $0xFFFFFFFF  }
0xb7: {  	_ =	strace $0x90000048  }
0xb8: {  	_ =	sfence  }
0xb9: {  	s30 =	sld [smem:$0x0];
	_ =	sdelay $0x2  }
0xba: {  	s31 =	sshll.u32 s1, $0xD;
	s1 =	sshrl.u32 s1, $0x2  }
0xbb: {  	s3 =	sand.u32 $0x4000, s31;
	s1 =	sadd.s32 s1, s30  }
0xbc: {  	s0 =	sor.u32 s3, s0;
	s1 =	sshll.u32 s1, $0x11  }
0xbd: {  	s0 =	sor.u32 s1, s0  }
0xbe: {  	s0 =	sadd.s32 $0x8F2B, s0  }
0xbf: {  	[sflag:s0] =	ssyncadd.remote.s32 $0x1  }
0xc0: {  	_ =	sfence.sel $0xFFFF  }
0xc1: {  	[dreg:$0x0] =	wrdreg $0xFFFFFFFF;
	(pc) =	sbr.abs _section_cstart, $3  }
0xc2: {  	[dreg:$0x1] =	wrdreg $0xFFFFFFFF  }
0xc3: {  	_ =	task.clear_ibuf [dreg:s7], $0x2FFFF;
	_ =	strace $0x9FFFFFFF  }
0xc4: {  	(tm) =	ssettm $0x7FFFFFFF  }
0xc5: {  	_ =	shalt  }
tec
execute0_lowered:
.L_overlay_start_1:
0x0: {  	(tag) =	ssettag $0x1  }
0x1: {  	s6 =	rddreg [dreg:$0x0]  }
0x2: {  	s9 =	rddreg [dreg:$0x1]  }
0x3: {  	s2 =	rddreg [dreg:$0x2]  }
0x4: {  	s0 =	stileid.u32;
	s1 =	srdreg.scid  }
0x5: {  	s3 =	rddreg [dreg:$0x3];
	s4 =	simm.s32 $0x0;
	s17 =	simm.s32 $0x80  }
0x6: {  	s18 =	simm.s32 $0x200;
	s19 =	simm.s32 $0x100;
	s20 =	simm.s32 $0x180  }
0x7: {  	s21 =	simm.s32 $0x500;
	s22 =	simm.s32 $0x280;
	s5 =	smul.u32 $0x2800, s0  }
0x8: {  	s23 =	simm.s32 $0x300;
	s28 =	simm.s32 $0x10;
	s8 =	smul.u32 $0x500, s0  }
0x9: {  	s25 =	sand.u32 $0x1, s1;
	[smem:$0x7FF] =	sst s4;
	s26 =	smul.u32 $0x280, s0  }
0xa: {  	s29 =	simm.s32 $0x0;
	s7 =	smul.u32 $0x1400, s25;
	_ =	strace $0x80000047  }
0xb: {  	s11 =	sshll.u32 s25, $0x7;
	s24 =	ssub.s32 $0x2, s25;
	p0 =	sne.s32 s25, $0x0  }
0xc: {  	s25 =	simm.s32 $0x380;
	s8 =	sor.u32 s11, s8;
	s30 =	sshrl.u32 s24, $0x1  }
0xd: {  	v0 =	vlaneseq.u32;
	s31 =	sshrl.u32 s26, $0x3;
	s7 =	sadd.s32 s7, s5;
	s5 =	sshll.u32 s0, $0x6  }
0xe: {  	v0 =	vmul.u32 $0x2, v0;
	s8 =	sshrl.u32 s8, $0x3;
	s16 =	ssub.s32 s24, s30;
	s9 =	sadd.s32 s9, s31  }
0xf: {  	v1 =	vimm.f32 $0.0e+00;
	v2 =	vimm.f32 $1.000000000e+00;
	s24 =	simm.s32 $0x400;
	s10 =	sshrl.u32 s7, $0x3;
	s12 =	sadd.s32 s5, s6  }
0x10: {  	v3 =	vor.u32 $0x1, v0;
	v4 =	vor.u32 $0x20, v0;
	v5 =	vor.u32 $0x21, v0;
	s13 =	sadd.s32 s8, s6;
	s7 =	sshrl.u32 s7, $0x2;
	s11 =	smax.u32 s16, $0x1  }
0x11: {  	v6 =	vor.u32 $0x40, v0;
	v7 =	vor.u32 $0x41, v0;
	v8 =	vor.u32 $0x60, v0;
	s16 =	simm.s32 $0x1;
	s14 =	sadd.s32 s10, s6;
	s15 =	sadd.s32 s7, s6  }
0x12: {  	v9 =	vor.u32 $0x61, v0;
	v10 =	vor.u32 $0x80, v0;
	v11 =	vor.u32 $0x81, v0;
	s6 =	sadd.s32 s26, s2;
	s7 =	sadd.s32 s26, s3;
	s8 =	sadd.s32 $0x2A00, s12  }
0x13: {  	v12 =	vor.u32 $0xA0, v0;
	v13 =	vor.u32 $0xA1, v0;
	v14 =	vor.u32 $0xC0, v0;
	s10 =	sadd.s32 $0xCE00, s13;
	s26 =	simm.s32 $0x20;
	s12 =	sadd.s32 $0xD800, s15  }
0x14: {  	v15 =	vor.u32 $0xC1, v0;
	v16 =	vor.u32 $0xE0, v0;
	v17 =	vor.u32 $0xE1, v0;
	s13 =	sadd.s32 $0x2E00, s14;
	s14 =	sadd.s32 $0x7E00, s14;
	s15 =	simm.s32 $0x2D00  }
.LBB2_1:
0x15: {  	[tilespmem:$0x2D00] =	vst v1  }
0x16: {  	[tilespmem:$0x2D10] =	vst v1  }
0x17: {  	[tilespmem:$0x2D20] =	vst v1  }
0x18: {  	[tilespmem:$0x2D30] =	vst v1  }
0x19: {  	[tilespmem:$0x2D40] =	vst v1  }
0x1a: {  	[tilespmem:$0x2D50] =	vst v1  }
0x1b: {  	[tilespmem:$0x2D60] =	vst v1  }
0x1c: {  	[tilespmem:$0x2D70] =	vst v1  }
0x1d: {  	[tilespmem:$0x2D80] =	vst v1  }
0x1e: {  	[tilespmem:$0x2D90] =	vst v1  }
0x1f: {  	[tilespmem:$0x2DA0] =	vst v1  }
0x20: {  	[tilespmem:$0x2DB0] =	vst v1  }
0x21: {  	[tilespmem:$0x2DC0] =	vst v1  }
0x22: {  	[tilespmem:$0x2DD0] =	vst v1  }
0x23: {  	[tilespmem:$0x2DE0] =	vst v1  }
0x24: {  	[tilespmem:$0x2DF0] =	vst v1  }
0x25: {  	[tilespmem:$0x2E00] =	vst v1  }
0x26: {  	[tilespmem:$0x2E10] =	vst v1  }
0x27: {  	[tilespmem:$0x2E20] =	vst v1  }
0x28: {  	[tilespmem:$0x2E30] =	vst v1  }
0x29: {  	[tilespmem:$0x2E40] =	vst v1  }
0x2a: {  	[tilespmem:$0x2E50] =	vst v1  }
0x2b: {  	[tilespmem:$0x2E60] =	vst v1  }
0x2c: {  	[tilespmem:$0x2E70] =	vst v1  }
0x2d: {  	[tilespmem:$0x2E80] =	vst v1  }
0x2e: {  	[tilespmem:$0x2E90] =	vst v1  }
0x2f: {  	[tilespmem:$0x2EA0] =	vst v1  }
0x30: {  	[tilespmem:$0x2EB0] =	vst v1  }
0x31: {  	[tilespmem:$0x2EC0] =	vst v1  }
0x32: {  	[tilespmem:$0x2ED0] =	vst v1  }
0x33: {  	[tilespmem:$0x2EE0] =	vst v1  }
0x34: {  	[tilespmem:$0x2EF0] =	vst v1  }
0x35: {  	[tilespmem:$0x2F00] =	vst v1  }
0x36: {  	[tilespmem:$0x2F10] =	vst v1  }
0x37: {  	[tilespmem:$0x2F20] =	vst v1  }
0x38: {  	[tilespmem:$0x2F30] =	vst v1  }
0x39: {  	[tilespmem:$0x2F40] =	vst v1  }
0x3a: {  	[tilespmem:$0x2F50] =	vst v1  }
0x3b: {  	[tilespmem:$0x2F60] =	vst v1  }
0x3c: {  	[tilespmem:$0x2F70] =	vst v1  }
0x3d: {  	[spmem:s6] =	stream.linear.scatter [tilespmem:s15], [sflag:$0x1], $0x280, $0x38;
	[tilespmem:$0x3480] =	vst v63  }
0x3e: {  	_ =	swait.ge [sflag:s16], $0x280  }
0x3f: {  	[sflag:s16] =	ssyncset.done $0x0  }
0x40: {  	[sflag:s16] =	ssyncadd.s32 $0xFFFFFD80  }
0x41: {  	[spmem:s7] =	stream.linear.scatter [tilespmem:s15], [sflag:$0x1], $0x280, $0x38;
	[tilespmem:$0x3480] =	vst v63  }
0x42: {  	_ =	swait.ge [sflag:s16], $0x280  }
0x43: {  	[sflag:s16] =	ssyncset.done $0x0  }
0x44: {  	[sflag:s16] =	ssyncadd.s32 $0xFFFFFD80  }
0x45: {  	[tilespmem:$0x200] =	vst v2  }
0x46: {  	[tilespmem:$0x210] =	vst v2  }
0x47: {  	[tilespmem:$0x220] =	vst v2  }
0x48: {  	[tilespmem:$0x230] =	vst v2  }
0x49: {  	[tilespmem:$0x240] =	vst v2  }
0x4a: {  	[tilespmem:$0x250] =	vst v2  }
0x4b: {  	[tilespmem:$0x260] =	vst v2  }
0x4c: {  	[tilespmem:$0x270] =	vst v2  }
0x4d: {  	[bflag:$0x0] =	sbarrier.arrive $0xFFFF  }
0x4e: {  	[tilespmem:s4], [sflag:$0x1] =	stream.linear.gather [hbm4b:s8+s4], $0x200, $0x38;
	[tilespmem:$0x3480] =	vst v63  }
0x4f: {  	_ =	swait.ge [sflag:s16], $0x200  }
0x50: {  	[sflag:s16] =	ssyncset.done $0x0  }
0x51: {  	[sflag:s16] =	ssyncadd.s32 $0xFFFFFE00  }
0x52: {  	[spmem:s2] =	stream.indirect.scatter [tilespmem:s18], [sflag:$0x1], $0x1, s4, s17, $0xb8;
	[tilespmem:$0x3480] =	vst v63  }
0x53: {  	_ =	swait.ge [sflag:s16], $0x80  }
0x54: {  	[sflag:s16] =	ssyncset.done $0x0  }
0x55: {  	[sflag:s16] =	ssyncadd.s32 $0xFFFFFF80  }
0x56: {  	[spmem:s2] =	stream.indirect.scatter [tilespmem:s18], [sflag:$0x1], $0x1, s17, s17, $0xb8;
	[tilespmem:$0x3480] =	vst v63  }
0x57: {  	_ =	swait.ge [sflag:s16], $0x80  }
0x58: {  	[sflag:s16] =	ssyncset.done $0x0  }
0x59: {  	[sflag:s16] =	ssyncadd.s32 $0xFFFFFF80  }
0x5a: {  	[spmem:s2] =	stream.indirect.scatter [tilespmem:s18], [sflag:$0x1], $0x1, s19, s17, $0xb8;
	[tilespmem:$0x3480] =	vst v63  }
0x5b: {  	_ =	swait.ge [sflag:s16], $0x80  }
0x5c: {  	[sflag:s16] =	ssyncset.done $0x0  }
0x5d: {  	[sflag:s16] =	ssyncadd.s32 $0xFFFFFF80  }
0x5e: {  	[spmem:s2] =	stream.indirect.scatter [tilespmem:s18], [sflag:$0x1], $0x1, s20, s17, $0xb8;
	[tilespmem:$0x3480] =	vst v63  }
0x5f: {  	_ =	swait.ge [sflag:s16], $0x80  }
0x60: {  	[sflag:s16] =	ssyncset.done $0x0  }
0x61: {  	[sflag:s16] =	ssyncadd.s32 $0xFFFFFF80  }
0x62: {  	[bflag:$0x0] =	sbarrier.arrive $0xFFFF  }
0x63: {  	[tilespmem:s21], [sflag:$0x1] =	stream.linear.gather [spmem:s2], $0x2800, $0x38;
	[tilespmem:$0x3480] =	vst v63  }
0x64: {  	_ =	swait.ge [sflag:s16], $0x2800  }
0x65: {  	[sflag:s16] =	ssyncset.done $0x0  }
0x66: {  	s30 =	smov.u32 s12;
	s31 =	simm.s32 $0x0;
	[sflag:s16] =	ssyncadd.s32 $0xFFFFD800  }
.LBB2_2:
0x67: {  	s1 =	sadd.s32 s31, s14  }
0x68: {  	[tilespmem:s22], [sflag:$0x1] =	stream.linear.gather [hbm4b:s1+s4], $0x80, $0x38;
	[tilespmem:$0x3480] =	vst v63  }
0x69: {  	_ =	swait.ge [sflag:s16], $0x80  }
0x6a: {  	[sflag:s16] =	ssyncset.done $0x0  }
0x6b: {  	s1 =	sadd.s32 s31, s13;
	[sflag:s16] =	ssyncadd.s32 $0xFFFFFF80  }
0x6c: {  	[tilespmem:s23], [sflag:$0x1] =	stream.linear.gather [hbm4b:s1+s4], $0x80, $0x38;
	[tilespmem:$0x3480] =	vst v63  }
0x6d: {  	_ =	swait.ge [sflag:s16], $0x80  }
0x6e: {  	[sflag:s16] =	ssyncset.done $0x0  }
0x6f: {  	[sflag:s16] =	ssyncadd.s32 $0xFFFFFF80  }
0x70: {  	v18 =	vld [tilespmem:$0x300]  }
0x71: {  	v19 =	vld [tilespmem:$0x280];
	_ =	sdelay $0x6  }
0x72: {  	v20 =	vld.idx.msk [tilespmem:v18+s21+$0x0], $0xffff  }
0x73: {  	v21 =	vld.idx.msk [tilespmem:v19+s21+$0x0], $0xffff;
	_ =	sdelay $0x3  }
0x74: {  	vm0 =	vgt.f32 v20, $0.0e+00  }
0x75: {  	vm13 =	vgt.f32 v21, $0.0e+00;
	v19 =	vnsel vm0, $0x2710, v19  }
0x76: {  	v18 =	vnsel vm13, $0x2710, v18;
	[tilespmem:v0+s24+$0x0] =	vst.idx.msk $0xffff, v19  }
0x77: {  	[tilespmem:v3+s24+$0x0] =	vst.idx.msk $0xffff, v18  }
0x78: {  	v18 =	vld [tilespmem:$0x310]  }
0x79: {  	v19 =	vld [tilespmem:$0x290];
	_ =	sdelay $0x5  }
0x7a: {  	[tilespmem:$0x380] =	vst v21  }
0x7b: {  	v57 =	vld.idx.msk [tilespmem:v18+s21+$0x0], $0xffff  }
0x7c: {  	v21 =	vld.idx.msk [tilespmem:v19+s21+$0x0], $0xffff;
	_ =	sdelay $0x3  }
0x7d: {  	vm14 =	vgt.f32 v57, $0.0e+00  }
0x7e: {  	vm15 =	vgt.f32 v21, $0.0e+00;
	v19 =	vnsel vm14, $0x2710, v19  }
0x7f: {  	v18 =	vnsel vm15, $0x2710, v18;
	[tilespmem:v4+s24+$0x0] =	vst.idx.msk $0xffff, v19  }
0x80: {  	[tilespmem:v5+s24+$0x0] =	vst.idx.msk $0xffff, v18  }
0x81: {  	v18 =	vld [tilespmem:$0x320]  }
0x82: {  	v19 =	vld [tilespmem:$0x2A0];
	_ =	sdelay $0x5  }
0x83: {  	[tilespmem:$0x390] =	vst v21  }
0x84: {  	v58 =	vld.idx.msk [tilespmem:v18+s21+$0x0], $0xffff  }
0x85: {  	v21 =	vld.idx.msk [tilespmem:v19+s21+$0x0], $0xffff;
	_ =	sdelay $0x3  }
0x86: {  	vm4 =	vgt.f32 v58, $0.0e+00  }
0x87: {  	vm5 =	vgt.f32 v21, $0.0e+00;
	v19 =	vnsel vm4, $0x2710, v19  }
0x88: {  	v18 =	vnsel vm5, $0x2710, v18;
	[tilespmem:v6+s24+$0x0] =	vst.idx.msk $0xffff, v19  }
0x89: {  	[tilespmem:v7+s24+$0x0] =	vst.idx.msk $0xffff, v18  }
0x8a: {  	v18 =	vld [tilespmem:$0x330]  }
0x8b: {  	v19 =	vld [tilespmem:$0x2B0];
	_ =	sdelay $0x5  }
0x8c: {  	[tilespmem:$0x3A0] =	vst v21  }
0x8d: {  	v59 =	vld.idx.msk [tilespmem:v18+s21+$0x0], $0xffff  }
0x8e: {  	v21 =	vld.idx.msk [tilespmem:v19+s21+$0x0], $0xffff;
	_ =	sdelay $0x3  }
0x8f: {  	vm6 =	vgt.f32 v59, $0.0e+00  }
0x90: {  	vm7 =	vgt.f32 v21, $0.0e+00;
	v19 =	vnsel vm6, $0x2710, v19  }
0x91: {  	v18 =	vnsel vm7, $0x2710, v18;
	[tilespmem:v8+s24+$0x0] =	vst.idx.msk $0xffff, v19  }
0x92: {  	[tilespmem:v9+s24+$0x0] =	vst.idx.msk $0xffff, v18  }
0x93: {  	v18 =	vld [tilespmem:$0x340]  }
0x94: {  	v19 =	vld [tilespmem:$0x2C0];
	_ =	sdelay $0x5  }
0x95: {  	[tilespmem:$0x3B0] =	vst v21  }
0x96: {  	v60 =	vld.idx.msk [tilespmem:v18+s21+$0x0], $0xffff  }
0x97: {  	v21 =	vld.idx.msk [tilespmem:v19+s21+$0x0], $0xffff;
	_ =	sdelay $0x3  }
0x98: {  	vm8 =	vgt.f32 v60, $0.0e+00  }
0x99: {  	vm9 =	vgt.f32 v21, $0.0e+00;
	v19 =	vnsel vm8, $0x2710, v19  }
0x9a: {  	v18 =	vnsel vm9, $0x2710, v18;
	[tilespmem:v10+s24+$0x0] =	vst.idx.msk $0xffff, v19  }
0x9b: {  	[tilespmem:v11+s24+$0x0] =	vst.idx.msk $0xffff, v18  }
0x9c: {  	v18 =	vld [tilespmem:$0x350]  }
0x9d: {  	v19 =	vld [tilespmem:$0x2D0];
	_ =	sdelay $0x5  }
0x9e: {  	[tilespmem:$0x3C0] =	vst v21  }
0x9f: {  	v61 =	vld.idx.msk [tilespmem:v18+s21+$0x0], $0xffff  }
0xa0: {  	v21 =	vld.idx.msk [tilespmem:v19+s21+$0x0], $0xffff;
	_ =	sdelay $0x3  }
0xa1: {  	vm10 =	vgt.f32 v61, $0.0e+00  }
0xa2: {  	vm11 =	vgt.f32 v21, $0.0e+00;
	v19 =	vnsel vm10, $0x2710, v19  }
0xa3: {  	v18 =	vnsel vm11, $0x2710, v18;
	[tilespmem:v12+s24+$0x0] =	vst.idx.msk $0xffff, v19  }
0xa4: {  	[tilespmem:v13+s24+$0x0] =	vst.idx.msk $0xffff, v18  }
0xa5: {  	v18 =	vld [tilespmem:$0x360]  }
0xa6: {  	v19 =	vld [tilespmem:$0x2E0];
	_ =	sdelay $0x5  }
0xa7: {  	[tilespmem:$0x3D0] =	vst v21  }
0xa8: {  	v62 =	vld.idx.msk [tilespmem:v18+s21+$0x0], $0xffff  }
0xa9: {  	v21 =	vld.idx.msk [tilespmem:v19+s21+$0x0], $0xffff;
	_ =	sdelay $0x3  }
0xaa: {  	vm12 =	vgt.f32 v62, $0.0e+00  }
0xab: {  	vm13 =	vgt.f32 v21, $0.0e+00;
	v19 =	vnsel vm12, $0x2710, v19  }
0xac: {  	v18 =	vnsel vm13, $0x2710, v18;
	[tilespmem:v14+s24+$0x0] =	vst.idx.msk $0xffff, v19  }
0xad: {  	[tilespmem:v15+s24+$0x0] =	vst.idx.msk $0xffff, v18  }
0xae: {  	v18 =	vld [tilespmem:$0x370]  }
0xaf: {  	v19 =	vld [tilespmem:$0x2F0];
	_ =	sdelay $0x5  }
0xb0: {  	[tilespmem:$0x3E0] =	vst v21  }
0xb1: {  	v63 =	vld.idx.msk [tilespmem:v18+s21+$0x0], $0xffff  }
0xb2: {  	v21 =	vld.idx.msk [tilespmem:v19+s21+$0x0], $0xffff;
	_ =	sdelay $0x3  }
0xb3: {  	vm14 =	vgt.f32 v63, $0.0e+00  }
0xb4: {  	vm15 =	vgt.f32 v21, $0.0e+00;
	v19 =	vnsel vm14, $0x2710, v19  }
0xb5: {  	v18 =	vnsel vm15, $0x2710, v18;
	[tilespmem:v16+s24+$0x0] =	vst.idx.msk $0xffff, v19  }
0xb6: {  	[tilespmem:v17+s24+$0x0] =	vst.idx.msk $0xffff, v18  }
0xb7: {  	[tilespmem:$0x3F0] =	vst v21  }
0xb8: {  	[hbm4b:s30+s4] =	stream.linear.scatter [tilespmem:s24], [sflag:$0x1], $0x100, $0x38;
	[tilespmem:$0x3480] =	vst v63  }
0xb9: {  	_ =	swait.ge [sflag:s16], $0x100  }
0xba: {  	p1 =	sne.s32 s31, $0x270;
	[sflag:s16] =	ssyncset.done $0x0  }
.Ltmp0:
0xbb: {  	[sflag:s16] =	ssyncadd.s32 $0xFFFFFF00;
	(pc) =	sbr.rel @p1 .LBB2_2-.Ltmp0, $4  }
0xbc: {  	[spmem:s3] =	stream.indirect.scatter.add.f32 [tilespmem:s25], [sflag:$0x1], $0x1, s23, s17, $0xb8;
	[tilespmem:$0x3480] =	vst v63  }
0xbd: {  	_ =	swait.ge [sflag:s16], $0x80  }
0xbe: {  	[sflag:s16] =	ssyncset.done $0x0  }
0xbf: {  	s31 =	sadd.s32 $0x10, s31;
	s30 =	sadd.s32 $0x20, s30;
	[sflag:s16] =	ssyncadd.s32 $0xFFFFFF80  }
0xc0: {  	s1 =	sshll.u32 @!p0 s0, $0x6  }
0xc1: {  	[bflag:$0x0] =	sbarrier.arrive $0xFFFF;
	s30 =	sshrl.u32 @!p0 s6, $0x3;
	s1 =	sor.u32 @!p0 $0x1C01, s1  }
0xc2: {  	[hbm:s9], [sflag:s1] =	dma.local @!p0 [spmem:s30], $0x50  }
0xc3: {  	s1 =	simm.s32 @!p0 $0x1  }
0xc4: {  	s29 =	sadd.s32 $0x1, s29;
	_ =	swait.ge @!p0 [sflag:s1], $0x50  }
0xc5: {  	s31 =	sshrl.u32 s7, $0x3;
	p1 =	sne.s32 s29, s11;
	[sflag:s1] =	ssyncset.done @!p0 $0x0  }
.Ltmp1:
0xc6: {  	[sflag:s1] =	ssyncadd.s32 @!p0 $0xFFFFFFB0;
	s1 =	sor.u32 $0x1C01, s5;
	(pc) =	sbr.rel @p1 .LBB2_1-.Ltmp1, $4  }
0xc7: {  	[hbm:s10@s26], [sflag:s1] =	dma.strided [spmem:s31@s28], $0x50, s16, $0x10   }
0xc8: {  	_ =	swait.ge [sflag:s16], $0x50  }
0xc9: {  	[sflag:s16] =	ssyncset.done $0x0  }
0xca: {  	[sflag:s16] =	ssyncadd.s32 $0xFFFFFFB0  }
0xcb: {  	_ =	sfence.sel $0x180000  }
0xcc: {  	[bflag:$0x0] =	sbarrier.arrive $0xFFFF  }
0xcd: {  	_ =	strace $0x90000047  }
0xce: {  	[bflag:$0x2] =	sbarrier.arrive $0xFFFF  }
0xcf: {  	p0 =	sne.s32 s0, $0x0;
	s0 =	rddreg [dreg:$0x4]  }
0xd0: {  	s0 =	sadd.s32 @!p0 $0x100000, s0  }
0xd1: {  	[sflag:s0] =	ssyncadd.tile.s32 @!p0 $0x1;
	_ =	shalt  }
.Lfunc_end2:
_tile_overlayer_lowered:
.L_overlay_start_2:
0xd2: {  	(tag) =	ssettag $0x2  }
0xd3: {  	s0 =	rddreg [dreg:$0x0];
	s2 =	stileid.u32  }
0xd4: {  	s1 =	rddreg [dreg:$0x1];
	p0 =	sne.s32 s2, $0x0  }
0xd5: {  	s3 =	rddreg [dreg:$0x2];
	[bflag:$0x3] =	sbarrier.arrive $0xFFFF;
	s2 =	simm.s32 @!p0 $0x1C01  }
0xd6: {  	[timem:s3], [sflag:s2] =	dma.local @!p0 [hbm:s0], s1  }
0xd7: {  	s0 =	simm.s32 @!p0 $0x1  }
0xd8: {  	_ =	swait.ge @!p0 [sflag:s0], s1  }
0xd9: {  	s1 =	ssub.s32 @!p0 $0x0, s1;
	[sflag:s0] =	ssyncset.done @!p0 $0x0  }
0xda: {  	[sflag:s0] =	ssyncadd.s32 @!p0 s1  }
0xdb: {  	[bflag:$0x3] =	sbarrier.arrive $0xFFFF  }
0xdc: {  	_ =	shalt  }

</sc_bundles>
